<compile_context>
chip_gen: v7x
topology: tpu7x:2x2x1
jax: 0.10.2.dev20260603
libtpu: 0.0.44.dev20260713+nightly
codegen_flags: <defaults>
</compile_context>

<pallas_src>
import functools

import jax
import jax.numpy as jnp
from jax import lax
from jax.experimental import pallas as pl
from jax.experimental.pallas import tpu as pltpu
from jax.experimental.pallas import tpu_sc as plsc

_CPB = 2
_SPB = 4


def _sc_partial_sums(out3d, n_workers):
    B, G, A = out3d.shape
    w_per_b = n_workers // B
    rows_per_w = G // w_per_b
    info = plsc.get_sparse_core_info()
    NC = info.num_cores
    L = info.num_lanes
    mesh = plsc.VectorSubcoreMesh(core_axis_name="c", subcore_axis_name="s")

    @functools.partial(
        pl.kernel,
        mesh=mesh,
        out_type=jax.ShapeDtypeStruct((n_workers, A), jnp.float32),
        scratch_types=[
            pltpu.VMEM((rows_per_w, A), jnp.float32),
            pltpu.VMEM((A,), jnp.float32),
        ],
    )
    def k(in_hbm, out_hbm, buf, stg):
        wid = lax.axis_index("s") * NC + lax.axis_index("c")
        b = wid // w_per_b
        base = (wid % w_per_b) * rows_per_w
        pltpu.sync_copy(in_hbm.at[b, pl.ds(base, rows_per_w)], buf)

        nlc = A // L

        def body(r, accs):
            return tuple(accs[c] + buf[r, pl.ds(c * L, L)] for c in range(nlc))

        accs = lax.fori_loop(
            0, rows_per_w, body,
            tuple(jnp.zeros((L,), jnp.float32) for _ in range(nlc)),
            unroll=8)
        for c in range(nlc):
            stg[pl.ds(c * L, L)] = accs[c]
        pltpu.sync_copy(stg, out_hbm.at[wid])

    return k(out3d)


def _tc_body(in_hbm, ps_ref, idx_ref, w2_ref, b2_ref, w3_ref, b3_ref, o_hbm,
             obuf, sin, sout, vbuf):
    B, G, A = in_hbm.shape
    NW = ps_ref.shape[0]
    rh = G // _CPB

    def in_copy(b, j):
        return pltpu.make_async_copy(
            in_hbm.at[b, pl.ds(j * rh, rh)],
            vbuf.at[b, pl.ds(j * rh, rh)],
            sin.at[b * _CPB + j])

    for b in range(B):
        for j in range(_CPB):
            in_copy(b, j).start()

    per_b = NW // B
    iw = lax.broadcasted_iota(jnp.int32, (B, NW), 1) // per_b
    ib = lax.broadcasted_iota(jnp.int32, (B, NW), 0)
    red = (iw == ib).astype(jnp.float32)
    s = jax.lax.dot_general(
        red, ps_ref[...], (((1,), (0,)), ((), ())),
        preferred_element_type=jnp.float32)

    b2r = jnp.reshape(b2_ref[...], (1, A))
    b3r = jnp.reshape(b3_ref[...], (1, A))
    m = jax.lax.dot_general(
        s, w2_ref[...], (((1,), (0,)), ((), ())),
        preferred_element_type=jnp.float32) + b2r
    t3b = jax.lax.dot_general(
        m, w3_ref[...], (((1,), (0,)), ((), ())),
        preferred_element_type=jnp.float32) + b3r

    idxb = lax.broadcast_in_dim(idx_ref[...], (B, G), (1,))
    iota = lax.broadcasted_iota(jnp.int32, (B, G), 0)
    onehot_t = (idxb == iota).astype(jnp.float32)
    msg = jax.lax.dot_general(
        onehot_t, t3b, (((0,), (0,)), ((), ())),
        preferred_element_type=jnp.float32)

    sh = G // _SPB

    def out_copy(b, j):
        return pltpu.make_async_copy(
            obuf.at[b, pl.ds(j * sh, sh)],
            o_hbm.at[b, pl.ds(j * sh, sh)],
            sout.at[b * _SPB + j])

    for b in range(B):
        for j in range(_CPB):
            in_copy(b, j).wait()
        for j in range(_SPB):
            sl = pl.ds(j * sh, sh)
            obuf[b, sl] = jax.lax.dot_general(
                vbuf[b, sl], w3_ref[...], (((1,), (0,)), ((), ())),
                preferred_element_type=jnp.float32) + msg[j * sh:(j + 1) * sh]
            out_copy(b, j).start()
    for b in range(B):
        for j in range(_SPB):
            out_copy(b, j).wait()


def kernel(out, coords_neighbors_idx, n_batch, n_grid, n_ao, W2, b2, W3, b3):
    B, G, A = out.shape
    idx32 = coords_neighbors_idx.astype(jnp.int32)
    NW = 32
    partials = _sc_partial_sums(out, NW)
    return pl.pallas_call(
        _tc_body,
        in_specs=[
            pl.BlockSpec(memory_space=pltpu.MemorySpace.HBM),
            pl.BlockSpec(memory_space=pltpu.MemorySpace.VMEM),
            pl.BlockSpec(memory_space=pltpu.MemorySpace.VMEM),
            pl.BlockSpec(memory_space=pltpu.MemorySpace.VMEM),
            pl.BlockSpec(memory_space=pltpu.MemorySpace.VMEM),
            pl.BlockSpec(memory_space=pltpu.MemorySpace.VMEM),
            pl.BlockSpec(memory_space=pltpu.MemorySpace.VMEM),
        ],
        out_specs=pl.BlockSpec(memory_space=pltpu.MemorySpace.HBM),
        out_shape=jax.ShapeDtypeStruct((B, G, A), jnp.float32),
        scratch_shapes=[
            pltpu.VMEM((B, G, A), jnp.float32),
            pltpu.SemaphoreType.DMA((B * _CPB,)),
            pltpu.SemaphoreType.DMA((B * _SPB,)),
            pltpu.VMEM((B, G, A), jnp.float32),
        ],
    )(out, partials, idx32, W2, b2, W3, b3)

# --- scband reference (transcript-rebuilt; emitter-appended) ---
"""Pipeline reference for scband-interaction-block-5016521802056 (READ-ONLY COPY).

The authoritative reference and input builder live on the scoring server;
editing this copy changes nothing except your own understanding.
"""

import jax, jax.numpy as jnp
import numpy as np


def setup_inputs(seed: int = 0) -> dict:
    key = jax.random.key(seed)
    k1, k2, k3, k4 = jax.random.split(key, 4)
    n_batch, n_grid, n_ao = 8, 1024, 64
    out = jax.random.normal(k1, (n_batch, n_grid, n_ao), dtype=jnp.float32)
    coords_neighbors_idx = jax.random.randint(k2, (n_grid,), 0, n_batch).astype(jnp.int64)
    # Parameters of CustomDenseLayer dense_2 and dense_3 (dense_1 is unused in call).
    # Each maps n_ao -> ao_vals (= n_ao), linear (activation=None).
    W2 = jax.random.normal(k3, (n_ao, n_ao), dtype=jnp.float32) * 0.05
    b2 = jnp.zeros((n_ao,), dtype=jnp.float32)
    W3 = jax.random.normal(k4, (n_ao, n_ao), dtype=jnp.float32) * 0.05
    b3 = jnp.zeros((n_ao,), dtype=jnp.float32)
    return {
        "out": out,
        "coords_neighbors_idx": coords_neighbors_idx,
        "n_batch": n_batch,
        "n_grid": n_grid,
        "n_ao": n_ao,
        "W2": W2,
        "b2": b2,
        "W3": W3,
        "b3": b3,
    }


def reference(out, coords_neighbors_idx, n_batch, n_grid, n_ao, W2, b2, W3, b3):
    # shapes re-derived from tensor, mirroring the original call
    B, G, A = out.shape
    out_transformed = out
    # out_dummy = zeros[(B, G+1, A)]; out_dummy[:, :G, :] = out  (padding row at index G)
    out_dummy = jnp.zeros((B, G + 1, A), dtype=out.dtype).at[:, :G, :].set(out_transformed)
    # tf.gather(out_dummy, coords_neighbors_idx) -> gather along axis 0
    messages = jnp.take(out_dummy, coords_neighbors_idx, axis=0)  # [G, G+1, A]
    messages = jnp.sum(messages, axis=-2)  # [G, A]
    # dense_2 (linear)
    messages = messages @ W2 + b2  # [G, A]
    # residual add with broadcast over batch
    o = out_transformed + messages  # [B, G, A]
    # dense_3 (linear)
    o = o @ W3 + b3
    return o

if __name__ == "__main__":
    import jax
    _d = setup_inputs()
    print(jax.jit(kernel)(*tuple(_d.values())))

</pallas_src>

<mosaic_0001>
#map = affine_map<(d0, d1) -> (0, 0, 0)>
#map1 = affine_map<(d0, d1) -> (0, 0)>
module attributes {stable_mosaic.version = 14 : i64} {
  func.func @k(%arg0: i32, %arg1: i32, %arg2: memref<8x1024x64xf32, #tpu.memory_space<hbm>>, %arg3: memref<32x64xf32, #tpu.memory_space<hbm>>, %arg4: memref<256x64xf32, #tpu.memory_space<vmem>>, %arg5: memref<64xf32, #tpu.memory_space<vmem>>) attributes {dimension_semantics = [#tpu.dimension_semantics<core_parallel>, #tpu.dimension_semantics<subcore_parallel>], iteration_bounds = array<i64: 2, 16>, scalar_prefetch = 0 : i64, scratch_operands = 2 : i64, tpu.core_type = #tpu.core_type<sc_vector_subcore>, window_params = [{transform_indices = #map}, {transform_indices = #map1}]} {
    %mul3A = arith.constant 2 : i32
    %mul3A_0 = arith.muli %arg1, %mul3A : i32
    %add3A = arith.addi %mul3A_0, %arg0 : i32
    %jit3A = arith.constant 4 : i32
    %div3A = arith.divsi %add3A, %jit3A : i32
    %sign3A = arith.constant 0 : i32
    %sign3A_1 = arith.cmpi sgt, %add3A, %sign3A : i32
    %sign3A_2 = arith.extui %sign3A_1 : i1 to i32
    %sign3A_3 = arith.constant 0 : i32
    %sign3A_4 = arith.cmpi slt, %add3A, %sign3A_3 : i32
    %sign3A_5 = arith.extui %sign3A_4 : i1 to i32
    %sign3A_6 = arith.subi %sign3A_2, %sign3A_5 : i32
    %sign3A_7 = arith.constant 0 : i32
    %sign3A_8 = arith.cmpi sgt, %jit3A, %sign3A_7 : i32
    %sign3A_9 = arith.extui %sign3A_8 : i1 to i32
    %sign3A_10 = arith.constant 0 : i32
    %sign3A_11 = arith.cmpi slt, %jit3A, %sign3A_10 : i32
    %sign3A_12 = arith.extui %sign3A_11 : i1 to i32
    %sign3A_13 = arith.subi %sign3A_9, %sign3A_12 : i32
    %ne3A = arith.cmpi ne, %sign3A_6, %sign3A_13 : i32
    %rem3A = arith.remsi %add3A, %jit3A : i32
    %ne3A_14 = arith.constant 0 : i32
    %ne3A_15 = arith.cmpi ne, %rem3A, %ne3A_14 : i32
    %and3A = arith.andi %ne3A, %ne3A_15 : i1
    %sub3A = arith.constant 1 : i32
    %sub3A_16 = arith.subi %div3A, %sub3A : i32
    %select_n3A = arith.select %and3A, %sub3A_16, %div3A : i32
    %jit3A_17 = arith.constant 4 : i32
    %eq3A = arith.constant 0 : i32
    %eq3A_18 = arith.cmpi eq, %jit3A_17, %eq3A : i32
    %jit3A_19 = arith.constant 1 : i32
    %select_n3A_20 = arith.select %eq3A_18, %jit3A_19, %jit3A_17 : i32
    %rem3A_21 = arith.remsi %add3A, %select_n3A_20 : i32
    %ne3A_22 = arith.constant 0 : i32
    %ne3A_23 = arith.cmpi ne, %rem3A_21, %ne3A_22 : i32
    %lt3A = arith.constant 0 : i32
    %lt3A_24 = arith.cmpi slt, %rem3A_21, %lt3A : i32
    %lt3A_25 = arith.constant 0 : i32
    %lt3A_26 = arith.cmpi slt, %select_n3A_20, %lt3A_25 : i32
    %ne3A_27 = arith.xori %lt3A_24, %lt3A_26 : i1
    %and3A_28 = arith.andi %ne3A_27, %ne3A_23 : i1
    %add3A_29 = arith.addi %rem3A_21, %select_n3A_20 : i32
    %select_n3A_30 = arith.select %and3A_28, %add3A_29, %rem3A_21 : i32
    %mul3A_31 = arith.constant 256 : i32
    %mul3A_32 = arith.muli %select_n3A_30, %mul3A_31 : i32
    "tpu.region"() ({
      %run_scoped3A = tpu.sem_alloc : memref<!tpu.dma_semaphore, #tpu.memory_space<semaphore_mem>>
      %dma_start3A = arith.constant 0 : i32
      %dma_start3A_60 = tpu.memref_slice %arg2[%select_n3A, %mul3A_32, %dma_start3A] : memref<8x1024x64xf32, #tpu.memory_space<hbm>> -> memref<1x256x64xf32, #tpu.memory_space<hbm>>
      %dma_start3A_61 = tpu.memref_squeeze %dma_start3A_60 : memref<1x256x64xf32, #tpu.memory_space<hbm>> -> memref<256x64xf32, #tpu.memory_space<hbm>>
      %dma_start3A_62 = arith.constant 0 : i32
      %dma_start3A_63 = tpu.memref_slice %arg2[%select_n3A, %mul3A_32, %dma_start3A_62] : memref<8x1024x64xf32, #tpu.memory_space<hbm>> -> memref<1x256x64xf32, #tpu.memory_space<hbm>>
      %dma_start3A_64 = tpu.memref_squeeze %dma_start3A_63 : memref<1x256x64xf32, #tpu.memory_space<hbm>> -> memref<256x64xf32, #tpu.memory_space<hbm>>
      tpu.enqueue_dma source(%dma_start3A_64 : memref<256x64xf32, #tpu.memory_space<hbm>>) target(%arg4 : memref<256x64xf32, #tpu.memory_space<vmem>>) target_semaphore(%run_scoped3A : memref<!tpu.dma_semaphore, #tpu.memory_space<semaphore_mem>>)
      %dma_wait3A = arith.constant 0 : i32
      %dma_wait3A_65 = tpu.memref_slice %arg2[%select_n3A, %mul3A_32, %dma_wait3A] : memref<8x1024x64xf32, #tpu.memory_space<hbm>> -> memref<1x256x64xf32, #tpu.memory_space<hbm>>
      %dma_wait3A_66 = tpu.memref_squeeze %dma_wait3A_65 : memref<1x256x64xf32, #tpu.memory_space<hbm>> -> memref<256x64xf32, #tpu.memory_space<hbm>>
      %dma_wait3A_67 = arith.constant 0 : i32
      %dma_wait3A_68 = tpu.memref_slice %arg2[%select_n3A, %mul3A_32, %dma_wait3A_67] : memref<8x1024x64xf32, #tpu.memory_space<hbm>> -> memref<1x256x64xf32, #tpu.memory_space<hbm>>
      %dma_wait3A_69 = tpu.memref_squeeze %dma_wait3A_68 : memref<1x256x64xf32, #tpu.memory_space<hbm>> -> memref<256x64xf32, #tpu.memory_space<hbm>>
      tpu.wait_dma2 semaphore(%run_scoped3A : memref<!tpu.dma_semaphore, #tpu.memory_space<semaphore_mem>>) src(%dma_wait3A_69 : memref<256x64xf32, #tpu.memory_space<hbm>>) dst(%arg4 : memref<256x64xf32, #tpu.memory_space<vmem>>)
      tpu.yield
    }) : () -> ()
    %broadcast_in_dim3A = arith.constant 0.000000e+00 : f32
    %broadcast_in_dim3A_33 = vector.broadcast %broadcast_in_dim3A : f32 to vector<16xf32>
    %broadcast_in_dim3A_34 = arith.constant 0.000000e+00 : f32
    %broadcast_in_dim3A_35 = vector.broadcast %broadcast_in_dim3A_34 : f32 to vector<16xf32>
    %broadcast_in_dim3A_36 = arith.constant 0.000000e+00 : f32
    %broadcast_in_dim3A_37 = vector.broadcast %broadcast_in_dim3A_36 : f32 to vector<16xf32>
    %broadcast_in_dim3A_38 = arith.constant 0.000000e+00 : f32
    %broadcast_in_dim3A_39 = vector.broadcast %broadcast_in_dim3A_38 : f32 to vector<16xf32>
    %scan3A = arith.constant 0 : i32
    %scan3A_40 = arith.constant 256 : i32
    %scan3A_41 = arith.addi %scan3A, %scan3A_40 : i32
    %scan3A_42 = arith.constant 8 : i32
    %scan3A_43:4 = scf.for %scan3A_60 = %scan3A to %scan3A_41 step %scan3A_42 iter_args(%scan3A_61 = %broadcast_in_dim3A_33, %scan3A_62 = %broadcast_in_dim3A_35, %scan3A_63 = %broadcast_in_dim3A_37, %scan3A_64 = %broadcast_in_dim3A_39) -> (vector<16xf32>, vector<16xf32>, vector<16xf32>, vector<16xf32>)  : i32 {
      %get3A = arith.index_cast %scan3A_60 : i32 to index
      %get3A_65 = arith.constant 0 : index
      %get3A_66 = tpu.vector_load %arg4[%get3A, %get3A_65] {strides = array<i32>} : memref<256x64xf32, #tpu.memory_space<vmem>>, vector<1x16xf32>,
      %get3A_67 = vector.shape_cast %get3A_66 : vector<1x16xf32> to vector<16xf32>
      %add3A_68 = arith.addf %scan3A_61, %get3A_67 : vector<16xf32>
      %get3A_69 = arith.index_cast %scan3A_60 : i32 to index
      %get3A_70 = arith.constant 16 : index
      %get3A_71 = tpu.vector_load %arg4[%get3A_69, %get3A_70] {strides = array<i32>} : memref<256x64xf32, #tpu.memory_space<vmem>>, vector<1x16xf32>,
      %get3A_72 = vector.shape_cast %get3A_71 : vector<1x16xf32> to vector<16xf32>
      %add3A_73 = arith.addf %scan3A_62, %get3A_72 : vector<16xf32>
      %get3A_74 = arith.index_cast %scan3A_60 : i32 to index
      %get3A_75 = arith.constant 32 : index
      %get3A_76 = tpu.vector_load %arg4[%get3A_74, %get3A_75] {strides = array<i32>} : memref<256x64xf32, #tpu.memory_space<vmem>>, vector<1x16xf32>,
      %get3A_77 = vector.shape_cast %get3A_76 : vector<1x16xf32> to vector<16xf32>
      %add3A_78 = arith.addf %scan3A_63, %get3A_77 : vector<16xf32>
      %get3A_79 = arith.index_cast %scan3A_60 : i32 to index
      %get3A_80 = arith.constant 48 : index
      %get3A_81 = tpu.vector_load %arg4[%get3A_79, %get3A_80] {strides = array<i32>} : memref<256x64xf32, #tpu.memory_space<vmem>>, vector<1x16xf32>,
      %get3A_82 = vector.shape_cast %get3A_81 : vector<1x16xf32> to vector<16xf32>
      %add3A_83 = arith.addf %scan3A_64, %get3A_82 : vector<16xf32>
      %scan3A_84 = arith.constant 1 : i32
      %scan3A_85 = arith.addi %scan3A_60, %scan3A_84 : i32
      %get3A_86 = arith.index_cast %scan3A_85 : i32 to index
      %get3A_87 = arith.constant 0 : index
      %get3A_88 = tpu.vector_load %arg4[%get3A_86, %get3A_87] {strides = array<i32>} : memref<256x64xf32, #tpu.memory_space<vmem>>, vector<1x16xf32>,
      %get3A_89 = vector.shape_cast %get3A_88 : vector<1x16xf32> to vector<16xf32>
      %add3A_90 = arith.addf %add3A_68, %get3A_89 : vector<16xf32>
      %get3A_91 = arith.index_cast %scan3A_85 : i32 to index
      %get3A_92 = arith.constant 16 : index
      %get3A_93 = tpu.vector_load %arg4[%get3A_91, %get3A_92] {strides = array<i32>} : memref<256x64xf32, #tpu.memory_space<vmem>>, vector<1x16xf32>,
      %get3A_94 = vector.shape_cast %get3A_93 : vector<1x16xf32> to vector<16xf32>
      %add3A_95 = arith.addf %add3A_73, %get3A_94 : vector<16xf32>
      %get3A_96 = arith.index_cast %scan3A_85 : i32 to index
      %get3A_97 = arith.constant 32 : index
      %get3A_98 = tpu.vector_load %arg4[%get3A_96, %get3A_97] {strides = array<i32>} : memref<256x64xf32, #tpu.memory_space<vmem>>, vector<1x16xf32>,
      %get3A_99 = vector.shape_cast %get3A_98 : vector<1x16xf32> to vector<16xf32>
      %add3A_100 = arith.addf %add3A_78, %get3A_99 : vector<16xf32>
      %get3A_101 = arith.index_cast %scan3A_85 : i32 to index
      %get3A_102 = arith.constant 48 : index
      %get3A_103 = tpu.vector_load %arg4[%get3A_101, %get3A_102] {strides = array<i32>} : memref<256x64xf32, #tpu.memory_space<vmem>>, vector<1x16xf32>,
      %get3A_104 = vector.shape_cast %get3A_103 : vector<1x16xf32> to vector<16xf32>
      %add3A_105 = arith.addf %add3A_83, %get3A_104 : vector<16xf32>
      %scan3A_106 = arith.constant 2 : i32
      %scan3A_107 = arith.addi %scan3A_60, %scan3A_106 : i32
      %get3A_108 = arith.index_cast %scan3A_107 : i32 to index
      %get3A_109 = arith.constant 0 : index
      %get3A_110 = tpu.vector_load %arg4[%get3A_108, %get3A_109] {strides = array<i32>} : memref<256x64xf32, #tpu.memory_space<vmem>>, vector<1x16xf32>,
      %get3A_111 = vector.shape_cast %get3A_110 : vector<1x16xf32> to vector<16xf32>
      %add3A_112 = arith.addf %add3A_90, %get3A_111 : vector<16xf32>
      %get3A_113 = arith.index_cast %scan3A_107 : i32 to index
      %get3A_114 = arith.constant 16 : index
      %get3A_115 = tpu.vector_load %arg4[%get3A_113, %get3A_114] {strides = array<i32>} : memref<256x64xf32, #tpu.memory_space<vmem>>, vector<1x16xf32>,
      %get3A_116 = vector.shape_cast %get3A_115 : vector<1x16xf32> to vector<16xf32>
      %add3A_117 = arith.addf %add3A_95, %get3A_116 : vector<16xf32>
      %get3A_118 = arith.index_cast %scan3A_107 : i32 to index
      %get3A_119 = arith.constant 32 : index
      %get3A_120 = tpu.vector_load %arg4[%get3A_118, %get3A_119] {strides = array<i32>} : memref<256x64xf32, #tpu.memory_space<vmem>>, vector<1x16xf32>,
      %get3A_121 = vector.shape_cast %get3A_120 : vector<1x16xf32> to vector<16xf32>
      %add3A_122 = arith.addf %add3A_100, %get3A_121 : vector<16xf32>
      %get3A_123 = arith.index_cast %scan3A_107 : i32 to index
      %get3A_124 = arith.constant 48 : index
      %get3A_125 = tpu.vector_load %arg4[%get3A_123, %get3A_124] {strides = array<i32>} : memref<256x64xf32, #tpu.memory_space<vmem>>, vector<1x16xf32>,
      %get3A_126 = vector.shape_cast %get3A_125 : vector<1x16xf32> to vector<16xf32>
      %add3A_127 = arith.addf %add3A_105, %get3A_126 : vector<16xf32>
      %scan3A_128 = arith.constant 3 : i32
      %scan3A_129 = arith.addi %scan3A_60, %scan3A_128 : i32
      %get3A_130 = arith.index_cast %scan3A_129 : i32 to index
      %get3A_131 = arith.constant 0 : index
      %get3A_132 = tpu.vector_load %arg4[%get3A_130, %get3A_131] {strides = array<i32>} : memref<256x64xf32, #tpu.memory_space<vmem>>, vector<1x16xf32>,
      %get3A_133 = vector.shape_cast %get3A_132 : vector<1x16xf32> to vector<16xf32>
      %add3A_134 = arith.addf %add3A_112, %get3A_133 : vector<16xf32>
      %get3A_135 = arith.index_cast %scan3A_129 : i32 to index
      %get3A_136 = arith.constant 16 : index
      %get3A_137 = tpu.vector_load %arg4[%get3A_135, %get3A_136] {strides = array<i32>} : memref<256x64xf32, #tpu.memory_space<vmem>>, vector<1x16xf32>,
      %get3A_138 = vector.shape_cast %get3A_137 : vector<1x16xf32> to vector<16xf32>
      %add3A_139 = arith.addf %add3A_117, %get3A_138 : vector<16xf32>
      %get3A_140 = arith.index_cast %scan3A_129 : i32 to index
      %get3A_141 = arith.constant 32 : index
      %get3A_142 = tpu.vector_load %arg4[%get3A_140, %get3A_141] {strides = array<i32>} : memref<256x64xf32, #tpu.memory_space<vmem>>, vector<1x16xf32>,
      %get3A_143 = vector.shape_cast %get3A_142 : vector<1x16xf32> to vector<16xf32>
      %add3A_144 = arith.addf %add3A_122, %get3A_143 : vector<16xf32>
      %get3A_145 = arith.index_cast %scan3A_129 : i32 to index
      %get3A_146 = arith.constant 48 : index
      %get3A_147 = tpu.vector_load %arg4[%get3A_145, %get3A_146] {strides = array<i32>} : memref<256x64xf32, #tpu.memory_space<vmem>>, vector<1x16xf32>,
      %get3A_148 = vector.shape_cast %get3A_147 : vector<1x16xf32> to vector<16xf32>
      %add3A_149 = arith.addf %add3A_127, %get3A_148 : vector<16xf32>
      %scan3A_150 = arith.constant 4 : i32
      %scan3A_151 = arith.addi %scan3A_60, %scan3A_150 : i32
      %get3A_152 = arith.index_cast %scan3A_151 : i32 to index
      %get3A_153 = arith.constant 0 : index
      %get3A_154 = tpu.vector_load %arg4[%get3A_152, %get3A_153] {strides = array<i32>} : memref<256x64xf32, #tpu.memory_space<vmem>>, vector<1x16xf32>,
      %get3A_155 = vector.shape_cast %get3A_154 : vector<1x16xf32> to vector<16xf32>
      %add3A_156 = arith.addf %add3A_134, %get3A_155 : vector<16xf32>
      %get3A_157 = arith.index_cast %scan3A_151 : i32 to index
      %get3A_158 = arith.constant 16 : index
      %get3A_159 = tpu.vector_load %arg4[%get3A_157, %get3A_158] {strides = array<i32>} : memref<256x64xf32, #tpu.memory_space<vmem>>, vector<1x16xf32>,
      %get3A_160 = vector.shape_cast %get3A_159 : vector<1x16xf32> to vector<16xf32>
      %add3A_161 = arith.addf %add3A_139, %get3A_160 : vector<16xf32>
      %get3A_162 = arith.index_cast %scan3A_151 : i32 to index
      %get3A_163 = arith.constant 32 : index
      %get3A_164 = tpu.vector_load %arg4[%get3A_162, %get3A_163] {strides = array<i32>} : memref<256x64xf32, #tpu.memory_space<vmem>>, vector<1x16xf32>,
      %get3A_165 = vector.shape_cast %get3A_164 : vector<1x16xf32> to vector<16xf32>
      %add3A_166 = arith.addf %add3A_144, %get3A_165 : vector<16xf32>
      %get3A_167 = arith.index_cast %scan3A_151 : i32 to index
      %get3A_168 = arith.constant 48 : index
      %get3A_169 = tpu.vector_load %arg4[%get3A_167, %get3A_168] {strides = array<i32>} : memref<256x64xf32, #tpu.memory_space<vmem>>, vector<1x16xf32>,
      %get3A_170 = vector.shape_cast %get3A_169 : vector<1x16xf32> to vector<16xf32>
      %add3A_171 = arith.addf %add3A_149, %get3A_170 : vector<16xf32>
      %scan3A_172 = arith.constant 5 : i32
      %scan3A_173 = arith.addi %scan3A_60, %scan3A_172 : i32
      %get3A_174 = arith.index_cast %scan3A_173 : i32 to index
      %get3A_175 = arith.constant 0 : index
      %get3A_176 = tpu.vector_load %arg4[%get3A_174, %get3A_175] {strides = array<i32>} : memref<256x64xf32, #tpu.memory_space<vmem>>, vector<1x16xf32>,
      %get3A_177 = vector.shape_cast %get3A_176 : vector<1x16xf32> to vector<16xf32>
      %add3A_178 = arith.addf %add3A_156, %get3A_177 : vector<16xf32>
      %get3A_179 = arith.index_cast %scan3A_173 : i32 to index
      %get3A_180 = arith.constant 16 : index
      %get3A_181 = tpu.vector_load %arg4[%get3A_179, %get3A_180] {strides = array<i32>} : memref<256x64xf32, #tpu.memory_space<vmem>>, vector<1x16xf32>,
      %get3A_182 = vector.shape_cast %get3A_181 : vector<1x16xf32> to vector<16xf32>
      %add3A_183 = arith.addf %add3A_161, %get3A_182 : vector<16xf32>
      %get3A_184 = arith.index_cast %scan3A_173 : i32 to index
      %get3A_185 = arith.constant 32 : index
      %get3A_186 = tpu.vector_load %arg4[%get3A_184, %get3A_185] {strides = array<i32>} : memref<256x64xf32, #tpu.memory_space<vmem>>, vector<1x16xf32>,
      %get3A_187 = vector.shape_cast %get3A_186 : vector<1x16xf32> to vector<16xf32>
      %add3A_188 = arith.addf %add3A_166, %get3A_187 : vector<16xf32>
      %get3A_189 = arith.index_cast %scan3A_173 : i32 to index
      %get3A_190 = arith.constant 48 : index
      %get3A_191 = tpu.vector_load %arg4[%get3A_189, %get3A_190] {strides = array<i32>} : memref<256x64xf32, #tpu.memory_space<vmem>>, vector<1x16xf32>,
      %get3A_192 = vector.shape_cast %get3A_191 : vector<1x16xf32> to vector<16xf32>
      %add3A_193 = arith.addf %add3A_171, %get3A_192 : vector<16xf32>
      %scan3A_194 = arith.constant 6 : i32
      %scan3A_195 = arith.addi %scan3A_60, %scan3A_194 : i32
      %get3A_196 = arith.index_cast %scan3A_195 : i32 to index
      %get3A_197 = arith.constant 0 : index
      %get3A_198 = tpu.vector_load %arg4[%get3A_196, %get3A_197] {strides = array<i32>} : memref<256x64xf32, #tpu.memory_space<vmem>>, vector<1x16xf32>,
      %get3A_199 = vector.shape_cast %get3A_198 : vector<1x16xf32> to vector<16xf32>
      %add3A_200 = arith.addf %add3A_178, %get3A_199 : vector<16xf32>
      %get3A_201 = arith.index_cast %scan3A_195 : i32 to index
      %get3A_202 = arith.constant 16 : index
      %get3A_203 = tpu.vector_load %arg4[%get3A_201, %get3A_202] {strides = array<i32>} : memref<256x64xf32, #tpu.memory_space<vmem>>, vector<1x16xf32>,
      %get3A_204 = vector.shape_cast %get3A_203 : vector<1x16xf32> to vector<16xf32>
      %add3A_205 = arith.addf %add3A_183, %get3A_204 : vector<16xf32>
      %get3A_206 = arith.index_cast %scan3A_195 : i32 to index
      %get3A_207 = arith.constant 32 : index
      %get3A_208 = tpu.vector_load %arg4[%get3A_206, %get3A_207] {strides = array<i32>} : memref<256x64xf32, #tpu.memory_space<vmem>>, vector<1x16xf32>,
      %get3A_209 = vector.shape_cast %get3A_208 : vector<1x16xf32> to vector<16xf32>
      %add3A_210 = arith.addf %add3A_188, %get3A_209 : vector<16xf32>
      %get3A_211 = arith.index_cast %scan3A_195 : i32 to index
      %get3A_212 = arith.constant 48 : index
      %get3A_213 = tpu.vector_load %arg4[%get3A_211, %get3A_212] {strides = array<i32>} : memref<256x64xf32, #tpu.memory_space<vmem>>, vector<1x16xf32>,
      %get3A_214 = vector.shape_cast %get3A_213 : vector<1x16xf32> to vector<16xf32>
      %add3A_215 = arith.addf %add3A_193, %get3A_214 : vector<16xf32>
      %scan3A_216 = arith.constant 7 : i32
      %scan3A_217 = arith.addi %scan3A_60, %scan3A_216 : i32
      %get3A_218 = arith.index_cast %scan3A_217 : i32 to index
      %get3A_219 = arith.constant 0 : index
      %get3A_220 = tpu.vector_load %arg4[%get3A_218, %get3A_219] {strides = array<i32>} : memref<256x64xf32, #tpu.memory_space<vmem>>, vector<1x16xf32>,
      %get3A_221 = vector.shape_cast %get3A_220 : vector<1x16xf32> to vector<16xf32>
      %add3A_222 = arith.addf %add3A_200, %get3A_221 : vector<16xf32>
      %get3A_223 = arith.index_cast %scan3A_217 : i32 to index
      %get3A_224 = arith.constant 16 : index
      %get3A_225 = tpu.vector_load %arg4[%get3A_223, %get3A_224] {strides = array<i32>} : memref<256x64xf32, #tpu.memory_space<vmem>>, vector<1x16xf32>,
      %get3A_226 = vector.shape_cast %get3A_225 : vector<1x16xf32> to vector<16xf32>
      %add3A_227 = arith.addf %add3A_205, %get3A_226 : vector<16xf32>
      %get3A_228 = arith.index_cast %scan3A_217 : i32 to index
      %get3A_229 = arith.constant 32 : index
      %get3A_230 = tpu.vector_load %arg4[%get3A_228, %get3A_229] {strides = array<i32>} : memref<256x64xf32, #tpu.memory_space<vmem>>, vector<1x16xf32>,
      %get3A_231 = vector.shape_cast %get3A_230 : vector<1x16xf32> to vector<16xf32>
      %add3A_232 = arith.addf %add3A_210, %get3A_231 : vector<16xf32>
      %get3A_233 = arith.index_cast %scan3A_217 : i32 to index
      %get3A_234 = arith.constant 48 : index
      %get3A_235 = tpu.vector_load %arg4[%get3A_233, %get3A_234] {strides = array<i32>} : memref<256x64xf32, #tpu.memory_space<vmem>>, vector<1x16xf32>,
      %get3A_236 = vector.shape_cast %get3A_235 : vector<1x16xf32> to vector<16xf32>
      %add3A_237 = arith.addf %add3A_215, %get3A_236 : vector<16xf32>
      scf.yield %add3A_222, %add3A_227, %add3A_232, %add3A_237 : vector<16xf32>, vector<16xf32>, vector<16xf32>, vector<16xf32>
    }
    %scan3A_44 = arith.constant 256 : i32
    %swap3A = arith.constant 0 : index
    %swap3A_45 = tpu.vector_load %arg5[%swap3A] {strides = array<i32>} : memref<64xf32, #tpu.memory_space<vmem>>, vector<16xf32>,
    %swap3A_46 = vector.shape_cast %swap3A_45 : vector<16xf32> to vector<16xf32>
    %swap3A_47 = vector.shape_cast %scan3A_43#0 : vector<16xf32> to vector<16xf32>
    tpu.vector_store %arg5[%swap3A], %swap3A_47 {strides = array<i32>} : memref<64xf32, #tpu.memory_space<vmem>>, vector<16xf32>,
    %swap3A_48 = arith.constant 16 : index
    %swap3A_49 = tpu.vector_load %arg5[%swap3A_48] {strides = array<i32>} : memref<64xf32, #tpu.memory_space<vmem>>, vector<16xf32>,
    %swap3A_50 = vector.shape_cast %swap3A_49 : vector<16xf32> to vector<16xf32>
    %swap3A_51 = vector.shape_cast %scan3A_43#1 : vector<16xf32> to vector<16xf32>
    tpu.vector_store %arg5[%swap3A_48], %swap3A_51 {strides = array<i32>} : memref<64xf32, #tpu.memory_space<vmem>>, vector<16xf32>,
    %swap3A_52 = arith.constant 32 : index
    %swap3A_53 = tpu.vector_load %arg5[%swap3A_52] {strides = array<i32>} : memref<64xf32, #tpu.memory_space<vmem>>, vector<16xf32>,
    %swap3A_54 = vector.shape_cast %swap3A_53 : vector<16xf32> to vector<16xf32>
    %swap3A_55 = vector.shape_cast %scan3A_43#2 : vector<16xf32> to vector<16xf32>
    tpu.vector_store %arg5[%swap3A_52], %swap3A_55 {strides = array<i32>} : memref<64xf32, #tpu.memory_space<vmem>>, vector<16xf32>,
    %swap3A_56 = arith.constant 48 : index
    %swap3A_57 = tpu.vector_load %arg5[%swap3A_56] {strides = array<i32>} : memref<64xf32, #tpu.memory_space<vmem>>, vector<16xf32>,
    %swap3A_58 = vector.shape_cast %swap3A_57 : vector<16xf32> to vector<16xf32>
    %swap3A_59 = vector.shape_cast %scan3A_43#3 : vector<16xf32> to vector<16xf32>
    tpu.vector_store %arg5[%swap3A_56], %swap3A_59 {strides = array<i32>} : memref<64xf32, #tpu.memory_space<vmem>>, vector<16xf32>,
    "tpu.region"() ({
      %run_scoped3A = tpu.sem_alloc : memref<!tpu.dma_semaphore, #tpu.memory_space<semaphore_mem>>
      %dma_start3A = arith.constant 0 : i32
      %dma_start3A_60 = tpu.memref_slice %arg3[%add3A, %dma_start3A] : memref<32x64xf32, #tpu.memory_space<hbm>> -> memref<1x64xf32, #tpu.memory_space<hbm>>
      %dma_start3A_61 = tpu.memref_squeeze %dma_start3A_60 : memref<1x64xf32, #tpu.memory_space<hbm>> -> memref<64xf32, #tpu.memory_space<hbm>>
      %dma_start3A_62 = arith.constant 0 : i32
      %dma_start3A_63 = tpu.memref_slice %arg3[%add3A, %dma_start3A_62] : memref<32x64xf32, #tpu.memory_space<hbm>> -> memref<1x64xf32, #tpu.memory_space<hbm>>
      %dma_start3A_64 = tpu.memref_squeeze %dma_start3A_63 : memref<1x64xf32, #tpu.memory_space<hbm>> -> memref<64xf32, #tpu.memory_space<hbm>>
      tpu.enqueue_dma source(%arg5 : memref<64xf32, #tpu.memory_space<vmem>>) target(%dma_start3A_64 : memref<64xf32, #tpu.memory_space<hbm>>) target_semaphore(%run_scoped3A : memref<!tpu.dma_semaphore, #tpu.memory_space<semaphore_mem>>)
      %dma_wait3A = arith.constant 0 : i32
      %dma_wait3A_65 = tpu.memref_slice %arg3[%add3A, %dma_wait3A] : memref<32x64xf32, #tpu.memory_space<hbm>> -> memref<1x64xf32, #tpu.memory_space<hbm>>
      %dma_wait3A_66 = tpu.memref_squeeze %dma_wait3A_65 : memref<1x64xf32, #tpu.memory_space<hbm>> -> memref<64xf32, #tpu.memory_space<hbm>>
      %dma_wait3A_67 = arith.constant 0 : i32
      %dma_wait3A_68 = tpu.memref_slice %arg3[%add3A, %dma_wait3A_67] : memref<32x64xf32, #tpu.memory_space<hbm>> -> memref<1x64xf32, #tpu.memory_space<hbm>>
      %dma_wait3A_69 = tpu.memref_squeeze %dma_wait3A_68 : memref<1x64xf32, #tpu.memory_space<hbm>> -> memref<64xf32, #tpu.memory_space<hbm>>
      tpu.wait_dma2 semaphore(%run_scoped3A : memref<!tpu.dma_semaphore, #tpu.memory_space<semaphore_mem>>) src(%arg5 : memref<64xf32, #tpu.memory_space<vmem>>) dst(%dma_wait3A_69 : memref<64xf32, #tpu.memory_space<hbm>>)
      tpu.yield
    }) : () -> ()
    return
  }
}

module attributes {stable_mosaic.version = 14 : i64} {
  func.func @_tc_body(%arg0: memref<8x1024x64xf32, #tpu.memory_space<hbm>>, %arg1: memref<32x64xf32, #tpu.memory_space<vmem>>, %arg2: memref<1024xi32, #tpu.memory_space<vmem>>, %arg3: memref<64x64xf32, #tpu.memory_space<vmem>>, %arg4: memref<64xf32, #tpu.memory_space<vmem>>, %arg5: memref<64x64xf32, #tpu.memory_space<vmem>>, %arg6: memref<64xf32, #tpu.memory_space<vmem>>, %arg7: memref<8x1024x64xf32, #tpu.memory_space<hbm>>, %arg8: memref<8x1024x64xf32, #tpu.memory_space<vmem>>, %arg9: memref<16x!tpu.dma_semaphore, #tpu.memory_space<semaphore_mem>>, %arg10: memref<32x!tpu.dma_semaphore, #tpu.memory_space<semaphore_mem>>, %arg11: memref<8x1024x64xf32, #tpu.memory_space<vmem>>) attributes {dimension_semantics = [], scalar_prefetch = 0 : i64, scratch_operands = 4 : i64, tpu.core_type = #tpu.core_type<tc>} {
    %dma_start3A = arith.constant 0 : i32
    %dma_start3A_0 = arith.constant 0 : i32
    %dma_start3A_1 = arith.constant 0 : i32
    %dma_start3A_2 = tpu.memref_slice %arg9[%dma_start3A_1] : memref<16x!tpu.dma_semaphore, #tpu.memory_space<semaphore_mem>> -> memref<1x!tpu.dma_semaphore, #tpu.memory_space<semaphore_mem>>
    %dma_start3A_3 = tpu.memref_squeeze %dma_start3A_2 : memref<1x!tpu.dma_semaphore, #tpu.memory_space<semaphore_mem>> -> memref<!tpu.dma_semaphore, #tpu.memory_space<semaphore_mem>>
    %dma_start3A_4 = arith.constant 0 : i32
    %dma_start3A_5 = arith.constant 0 : i32
    %dma_start3A_6 = tpu.memref_slice %arg11[%dma_start3A_0, %dma_start3A_4, %dma_start3A_5] : memref<8x1024x64xf32, #tpu.memory_space<vmem>> -> memref<1x512x64xf32, #tpu.memory_space<vmem>>
    %dma_start3A_7 = tpu.memref_squeeze %dma_start3A_6 : memref<1x512x64xf32, #tpu.memory_space<vmem>> -> memref<512x64xf32, #tpu.memory_space<vmem>>
    %dma_start3A_8 = arith.constant 0 : i32
    %dma_start3A_9 = arith.constant 0 : i32
    %dma_start3A_10 = tpu.memref_slice %arg0[%dma_start3A, %dma_start3A_8, %dma_start3A_9] : memref<8x1024x64xf32, #tpu.memory_space<hbm>> -> memref<1x512x64xf32, #tpu.memory_space<hbm>>
    %dma_start3A_11 = tpu.memref_squeeze %dma_start3A_10 : memref<1x512x64xf32, #tpu.memory_space<hbm>> -> memref<512x64xf32, #tpu.memory_space<hbm>>
    tpu.enqueue_dma source(%dma_start3A_11 : memref<512x64xf32, #tpu.memory_space<hbm>>) target(%dma_start3A_7 : memref<512x64xf32, #tpu.memory_space<vmem>>) target_semaphore(%dma_start3A_3 : memref<!tpu.dma_semaphore, #tpu.memory_space<semaphore_mem>>)
    %dma_start3A_12 = arith.constant 0 : i32
    %dma_start3A_13 = arith.constant 0 : i32
    %dma_start3A_14 = arith.constant 1 : i32
    %dma_start3A_15 = tpu.memref_slice %arg9[%dma_start3A_14] : memref<16x!tpu.dma_semaphore, #tpu.memory_space<semaphore_mem>> -> memref<1x!tpu.dma_semaphore, #tpu.memory_space<semaphore_mem>>
    %dma_start3A_16 = tpu.memref_squeeze %dma_start3A_15 : memref<1x!tpu.dma_semaphore, #tpu.memory_space<semaphore_mem>> -> memref<!tpu.dma_semaphore, #tpu.memory_space<semaphore_mem>>
    %dma_start3A_17 = arith.constant 512 : i32
    %dma_start3A_18 = arith.constant 0 : i32
    %dma_start3A_19 = tpu.memref_slice %arg11[%dma_start3A_13, %dma_start3A_17, %dma_start3A_18] : memref<8x1024x64xf32, #tpu.memory_space<vmem>> -> memref<1x512x64xf32, #tpu.memory_space<vmem>>
    %dma_start3A_20 = tpu.memref_squeeze %dma_start3A_19 : memref<1x512x64xf32, #tpu.memory_space<vmem>> -> memref<512x64xf32, #tpu.memory_space<vmem>>
    %dma_start3A_21 = arith.constant 512 : i32
    %dma_start3A_22 = arith.constant 0 : i32
    %dma_start3A_23 = tpu.memref_slice %arg0[%dma_start3A_12, %dma_start3A_21, %dma_start3A_22] : memref<8x1024x64xf32, #tpu.memory_space<hbm>> -> memref<1x512x64xf32, #tpu.memory_space<hbm>>
    %dma_start3A_24 = tpu.memref_squeeze %dma_start3A_23 : memref<1x512x64xf32, #tpu.memory_space<hbm>> -> memref<512x64xf32, #tpu.memory_space<hbm>>
    tpu.enqueue_dma source(%dma_start3A_24 : memref<512x64xf32, #tpu.memory_space<hbm>>) target(%dma_start3A_20 : memref<512x64xf32, #tpu.memory_space<vmem>>) target_semaphore(%dma_start3A_16 : memref<!tpu.dma_semaphore, #tpu.memory_space<semaphore_mem>>)
    %dma_start3A_25 = arith.constant 1 : i32
    %dma_start3A_26 = arith.constant 1 : i32
    %dma_start3A_27 = arith.constant 2 : i32
    %dma_start3A_28 = tpu.memref_slice %arg9[%dma_start3A_27] : memref<16x!tpu.dma_semaphore, #tpu.memory_space<semaphore_mem>> -> memref<1x!tpu.dma_semaphore, #tpu.memory_space<semaphore_mem>>
    %dma_start3A_29 = tpu.memref_squeeze %dma_start3A_28 : memref<1x!tpu.dma_semaphore, #tpu.memory_space<semaphore_mem>> -> memref<!tpu.dma_semaphore, #tpu.memory_space<semaphore_mem>>
    %dma_start3A_30 = arith.constant 0 : i32
    %dma_start3A_31 = arith.constant 0 : i32
    %dma_start3A_32 = tpu.memref_slice %arg11[%dma_start3A_26, %dma_start3A_30, %dma_start3A_31] : memref<8x1024x64xf32, #tpu.memory_space<vmem>> -> memref<1x512x64xf32, #tpu.memory_space<vmem>>
    %dma_start3A_33 = tpu.memref_squeeze %dma_start3A_32 : memref<1x512x64xf32, #tpu.memory_space<vmem>> -> memref<512x64xf32, #tpu.memory_space<vmem>>
    %dma_start3A_34 = arith.constant 0 : i32
    %dma_start3A_35 = arith.constant 0 : i32
    %dma_start3A_36 = tpu.memref_slice %arg0[%dma_start3A_25, %dma_start3A_34, %dma_start3A_35] : memref<8x1024x64xf32, #tpu.memory_space<hbm>> -> memref<1x512x64xf32, #tpu.memory_space<hbm>>
    %dma_start3A_37 = tpu.memref_squeeze %dma_start3A_36 : memref<1x512x64xf32, #tpu.memory_space<hbm>> -> memref<512x64xf32, #tpu.memory_space<hbm>>
    tpu.enqueue_dma source(%dma_start3A_37 : memref<512x64xf32, #tpu.memory_space<hbm>>) target(%dma_start3A_33 : memref<512x64xf32, #tpu.memory_space<vmem>>) target_semaphore(%dma_start3A_29 : memref<!tpu.dma_semaphore, #tpu.memory_space<semaphore_mem>>)
    %dma_start3A_38 = arith.constant 1 : i32
    %dma_start3A_39 = arith.constant 1 : i32
    %dma_start3A_40 = arith.constant 3 : i32
    %dma_start3A_41 = tpu.memref_slice %arg9[%dma_start3A_40] : memref<16x!tpu.dma_semaphore, #tpu.memory_space<semaphore_mem>> -> memref<1x!tpu.dma_semaphore, #tpu.memory_space<semaphore_mem>>
    %dma_start3A_42 = tpu.memref_squeeze %dma_start3A_41 : memref<1x!tpu.dma_semaphore, #tpu.memory_space<semaphore_mem>> -> memref<!tpu.dma_semaphore, #tpu.memory_space<semaphore_mem>>
    %dma_start3A_43 = arith.constant 512 : i32
    %dma_start3A_44 = arith.constant 0 : i32
    %dma_start3A_45 = tpu.memref_slice %arg11[%dma_start3A_39, %dma_start3A_43, %dma_start3A_44] : memref<8x1024x64xf32, #tpu.memory_space<vmem>> -> memref<1x512x64xf32, #tpu.memory_space<vmem>>
    %dma_start3A_46 = tpu.memref_squeeze %dma_start3A_45 : memref<1x512x64xf32, #tpu.memory_space<vmem>> -> memref<512x64xf32, #tpu.memory_space<vmem>>
    %dma_start3A_47 = arith.constant 512 : i32
    %dma_start3A_48 = arith.constant 0 : i32
    %dma_start3A_49 = tpu.memref_slice %arg0[%dma_start3A_38, %dma_start3A_47, %dma_start3A_48] : memref<8x1024x64xf32, #tpu.memory_space<hbm>> -> memref<1x512x64xf32, #tpu.memory_space<hbm>>
    %dma_start3A_50 = tpu.memref_squeeze %dma_start3A_49 : memref<1x512x64xf32, #tpu.memory_space<hbm>> -> memref<512x64xf32, #tpu.memory_space<hbm>>
    tpu.enqueue_dma source(%dma_start3A_50 : memref<512x64xf32, #tpu.memory_space<hbm>>) target(%dma_start3A_46 : memref<512x64xf32, #tpu.memory_space<vmem>>) target_semaphore(%dma_start3A_42 : memref<!tpu.dma_semaphore, #tpu.memory_space<semaphore_mem>>)
    %dma_start3A_51 = arith.constant 2 : i32
    %dma_start3A_52 = arith.constant 2 : i32
    %dma_start3A_53 = arith.constant 4 : i32
    %dma_start3A_54 = tpu.memref_slice %arg9[%dma_start3A_53] : memref<16x!tpu.dma_semaphore, #tpu.memory_space<semaphore_mem>> -> memref<1x!tpu.dma_semaphore, #tpu.memory_space<semaphore_mem>>
    %dma_start3A_55 = tpu.memref_squeeze %dma_start3A_54 : memref<1x!tpu.dma_semaphore, #tpu.memory_space<semaphore_mem>> -> memref<!tpu.dma_semaphore, #tpu.memory_space<semaphore_mem>>
    %dma_start3A_56 = arith.constant 0 : i32
    %dma_start3A_57 = arith.constant 0 : i32
    %dma_start3A_58 = tpu.memref_slice %arg11[%dma_start3A_52, %dma_start3A_56, %dma_start3A_57] : memref<8x1024x64xf32, #tpu.memory_space<vmem>> -> memref<1x512x64xf32, #tpu.memory_space<vmem>>
    %dma_start3A_59 = tpu.memref_squeeze %dma_start3A_58 : memref<1x512x64xf32, #tpu.memory_space<vmem>> -> memref<512x64xf32, #tpu.memory_space<vmem>>
    %dma_start3A_60 = arith.constant 0 : i32
    %dma_start3A_61 = arith.constant 0 : i32
    %dma_start3A_62 = tpu.memref_slice %arg0[%dma_start3A_51, %dma_start3A_60, %dma_start3A_61] : memref<8x1024x64xf32, #tpu.memory_space<hbm>> -> memref<1x512x64xf32, #tpu.memory_space<hbm>>
    %dma_start3A_63 = tpu.memref_squeeze %dma_start3A_62 : memref<1x512x64xf32, #tpu.memory_space<hbm>> -> memref<512x64xf32, #tpu.memory_space<hbm>>
    tpu.enqueue_dma source(%dma_start3A_63 : memref<512x64xf32, #tpu.memory_space<hbm>>) target(%dma_start3A_59 : memref<512x64xf32, #tpu.memory_space<vmem>>) target_semaphore(%dma_start3A_55 : memref<!tpu.dma_semaphore, #tpu.memory_space<semaphore_mem>>)
    %dma_start3A_64 = arith.constant 2 : i32
    %dma_start3A_65 = arith.constant 2 : i32
    %dma_start3A_66 = arith.constant 5 : i32
    %dma_start3A_67 = tpu.memref_slice %arg9[%dma_start3A_66] : memref<16x!tpu.dma_semaphore, #tpu.memory_space<semaphore_mem>> -> memref<1x!tpu.dma_semaphore, #tpu.memory_space<semaphore_mem>>
    %dma_start3A_68 = tpu.memref_squeeze %dma_start3A_67 : memref<1x!tpu.dma_semaphore, #tpu.memory_space<semaphore_mem>> -> memref<!tpu.dma_semaphore, #tpu.memory_space<semaphore_mem>>
    %dma_start3A_69 = arith.constant 512 : i32
    %dma_start3A_70 = arith.constant 0 : i32
    %dma_start3A_71 = tpu.memref_slice %arg11[%dma_start3A_65, %dma_start3A_69, %dma_start3A_70] : memref<8x1024x64xf32, #tpu.memory_space<vmem>> -> memref<1x512x64xf32, #tpu.memory_space<vmem>>
    %dma_start3A_72 = tpu.memref_squeeze %dma_start3A_71 : memref<1x512x64xf32, #tpu.memory_space<vmem>> -> memref<512x64xf32, #tpu.memory_space<vmem>>
    %dma_start3A_73 = arith.constant 512 : i32
    %dma_start3A_74 = arith.constant 0 : i32
    %dma_start3A_75 = tpu.memref_slice %arg0[%dma_start3A_64, %dma_start3A_73, %dma_start3A_74] : memref<8x1024x64xf32, #tpu.memory_space<hbm>> -> memref<1x512x64xf32, #tpu.memory_space<hbm>>
    %dma_start3A_76 = tpu.memref_squeeze %dma_start3A_75 : memref<1x512x64xf32, #tpu.memory_space<hbm>> -> memref<512x64xf32, #tpu.memory_space<hbm>>
    tpu.enqueue_dma source(%dma_start3A_76 : memref<512x64xf32, #tpu.memory_space<hbm>>) target(%dma_start3A_72 : memref<512x64xf32, #tpu.memory_space<vmem>>) target_semaphore(%dma_start3A_68 : memref<!tpu.dma_semaphore, #tpu.memory_space<semaphore_mem>>)
    %dma_start3A_77 = arith.constant 3 : i32
    %dma_start3A_78 = arith.constant 3 : i32
    %dma_start3A_79 = arith.constant 6 : i32
    %dma_start3A_80 = tpu.memref_slice %arg9[%dma_start3A_79] : memref<16x!tpu.dma_semaphore, #tpu.memory_space<semaphore_mem>> -> memref<1x!tpu.dma_semaphore, #tpu.memory_space<semaphore_mem>>
    %dma_start3A_81 = tpu.memref_squeeze %dma_start3A_80 : memref<1x!tpu.dma_semaphore, #tpu.memory_space<semaphore_mem>> -> memref<!tpu.dma_semaphore, #tpu.memory_space<semaphore_mem>>
    %dma_start3A_82 = arith.constant 0 : i32
    %dma_start3A_83 = arith.constant 0 : i32
    %dma_start3A_84 = tpu.memref_slice %arg11[%dma_start3A_78, %dma_start3A_82, %dma_start3A_83] : memref<8x1024x64xf32, #tpu.memory_space<vmem>> -> memref<1x512x64xf32, #tpu.memory_space<vmem>>
    %dma_start3A_85 = tpu.memref_squeeze %dma_start3A_84 : memref<1x512x64xf32, #tpu.memory_space<vmem>> -> memref<512x64xf32, #tpu.memory_space<vmem>>
    %dma_start3A_86 = arith.constant 0 : i32
    %dma_start3A_87 = arith.constant 0 : i32
    %dma_start3A_88 = tpu.memref_slice %arg0[%dma_start3A_77, %dma_start3A_86, %dma_start3A_87] : memref<8x1024x64xf32, #tpu.memory_space<hbm>> -> memref<1x512x64xf32, #tpu.memory_space<hbm>>
    %dma_start3A_89 = tpu.memref_squeeze %dma_start3A_88 : memref<1x512x64xf32, #tpu.memory_space<hbm>> -> memref<512x64xf32, #tpu.memory_space<hbm>>
    tpu.enqueue_dma source(%dma_start3A_89 : memref<512x64xf32, #tpu.memory_space<hbm>>) target(%dma_start3A_85 : memref<512x64xf32, #tpu.memory_space<vmem>>) target_semaphore(%dma_start3A_81 : memref<!tpu.dma_semaphore, #tpu.memory_space<semaphore_mem>>)
    %dma_start3A_90 = arith.constant 3 : i32
    %dma_start3A_91 = arith.constant 3 : i32
    %dma_start3A_92 = arith.constant 7 : i32
    %dma_start3A_93 = tpu.memref_slice %arg9[%dma_start3A_92] : memref<16x!tpu.dma_semaphore, #tpu.memory_space<semaphore_mem>> -> memref<1x!tpu.dma_semaphore, #tpu.memory_space<semaphore_mem>>
    %dma_start3A_94 = tpu.memref_squeeze %dma_start3A_93 : memref<1x!tpu.dma_semaphore, #tpu.memory_space<semaphore_mem>> -> memref<!tpu.dma_semaphore, #tpu.memory_space<semaphore_mem>>
    %dma_start3A_95 = arith.constant 512 : i32
    %dma_start3A_96 = arith.constant 0 : i32
    %dma_start3A_97 = tpu.memref_slice %arg11[%dma_start3A_91, %dma_start3A_95, %dma_start3A_96] : memref<8x1024x64xf32, #tpu.memory_space<vmem>> -> memref<1x512x64xf32, #tpu.memory_space<vmem>>
    %dma_start3A_98 = tpu.memref_squeeze %dma_start3A_97 : memref<1x512x64xf32, #tpu.memory_space<vmem>> -> memref<512x64xf32, #tpu.memory_space<vmem>>
    %dma_start3A_99 = arith.constant 512 : i32
    %dma_start3A_100 = arith.constant 0 : i32
    %dma_start3A_101 = tpu.memref_slice %arg0[%dma_start3A_90, %dma_start3A_99, %dma_start3A_100] : memref<8x1024x64xf32, #tpu.memory_space<hbm>> -> memref<1x512x64xf32, #tpu.memory_space<hbm>>
    %dma_start3A_102 = tpu.memref_squeeze %dma_start3A_101 : memref<1x512x64xf32, #tpu.memory_space<hbm>> -> memref<512x64xf32, #tpu.memory_space<hbm>>
    tpu.enqueue_dma source(%dma_start3A_102 : memref<512x64xf32, #tpu.memory_space<hbm>>) target(%dma_start3A_98 : memref<512x64xf32, #tpu.memory_space<vmem>>) target_semaphore(%dma_start3A_94 : memref<!tpu.dma_semaphore, #tpu.memory_space<semaphore_mem>>)
    %dma_start3A_103 = arith.constant 4 : i32
    %dma_start3A_104 = arith.constant 4 : i32
    %dma_start3A_105 = arith.constant 8 : i32
    %dma_start3A_106 = tpu.memref_slice %arg9[%dma_start3A_105] : memref<16x!tpu.dma_semaphore, #tpu.memory_space<semaphore_mem>> -> memref<1x!tpu.dma_semaphore, #tpu.memory_space<semaphore_mem>>
    %dma_start3A_107 = tpu.memref_squeeze %dma_start3A_106 : memref<1x!tpu.dma_semaphore, #tpu.memory_space<semaphore_mem>> -> memref<!tpu.dma_semaphore, #tpu.memory_space<semaphore_mem>>
    %dma_start3A_108 = arith.constant 0 : i32
    %dma_start3A_109 = arith.constant 0 : i32
    %dma_start3A_110 = tpu.memref_slice %arg11[%dma_start3A_104, %dma_start3A_108, %dma_start3A_109] : memref<8x1024x64xf32, #tpu.memory_space<vmem>> -> memref<1x512x64xf32, #tpu.memory_space<vmem>>
    %dma_start3A_111 = tpu.memref_squeeze %dma_start3A_110 : memref<1x512x64xf32, #tpu.memory_space<vmem>> -> memref<512x64xf32, #tpu.memory_space<vmem>>
    %dma_start3A_112 = arith.constant 0 : i32
    %dma_start3A_113 = arith.constant 0 : i32
    %dma_start3A_114 = tpu.memref_slice %arg0[%dma_start3A_103, %dma_start3A_112, %dma_start3A_113] : memref<8x1024x64xf32, #tpu.memory_space<hbm>> -> memref<1x512x64xf32, #tpu.memory_space<hbm>>
    %dma_start3A_115 = tpu.memref_squeeze %dma_start3A_114 : memref<1x512x64xf32, #tpu.memory_space<hbm>> -> memref<512x64xf32, #tpu.memory_space<hbm>>
    tpu.enqueue_dma source(%dma_start3A_115 : memref<512x64xf32, #tpu.memory_space<hbm>>) target(%dma_start3A_111 : memref<512x64xf32, #tpu.memory_space<vmem>>) target_semaphore(%dma_start3A_107 : memref<!tpu.dma_semaphore, #tpu.memory_space<semaphore_mem>>)
    %dma_start3A_116 = arith.constant 4 : i32
    %dma_start3A_117 = arith.constant 4 : i32
    %dma_start3A_118 = arith.constant 9 : i32
    %dma_start3A_119 = tpu.memref_slice %arg9[%dma_start3A_118] : memref<16x!tpu.dma_semaphore, #tpu.memory_space<semaphore_mem>> -> memref<1x!tpu.dma_semaphore, #tpu.memory_space<semaphore_mem>>
    %dma_start3A_120 = tpu.memref_squeeze %dma_start3A_119 : memref<1x!tpu.dma_semaphore, #tpu.memory_space<semaphore_mem>> -> memref<!tpu.dma_semaphore, #tpu.memory_space<semaphore_mem>>
    %dma_start3A_121 = arith.constant 512 : i32
    %dma_start3A_122 = arith.constant 0 : i32
    %dma_start3A_123 = tpu.memref_slice %arg11[%dma_start3A_117, %dma_start3A_121, %dma_start3A_122] : memref<8x1024x64xf32, #tpu.memory_space<vmem>> -> memref<1x512x64xf32, #tpu.memory_space<vmem>>
    %dma_start3A_124 = tpu.memref_squeeze %dma_start3A_123 : memref<1x512x64xf32, #tpu.memory_space<vmem>> -> memref<512x64xf32, #tpu.memory_space<vmem>>
    %dma_start3A_125 = arith.constant 512 : i32
    %dma_start3A_126 = arith.constant 0 : i32
    %dma_start3A_127 = tpu.memref_slice %arg0[%dma_start3A_116, %dma_start3A_125, %dma_start3A_126] : memref<8x1024x64xf32, #tpu.memory_space<hbm>> -> memref<1x512x64xf32, #tpu.memory_space<hbm>>
    %dma_start3A_128 = tpu.memref_squeeze %dma_start3A_127 : memref<1x512x64xf32, #tpu.memory_space<hbm>> -> memref<512x64xf32, #tpu.memory_space<hbm>>
    tpu.enqueue_dma source(%dma_start3A_128 : memref<512x64xf32, #tpu.memory_space<hbm>>) target(%dma_start3A_124 : memref<512x64xf32, #tpu.memory_space<vmem>>) target_semaphore(%dma_start3A_120 : memref<!tpu.dma_semaphore, #tpu.memory_space<semaphore_mem>>)
    %dma_start3A_129 = arith.constant 5 : i32
    %dma_start3A_130 = arith.constant 5 : i32
    %dma_start3A_131 = arith.constant 10 : i32
    %dma_start3A_132 = tpu.memref_slice %arg9[%dma_start3A_131] : memref<16x!tpu.dma_semaphore, #tpu.memory_space<semaphore_mem>> -> memref<1x!tpu.dma_semaphore, #tpu.memory_space<semaphore_mem>>
    %dma_start3A_133 = tpu.memref_squeeze %dma_start3A_132 : memref<1x!tpu.dma_semaphore, #tpu.memory_space<semaphore_mem>> -> memref<!tpu.dma_semaphore, #tpu.memory_space<semaphore_mem>>
    %dma_start3A_134 = arith.constant 0 : i32
    %dma_start3A_135 = arith.constant 0 : i32
    %dma_start3A_136 = tpu.memref_slice %arg11[%dma_start3A_130, %dma_start3A_134, %dma_start3A_135] : memref<8x1024x64xf32, #tpu.memory_space<vmem>> -> memref<1x512x64xf32, #tpu.memory_space<vmem>>
    %dma_start3A_137 = tpu.memref_squeeze %dma_start3A_136 : memref<1x512x64xf32, #tpu.memory_space<vmem>> -> memref<512x64xf32, #tpu.memory_space<vmem>>
    %dma_start3A_138 = arith.constant 0 : i32
    %dma_start3A_139 = arith.constant 0 : i32
    %dma_start3A_140 = tpu.memref_slice %arg0[%dma_start3A_129, %dma_start3A_138, %dma_start3A_139] : memref<8x1024x64xf32, #tpu.memory_space<hbm>> -> memref<1x512x64xf32, #tpu.memory_space<hbm>>
    %dma_start3A_141 = tpu.memref_squeeze %dma_start3A_140 : memref<1x512x64xf32, #tpu.memory_space<hbm>> -> memref<512x64xf32, #tpu.memory_space<hbm>>
    tpu.enqueue_dma source(%dma_start3A_141 : memref<512x64xf32, #tpu.memory_space<hbm>>) target(%dma_start3A_137 : memref<512x64xf32, #tpu.memory_space<vmem>>) target_semaphore(%dma_start3A_133 : memref<!tpu.dma_semaphore, #tpu.memory_space<semaphore_mem>>)
    %dma_start3A_142 = arith.constant 5 : i32
    %dma_start3A_143 = arith.constant 5 : i32
    %dma_start3A_144 = arith.constant 11 : i32
    %dma_start3A_145 = tpu.memref_slice %arg9[%dma_start3A_144] : memref<16x!tpu.dma_semaphore, #tpu.memory_space<semaphore_mem>> -> memref<1x!tpu.dma_semaphore, #tpu.memory_space<semaphore_mem>>
    %dma_start3A_146 = tpu.memref_squeeze %dma_start3A_145 : memref<1x!tpu.dma_semaphore, #tpu.memory_space<semaphore_mem>> -> memref<!tpu.dma_semaphore, #tpu.memory_space<semaphore_mem>>
    %dma_start3A_147 = arith.constant 512 : i32
    %dma_start3A_148 = arith.constant 0 : i32
    %dma_start3A_149 = tpu.memref_slice %arg11[%dma_start3A_143, %dma_start3A_147, %dma_start3A_148] : memref<8x1024x64xf32, #tpu.memory_space<vmem>> -> memref<1x512x64xf32, #tpu.memory_space<vmem>>
    %dma_start3A_150 = tpu.memref_squeeze %dma_start3A_149 : memref<1x512x64xf32, #tpu.memory_space<vmem>> -> memref<512x64xf32, #tpu.memory_space<vmem>>
    %dma_start3A_151 = arith.constant 512 : i32
    %dma_start3A_152 = arith.constant 0 : i32
    %dma_start3A_153 = tpu.memref_slice %arg0[%dma_start3A_142, %dma_start3A_151, %dma_start3A_152] : memref<8x1024x64xf32, #tpu.memory_space<hbm>> -> memref<1x512x64xf32, #tpu.memory_space<hbm>>
    %dma_start3A_154 = tpu.memref_squeeze %dma_start3A_153 : memref<1x512x64xf32, #tpu.memory_space<hbm>> -> memref<512x64xf32, #tpu.memory_space<hbm>>
    tpu.enqueue_dma source(%dma_start3A_154 : memref<512x64xf32, #tpu.memory_space<hbm>>) target(%dma_start3A_150 : memref<512x64xf32, #tpu.memory_space<vmem>>) target_semaphore(%dma_start3A_146 : memref<!tpu.dma_semaphore, #tpu.memory_space<semaphore_mem>>)
    %dma_start3A_155 = arith.constant 6 : i32
    %dma_start3A_156 = arith.constant 6 : i32
    %dma_start3A_157 = arith.constant 12 : i32
    %dma_start3A_158 = tpu.memref_slice %arg9[%dma_start3A_157] : memref<16x!tpu.dma_semaphore, #tpu.memory_space<semaphore_mem>> -> memref<1x!tpu.dma_semaphore, #tpu.memory_space<semaphore_mem>>
    %dma_start3A_159 = tpu.memref_squeeze %dma_start3A_158 : memref<1x!tpu.dma_semaphore, #tpu.memory_space<semaphore_mem>> -> memref<!tpu.dma_semaphore, #tpu.memory_space<semaphore_mem>>
    %dma_start3A_160 = arith.constant 0 : i32
    %dma_start3A_161 = arith.constant 0 : i32
    %dma_start3A_162 = tpu.memref_slice %arg11[%dma_start3A_156, %dma_start3A_160, %dma_start3A_161] : memref<8x1024x64xf32, #tpu.memory_space<vmem>> -> memref<1x512x64xf32, #tpu.memory_space<vmem>>
    %dma_start3A_163 = tpu.memref_squeeze %dma_start3A_162 : memref<1x512x64xf32, #tpu.memory_space<vmem>> -> memref<512x64xf32, #tpu.memory_space<vmem>>
    %dma_start3A_164 = arith.constant 0 : i32
    %dma_start3A_165 = arith.constant 0 : i32
    %dma_start3A_166 = tpu.memref_slice %arg0[%dma_start3A_155, %dma_start3A_164, %dma_start3A_165] : memref<8x1024x64xf32, #tpu.memory_space<hbm>> -> memref<1x512x64xf32, #tpu.memory_space<hbm>>
    %dma_start3A_167 = tpu.memref_squeeze %dma_start3A_166 : memref<1x512x64xf32, #tpu.memory_space<hbm>> -> memref<512x64xf32, #tpu.memory_space<hbm>>
    tpu.enqueue_dma source(%dma_start3A_167 : memref<512x64xf32, #tpu.memory_space<hbm>>) target(%dma_start3A_163 : memref<512x64xf32, #tpu.memory_space<vmem>>) target_semaphore(%dma_start3A_159 : memref<!tpu.dma_semaphore, #tpu.memory_space<semaphore_mem>>)
    %dma_start3A_168 = arith.constant 6 : i32
    %dma_start3A_169 = arith.constant 6 : i32
    %dma_start3A_170 = arith.constant 13 : i32
    %dma_start3A_171 = tpu.memref_slice %arg9[%dma_start3A_170] : memref<16x!tpu.dma_semaphore, #tpu.memory_space<semaphore_mem>> -> memref<1x!tpu.dma_semaphore, #tpu.memory_space<semaphore_mem>>
    %dma_start3A_172 = tpu.memref_squeeze %dma_start3A_171 : memref<1x!tpu.dma_semaphore, #tpu.memory_space<semaphore_mem>> -> memref<!tpu.dma_semaphore, #tpu.memory_space<semaphore_mem>>
    %dma_start3A_173 = arith.constant 512 : i32
    %dma_start3A_174 = arith.constant 0 : i32
    %dma_start3A_175 = tpu.memref_slice %arg11[%dma_start3A_169, %dma_start3A_173, %dma_start3A_174] : memref<8x1024x64xf32, #tpu.memory_space<vmem>> -> memref<1x512x64xf32, #tpu.memory_space<vmem>>
    %dma_start3A_176 = tpu.memref_squeeze %dma_start3A_175 : memref<1x512x64xf32, #tpu.memory_space<vmem>> -> memref<512x64xf32, #tpu.memory_space<vmem>>
    %dma_start3A_177 = arith.constant 512 : i32
    %dma_start3A_178 = arith.constant 0 : i32
    %dma_start3A_179 = tpu.memref_slice %arg0[%dma_start3A_168, %dma_start3A_177, %dma_start3A_178] : memref<8x1024x64xf32, #tpu.memory_space<hbm>> -> memref<1x512x64xf32, #tpu.memory_space<hbm>>
    %dma_start3A_180 = tpu.memref_squeeze %dma_start3A_179 : memref<1x512x64xf32, #tpu.memory_space<hbm>> -> memref<512x64xf32, #tpu.memory_space<hbm>>
    tpu.enqueue_dma source(%dma_start3A_180 : memref<512x64xf32, #tpu.memory_space<hbm>>) target(%dma_start3A_176 : memref<512x64xf32, #tpu.memory_space<vmem>>) target_semaphore(%dma_start3A_172 : memref<!tpu.dma_semaphore, #tpu.memory_space<semaphore_mem>>)
    %dma_start3A_181 = arith.constant 7 : i32
    %dma_start3A_182 = arith.constant 7 : i32
    %dma_start3A_183 = arith.constant 14 : i32
    %dma_start3A_184 = tpu.memref_slice %arg9[%dma_start3A_183] : memref<16x!tpu.dma_semaphore, #tpu.memory_space<semaphore_mem>> -> memref<1x!tpu.dma_semaphore, #tpu.memory_space<semaphore_mem>>
    %dma_start3A_185 = tpu.memref_squeeze %dma_start3A_184 : memref<1x!tpu.dma_semaphore, #tpu.memory_space<semaphore_mem>> -> memref<!tpu.dma_semaphore, #tpu.memory_space<semaphore_mem>>
    %dma_start3A_186 = arith.constant 0 : i32
    %dma_start3A_187 = arith.constant 0 : i32
    %dma_start3A_188 = tpu.memref_slice %arg11[%dma_start3A_182, %dma_start3A_186, %dma_start3A_187] : memref<8x1024x64xf32, #tpu.memory_space<vmem>> -> memref<1x512x64xf32, #tpu.memory_space<vmem>>
    %dma_start3A_189 = tpu.memref_squeeze %dma_start3A_188 : memref<1x512x64xf32, #tpu.memory_space<vmem>> -> memref<512x64xf32, #tpu.memory_space<vmem>>
    %dma_start3A_190 = arith.constant 0 : i32
    %dma_start3A_191 = arith.constant 0 : i32
    %dma_start3A_192 = tpu.memref_slice %arg0[%dma_start3A_181, %dma_start3A_190, %dma_start3A_191] : memref<8x1024x64xf32, #tpu.memory_space<hbm>> -> memref<1x512x64xf32, #tpu.memory_space<hbm>>
    %dma_start3A_193 = tpu.memref_squeeze %dma_start3A_192 : memref<1x512x64xf32, #tpu.memory_space<hbm>> -> memref<512x64xf32, #tpu.memory_space<hbm>>
    tpu.enqueue_dma source(%dma_start3A_193 : memref<512x64xf32, #tpu.memory_space<hbm>>) target(%dma_start3A_189 : memref<512x64xf32, #tpu.memory_space<vmem>>) target_semaphore(%dma_start3A_185 : memref<!tpu.dma_semaphore, #tpu.memory_space<semaphore_mem>>)
    %dma_start3A_194 = arith.constant 7 : i32
    %dma_start3A_195 = arith.constant 7 : i32
    %dma_start3A_196 = arith.constant 15 : i32
    %dma_start3A_197 = tpu.memref_slice %arg9[%dma_start3A_196] : memref<16x!tpu.dma_semaphore, #tpu.memory_space<semaphore_mem>> -> memref<1x!tpu.dma_semaphore, #tpu.memory_space<semaphore_mem>>
    %dma_start3A_198 = tpu.memref_squeeze %dma_start3A_197 : memref<1x!tpu.dma_semaphore, #tpu.memory_space<semaphore_mem>> -> memref<!tpu.dma_semaphore, #tpu.memory_space<semaphore_mem>>
    %dma_start3A_199 = arith.constant 512 : i32
    %dma_start3A_200 = arith.constant 0 : i32
    %dma_start3A_201 = tpu.memref_slice %arg11[%dma_start3A_195, %dma_start3A_199, %dma_start3A_200] : memref<8x1024x64xf32, #tpu.memory_space<vmem>> -> memref<1x512x64xf32, #tpu.memory_space<vmem>>
    %dma_start3A_202 = tpu.memref_squeeze %dma_start3A_201 : memref<1x512x64xf32, #tpu.memory_space<vmem>> -> memref<512x64xf32, #tpu.memory_space<vmem>>
    %dma_start3A_203 = arith.constant 512 : i32
    %dma_start3A_204 = arith.constant 0 : i32
    %dma_start3A_205 = tpu.memref_slice %arg0[%dma_start3A_194, %dma_start3A_203, %dma_start3A_204] : memref<8x1024x64xf32, #tpu.memory_space<hbm>> -> memref<1x512x64xf32, #tpu.memory_space<hbm>>
    %dma_start3A_206 = tpu.memref_squeeze %dma_start3A_205 : memref<1x512x64xf32, #tpu.memory_space<hbm>> -> memref<512x64xf32, #tpu.memory_space<hbm>>
    tpu.enqueue_dma source(%dma_start3A_206 : memref<512x64xf32, #tpu.memory_space<hbm>>) target(%dma_start3A_202 : memref<512x64xf32, #tpu.memory_space<vmem>>) target_semaphore(%dma_start3A_198 : memref<!tpu.dma_semaphore, #tpu.memory_space<semaphore_mem>>)
    %iota3A = tpu.iota {dimensions = array<i32: 1>} : vector<8x32xi32>
    %jit3A = arith.constant 4 : i32
    %div3A = vector.broadcast %jit3A : i32 to vector<8x32xi32>
    %div3A_207 = arith.divsi %iota3A, %div3A : vector<8x32xi32>
    %sign3A = arith.constant 0 : i32
    %sign3A_208 = vector.broadcast %sign3A : i32 to vector<8x32xi32>
    %sign3A_209 = arith.cmpi sgt, %iota3A, %sign3A_208 : vector<8x32xi32>
    %sign3A_210 = arith.extui %sign3A_209 : vector<8x32xi1> to vector<8x32xi32>
    %sign3A_211 = arith.constant 0 : i32
    %sign3A_212 = vector.broadcast %sign3A_211 : i32 to vector<8x32xi32>
    %sign3A_213 = arith.cmpi slt, %iota3A, %sign3A_212 : vector<8x32xi32>
    %sign3A_214 = arith.extui %sign3A_213 : vector<8x32xi1> to vector<8x32xi32>
    %sign3A_215 = arith.subi %sign3A_210, %sign3A_214 : vector<8x32xi32>
    %sign3A_216 = arith.constant 0 : i32
    %sign3A_217 = arith.cmpi sgt, %jit3A, %sign3A_216 : i32
    %sign3A_218 = arith.extui %sign3A_217 : i1 to i32
    %sign3A_219 = arith.constant 0 : i32
    %sign3A_220 = arith.cmpi slt, %jit3A, %sign3A_219 : i32
    %sign3A_221 = arith.extui %sign3A_220 : i1 to i32
    %sign3A_222 = arith.subi %sign3A_218, %sign3A_221 : i32
    %ne3A = vector.broadcast %sign3A_222 : i32 to vector<8x32xi32>
    %ne3A_223 = arith.cmpi ne, %sign3A_215, %ne3A : vector<8x32xi32>
    %rem3A = vector.broadcast %jit3A : i32 to vector<8x32xi32>
    %rem3A_224 = arith.remsi %iota3A, %rem3A : vector<8x32xi32>
    %ne3A_225 = arith.constant 0 : i32
    %ne3A_226 = vector.broadcast %ne3A_225 : i32 to vector<8x32xi32>
    %ne3A_227 = arith.cmpi ne, %rem3A_224, %ne3A_226 : vector<8x32xi32>
    %and3A = arith.andi %ne3A_223, %ne3A_227 : vector<8x32xi1>
    %sub3A = arith.constant 1 : i32
    %sub3A_228 = vector.broadcast %sub3A : i32 to vector<8x32xi32>
    %sub3A_229 = arith.subi %div3A_207, %sub3A_228 : vector<8x32xi32>
    %select_n3A = arith.select %and3A, %sub3A_229, %div3A_207 : vector<8x32xi1>, vector<8x32xi32>
    %iota3A_230 = tpu.iota {dimensions = array<i32: 0>} : vector<8x32xi32>
    %eq3A = arith.cmpi eq, %select_n3A, %iota3A_230 : vector<8x32xi32>
    %convert_element_type3A = arith.extui %eq3A : vector<8x32xi1> to vector<8x32xi32>
    %convert_element_type3A_231 = arith.sitofp %convert_element_type3A : vector<8x32xi32> to vector<8x32xf32>
    %get3A = arith.constant 0 : index
    %get3A_232 = arith.constant 0 : index
    %get3A_233 = vector.load %arg1[%get3A, %get3A_232] : memref<32x64xf32, #tpu.memory_space<vmem>>, vector<32x64xf32>
    %dot_general3A = arith.constant dense<0.000000e+00> : vector<8x64xf32>
    %dot_general3A_234 = tpu.matmul %convert_element_type3A_231, %get3A_233, %dot_general3A {dimension_numbers = #tpu.dot_dimension_numbers<[1], [0], [0], [1], [0, 0, 1, 1], [], []>, transpose_lhs_hint = false} : vector<8x32xf32>, vector<32x64xf32>, vector<8x64xf32> -> vector<8x64xf32>
    %get3A_235 = arith.constant 0 : index
    %get3A_236 = vector.load %arg4[%get3A_235] : memref<64xf32, #tpu.memory_space<vmem>>, vector<64xf32>
    %reshape3A = vector.shape_cast %get3A_236 : vector<64xf32> to vector<1x64xf32>
    %get3A_237 = arith.constant 0 : index
    %get3A_238 = vector.load %arg6[%get3A_237] : memref<64xf32, #tpu.memory_space<vmem>>, vector<64xf32>
    %reshape3A_239 = vector.shape_cast %get3A_238 : vector<64xf32> to vector<1x64xf32>
    %get3A_240 = arith.constant 0 : index
    %get3A_241 = arith.constant 0 : index
    %get3A_242 = vector.load %arg3[%get3A_240, %get3A_241] : memref<64x64xf32, #tpu.memory_space<vmem>>, vector<64x64xf32>
    %dot_general3A_243 = arith.constant dense<0.000000e+00> : vector<8x64xf32>
    %dot_general3A_244 = tpu.matmul %dot_general3A_234, %get3A_242, %dot_general3A_243 {dimension_numbers = #tpu.dot_dimension_numbers<[1], [0], [0], [1], [0, 0, 1, 1], [], []>, transpose_lhs_hint = false} : vector<8x64xf32>, vector<64x64xf32>, vector<8x64xf32> -> vector<8x64xf32>
    %add3A = vector.broadcast %reshape3A : vector<1x64xf32> to vector<8x64xf32>
    %add3A_245 = arith.addf %dot_general3A_244, %add3A : vector<8x64xf32>
    %get3A_246 = arith.constant 0 : index
    %get3A_247 = arith.constant 0 : index
    %get3A_248 = vector.load %arg5[%get3A_246, %get3A_247] : memref<64x64xf32, #tpu.memory_space<vmem>>, vector<64x64xf32>
    %dot_general3A_249 = arith.constant dense<0.000000e+00> : vector<8x64xf32>
    %dot_general3A_250 = tpu.matmul %add3A_245, %get3A_248, %dot_general3A_249 {dimension_numbers = #tpu.dot_dimension_numbers<[1], [0], [0], [1], [0, 0, 1, 1], [], []>, transpose_lhs_hint = false} : vector<8x64xf32>, vector<64x64xf32>, vector<8x64xf32> -> vector<8x64xf32>
    %add3A_251 = vector.broadcast %reshape3A_239 : vector<1x64xf32> to vector<8x64xf32>
    %add3A_252 = arith.addf %dot_general3A_250, %add3A_251 : vector<8x64xf32>
    %get3A_253 = arith.constant 0 : index
    %get3A_254 = vector.load %arg2[%get3A_253] : memref<1024xi32, #tpu.memory_space<vmem>>, vector<1024xi32>
    %broadcast_in_dim3A = vector.shape_cast %get3A_254 : vector<1024xi32> to vector<1x1024xi32>
    %broadcast_in_dim3A_255 = vector.broadcast %broadcast_in_dim3A : vector<1x1024xi32> to vector<8x1024xi32>
    %iota3A_256 = tpu.iota {dimensions = array<i32: 0>} : vector<8x1024xi32>
    %eq3A_257 = arith.cmpi eq, %broadcast_in_dim3A_255, %iota3A_256 : vector<8x1024xi32>
    %convert_element_type3A_258 = arith.extui %eq3A_257 : vector<8x1024xi1> to vector<8x1024xi32>
    %convert_element_type3A_259 = arith.sitofp %convert_element_type3A_258 : vector<8x1024xi32> to vector<8x1024xf32>
    %dot_general3A_260 = arith.constant dense<0.000000e+00> : vector<1024x64xf32>
    %dot_general3A_261 = tpu.matmul %convert_element_type3A_259, %add3A_252, %dot_general3A_260 {dimension_numbers = #tpu.dot_dimension_numbers<[0], [0], [1], [1], [0, 1, 1, 1], [], []>, transpose_lhs_hint = false} : vector<8x1024xf32>, vector<8x64xf32>, vector<1024x64xf32> -> vector<1024x64xf32>
    %dma_wait3A = arith.constant 0 : i32
    %dma_wait3A_262 = arith.constant 0 : i32
    %dma_wait3A_263 = arith.constant 0 : i32
    %dma_wait3A_264 = tpu.memref_slice %arg9[%dma_wait3A_263] : memref<16x!tpu.dma_semaphore, #tpu.memory_space<semaphore_mem>> -> memref<1x!tpu.dma_semaphore, #tpu.memory_space<semaphore_mem>>
    %dma_wait3A_265 = tpu.memref_squeeze %dma_wait3A_264 : memref<1x!tpu.dma_semaphore, #tpu.memory_space<semaphore_mem>> -> memref<!tpu.dma_semaphore, #tpu.memory_space<semaphore_mem>>
    %dma_wait3A_266 = arith.constant 0 : i32
    %dma_wait3A_267 = arith.constant 0 : i32
    %dma_wait3A_268 = tpu.memref_slice %arg11[%dma_wait3A_262, %dma_wait3A_266, %dma_wait3A_267] : memref<8x1024x64xf32, #tpu.memory_space<vmem>> -> memref<1x512x64xf32, #tpu.memory_space<vmem>>
    %dma_wait3A_269 = tpu.memref_squeeze %dma_wait3A_268 : memref<1x512x64xf32, #tpu.memory_space<vmem>> -> memref<512x64xf32, #tpu.memory_space<vmem>>
    %dma_wait3A_270 = arith.constant 0 : i32
    %dma_wait3A_271 = arith.constant 0 : i32
    %dma_wait3A_272 = tpu.memref_slice %arg0[%dma_wait3A, %dma_wait3A_270, %dma_wait3A_271] : memref<8x1024x64xf32, #tpu.memory_space<hbm>> -> memref<1x512x64xf32, #tpu.memory_space<hbm>>
    %dma_wait3A_273 = tpu.memref_squeeze %dma_wait3A_272 : memref<1x512x64xf32, #tpu.memory_space<hbm>> -> memref<512x64xf32, #tpu.memory_space<hbm>>
    tpu.wait_dma2 semaphore(%dma_wait3A_265 : memref<!tpu.dma_semaphore, #tpu.memory_space<semaphore_mem>>) src(%dma_wait3A_273 : memref<512x64xf32, #tpu.memory_space<hbm>>) dst(%dma_wait3A_269 : memref<512x64xf32, #tpu.memory_space<vmem>>)
    %dma_wait3A_274 = arith.constant 0 : i32
    %dma_wait3A_275 = arith.constant 0 : i32
    %dma_wait3A_276 = arith.constant 1 : i32
    %dma_wait3A_277 = tpu.memref_slice %arg9[%dma_wait3A_276] : memref<16x!tpu.dma_semaphore, #tpu.memory_space<semaphore_mem>> -> memref<1x!tpu.dma_semaphore, #tpu.memory_space<semaphore_mem>>
    %dma_wait3A_278 = tpu.memref_squeeze %dma_wait3A_277 : memref<1x!tpu.dma_semaphore, #tpu.memory_space<semaphore_mem>> -> memref<!tpu.dma_semaphore, #tpu.memory_space<semaphore_mem>>
    %dma_wait3A_279 = arith.constant 512 : i32
    %dma_wait3A_280 = arith.constant 0 : i32
    %dma_wait3A_281 = tpu.memref_slice %arg11[%dma_wait3A_275, %dma_wait3A_279, %dma_wait3A_280] : memref<8x1024x64xf32, #tpu.memory_space<vmem>> -> memref<1x512x64xf32, #tpu.memory_space<vmem>>
    %dma_wait3A_282 = tpu.memref_squeeze %dma_wait3A_281 : memref<1x512x64xf32, #tpu.memory_space<vmem>> -> memref<512x64xf32, #tpu.memory_space<vmem>>
    %dma_wait3A_283 = arith.constant 512 : i32
    %dma_wait3A_284 = arith.constant 0 : i32
    %dma_wait3A_285 = tpu.memref_slice %arg0[%dma_wait3A_274, %dma_wait3A_283, %dma_wait3A_284] : memref<8x1024x64xf32, #tpu.memory_space<hbm>> -> memref<1x512x64xf32, #tpu.memory_space<hbm>>
    %dma_wait3A_286 = tpu.memref_squeeze %dma_wait3A_285 : memref<1x512x64xf32, #tpu.memory_space<hbm>> -> memref<512x64xf32, #tpu.memory_space<hbm>>
    tpu.wait_dma2 semaphore(%dma_wait3A_278 : memref<!tpu.dma_semaphore, #tpu.memory_space<semaphore_mem>>) src(%dma_wait3A_286 : memref<512x64xf32, #tpu.memory_space<hbm>>) dst(%dma_wait3A_282 : memref<512x64xf32, #tpu.memory_space<vmem>>)
    %get3A_287 = arith.constant 0 : index
    %get3A_288 = arith.constant 0 : index
    %get3A_289 = arith.constant 0 : index
    %get3A_290 = vector.load %arg11[%get3A_287, %get3A_288, %get3A_289] : memref<8x1024x64xf32, #tpu.memory_space<vmem>>, vector<1x256x64xf32>
    %get3A_291 = vector.shape_cast %get3A_290 : vector<1x256x64xf32> to vector<256x64xf32>
    %get3A_292 = arith.constant 0 : index
    %get3A_293 = arith.constant 0 : index
    %get3A_294 = vector.load %arg5[%get3A_292, %get3A_293] : memref<64x64xf32, #tpu.memory_space<vmem>>, vector<64x64xf32>
    %dot_general3A_295 = arith.constant dense<0.000000e+00> : vector<256x64xf32>
    %dot_general3A_296 = tpu.matmul %get3A_291, %get3A_294, %dot_general3A_295 {dimension_numbers = #tpu.dot_dimension_numbers<[1], [0], [0], [1], [0, 0, 1, 1], [], []>, transpose_lhs_hint = false} : vector<256x64xf32>, vector<64x64xf32>, vector<256x64xf32> -> vector<256x64xf32>
    %slice3A = vector.extract_strided_slice %dot_general3A_261 {offsets = [0, 0], sizes = [256, 64], strides = [1, 1]} : vector<1024x64xf32> to vector<256x64xf32>
    %add3A_297 = arith.addf %dot_general3A_296, %slice3A : vector<256x64xf32>
    %swap3A = arith.constant 0 : index
    %swap3A_298 = arith.constant 0 : index
    %swap3A_299 = arith.constant 0 : index
    %swap3A_300 = vector.load %arg8[%swap3A, %swap3A_298, %swap3A_299] : memref<8x1024x64xf32, #tpu.memory_space<vmem>>, vector<1x256x64xf32>
    %swap3A_301 = vector.shape_cast %swap3A_300 : vector<1x256x64xf32> to vector<256x64xf32>
    %swap3A_302 = vector.shape_cast %add3A_297 : vector<256x64xf32> to vector<1x256x64xf32>
    tpu.vector_store %arg8[%swap3A, %swap3A_298, %swap3A_299], %swap3A_302 {strides = array<i32>} : memref<8x1024x64xf32, #tpu.memory_space<vmem>>, vector<1x256x64xf32>,
    %dma_start3A_303 = arith.constant 0 : i32
    %dma_start3A_304 = arith.constant 0 : i32
    %dma_start3A_305 = arith.constant 0 : i32
    %dma_start3A_306 = tpu.memref_slice %arg10[%dma_start3A_305] : memref<32x!tpu.dma_semaphore, #tpu.memory_space<semaphore_mem>> -> memref<1x!tpu.dma_semaphore, #tpu.memory_space<semaphore_mem>>
    %dma_start3A_307 = tpu.memref_squeeze %dma_start3A_306 : memref<1x!tpu.dma_semaphore, #tpu.memory_space<semaphore_mem>> -> memref<!tpu.dma_semaphore, #tpu.memory_space<semaphore_mem>>
    %dma_start3A_308 = arith.constant 0 : i32
    %dma_start3A_309 = arith.constant 0 : i32
    %dma_start3A_310 = tpu.memref_slice %arg7[%dma_start3A_304, %dma_start3A_308, %dma_start3A_309] : memref<8x1024x64xf32, #tpu.memory_space<hbm>> -> memref<1x256x64xf32, #tpu.memory_space<hbm>>
    %dma_start3A_311 = tpu.memref_squeeze %dma_start3A_310 : memref<1x256x64xf32, #tpu.memory_space<hbm>> -> memref<256x64xf32, #tpu.memory_space<hbm>>
    %dma_start3A_312 = arith.constant 0 : i32
    %dma_start3A_313 = arith.constant 0 : i32
    %dma_start3A_314 = tpu.memref_slice %arg8[%dma_start3A_303, %dma_start3A_312, %dma_start3A_313] : memref<8x1024x64xf32, #tpu.memory_space<vmem>> -> memref<1x256x64xf32, #tpu.memory_space<vmem>>
    %dma_start3A_315 = tpu.memref_squeeze %dma_start3A_314 : memref<1x256x64xf32, #tpu.memory_space<vmem>> -> memref<256x64xf32, #tpu.memory_space<vmem>>
    tpu.enqueue_dma source(%dma_start3A_315 : memref<256x64xf32, #tpu.memory_space<vmem>>) target(%dma_start3A_311 : memref<256x64xf32, #tpu.memory_space<hbm>>) target_semaphore(%dma_start3A_307 : memref<!tpu.dma_semaphore, #tpu.memory_space<semaphore_mem>>)
    %get3A_316 = arith.constant 0 : index
    %get3A_317 = arith.constant 256 : index
    %get3A_318 = arith.constant 0 : index
    %get3A_319 = vector.load %arg11[%get3A_316, %get3A_317, %get3A_318] : memref<8x1024x64xf32, #tpu.memory_space<vmem>>, vector<1x256x64xf32>
    %get3A_320 = vector.shape_cast %get3A_319 : vector<1x256x64xf32> to vector<256x64xf32>
    %get3A_321 = arith.constant 0 : index
    %get3A_322 = arith.constant 0 : index
    %get3A_323 = vector.load %arg5[%get3A_321, %get3A_322] : memref<64x64xf32, #tpu.memory_space<vmem>>, vector<64x64xf32>
    %dot_general3A_324 = arith.constant dense<0.000000e+00> : vector<256x64xf32>
    %dot_general3A_325 = tpu.matmul %get3A_320, %get3A_323, %dot_general3A_324 {dimension_numbers = #tpu.dot_dimension_numbers<[1], [0], [0], [1], [0, 0, 1, 1], [], []>, transpose_lhs_hint = false} : vector<256x64xf32>, vector<64x64xf32>, vector<256x64xf32> -> vector<256x64xf32>
    %slice3A_326 = vector.extract_strided_slice %dot_general3A_261 {offsets = [256, 0], sizes = [256, 64], strides = [1, 1]} : vector<1024x64xf32> to vector<256x64xf32>
    %add3A_327 = arith.addf %dot_general3A_325, %slice3A_326 : vector<256x64xf32>
    %swap3A_328 = arith.constant 0 : index
    %swap3A_329 = arith.constant 256 : index
    %swap3A_330 = arith.constant 0 : index
    %swap3A_331 = vector.load %arg8[%swap3A_328, %swap3A_329, %swap3A_330] : memref<8x1024x64xf32, #tpu.memory_space<vmem>>, vector<1x256x64xf32>
    %swap3A_332 = vector.shape_cast %swap3A_331 : vector<1x256x64xf32> to vector<256x64xf32>
    %swap3A_333 = vector.shape_cast %add3A_327 : vector<256x64xf32> to vector<1x256x64xf32>
    tpu.vector_store %arg8[%swap3A_328, %swap3A_329, %swap3A_330], %swap3A_333 {strides = array<i32>} : memref<8x1024x64xf32, #tpu.memory_space<vmem>>, vector<1x256x64xf32>,
    %dma_start3A_334 = arith.constant 0 : i32
    %dma_start3A_335 = arith.constant 0 : i32
    %dma_start3A_336 = arith.constant 1 : i32
    %dma_start3A_337 = tpu.memref_slice %arg10[%dma_start3A_336] : memref<32x!tpu.dma_semaphore, #tpu.memory_space<semaphore_mem>> -> memref<1x!tpu.dma_semaphore, #tpu.memory_space<semaphore_mem>>
    %dma_start3A_338 = tpu.memref_squeeze %dma_start3A_337 : memref<1x!tpu.dma_semaphore, #tpu.memory_space<semaphore_mem>> -> memref<!tpu.dma_semaphore, #tpu.memory_space<semaphore_mem>>
    %dma_start3A_339 = arith.constant 256 : i32
    %dma_start3A_340 = arith.constant 0 : i32
    %dma_start3A_341 = tpu.memref_slice %arg7[%dma_start3A_335, %dma_start3A_339, %dma_start3A_340] : memref<8x1024x64xf32, #tpu.memory_space<hbm>> -> memref<1x256x64xf32, #tpu.memory_space<hbm>>
    %dma_start3A_342 = tpu.memref_squeeze %dma_start3A_341 : memref<1x256x64xf32, #tpu.memory_space<hbm>> -> memref<256x64xf32, #tpu.memory_space<hbm>>
    %dma_start3A_343 = arith.constant 256 : i32
    %dma_start3A_344 = arith.constant 0 : i32
    %dma_start3A_345 = tpu.memref_slice %arg8[%dma_start3A_334, %dma_start3A_343, %dma_start3A_344] : memref<8x1024x64xf32, #tpu.memory_space<vmem>> -> memref<1x256x64xf32, #tpu.memory_space<vmem>>
    %dma_start3A_346 = tpu.memref_squeeze %dma_start3A_345 : memref<1x256x64xf32, #tpu.memory_space<vmem>> -> memref<256x64xf32, #tpu.memory_space<vmem>>
    tpu.enqueue_dma source(%dma_start3A_346 : memref<256x64xf32, #tpu.memory_space<vmem>>) target(%dma_start3A_342 : memref<256x64xf32, #tpu.memory_space<hbm>>) target_semaphore(%dma_start3A_338 : memref<!tpu.dma_semaphore, #tpu.memory_space<semaphore_mem>>)
    %get3A_347 = arith.constant 0 : index
    %get3A_348 = arith.constant 512 : index
    %get3A_349 = arith.constant 0 : index
    %get3A_350 = vector.load %arg11[%get3A_347, %get3A_348, %get3A_349] : memref<8x1024x64xf32, #tpu.memory_space<vmem>>, vector<1x256x64xf32>
    %get3A_351 = vector.shape_cast %get3A_350 : vector<1x256x64xf32> to vector<256x64xf32>
    %get3A_352 = arith.constant 0 : index
    %get3A_353 = arith.constant 0 : index
    %get3A_354 = vector.load %arg5[%get3A_352, %get3A_353] : memref<64x64xf32, #tpu.memory_space<vmem>>, vector<64x64xf32>
    %dot_general3A_355 = arith.constant dense<0.000000e+00> : vector<256x64xf32>
    %dot_general3A_356 = tpu.matmul %get3A_351, %get3A_354, %dot_general3A_355 {dimension_numbers = #tpu.dot_dimension_numbers<[1], [0], [0], [1], [0, 0, 1, 1], [], []>, transpose_lhs_hint = false} : vector<256x64xf32>, vector<64x64xf32>, vector<256x64xf32> -> vector<256x64xf32>
    %slice3A_357 = vector.extract_strided_slice %dot_general3A_261 {offsets = [512, 0], sizes = [256, 64], strides = [1, 1]} : vector<1024x64xf32> to vector<256x64xf32>
    %add3A_358 = arith.addf %dot_general3A_356, %slice3A_357 : vector<256x64xf32>
    %swap3A_359 = arith.constant 0 : index
    %swap3A_360 = arith.constant 512 : index
    %swap3A_361 = arith.constant 0 : index
    %swap3A_362 = vector.load %arg8[%swap3A_359, %swap3A_360, %swap3A_361] : memref<8x1024x64xf32, #tpu.memory_space<vmem>>, vector<1x256x64xf32>
    %swap3A_363 = vector.shape_cast %swap3A_362 : vector<1x256x64xf32> to vector<256x64xf32>
    %swap3A_364 = vector.shape_cast %add3A_358 : vector<256x64xf32> to vector<1x256x64xf32>
    tpu.vector_store %arg8[%swap3A_359, %swap3A_360, %swap3A_361], %swap3A_364 {strides = array<i32>} : memref<8x1024x64xf32, #tpu.memory_space<vmem>>, vector<1x256x64xf32>,
    %dma_start3A_365 = arith.constant 0 : i32
    %dma_start3A_366 = arith.constant 0 : i32
    %dma_start3A_367 = arith.constant 2 : i32
    %dma_start3A_368 = tpu.memref_slice %arg10[%dma_start3A_367] : memref<32x!tpu.dma_semaphore, #tpu.memory_space<semaphore_mem>> -> memref<1x!tpu.dma_semaphore, #tpu.memory_space<semaphore_mem>>
    %dma_start3A_369 = tpu.memref_squeeze %dma_start3A_368 : memref<1x!tpu.dma_semaphore, #tpu.memory_space<semaphore_mem>> -> memref<!tpu.dma_semaphore, #tpu.memory_space<semaphore_mem>>
    %dma_start3A_370 = arith.constant 512 : i32
    %dma_start3A_371 = arith.constant 0 : i32
    %dma_start3A_372 = tpu.memref_slice %arg7[%dma_start3A_366, %dma_start3A_370, %dma_start3A_371] : memref<8x1024x64xf32, #tpu.memory_space<hbm>> -> memref<1x256x64xf32, #tpu.memory_space<hbm>>
    %dma_start3A_373 = tpu.memref_squeeze %dma_start3A_372 : memref<1x256x64xf32, #tpu.memory_space<hbm>> -> memref<256x64xf32, #tpu.memory_space<hbm>>
    %dma_start3A_374 = arith.constant 512 : i32
    %dma_start3A_375 = arith.constant 0 : i32
    %dma_start3A_376 = tpu.memref_slice %arg8[%dma_start3A_365, %dma_start3A_374, %dma_start3A_375] : memref<8x1024x64xf32, #tpu.memory_space<vmem>> -> memref<1x256x64xf32, #tpu.memory_space<vmem>>
    %dma_start3A_377 = tpu.memref_squeeze %dma_start3A_376 : memref<1x256x64xf32, #tpu.memory_space<vmem>> -> memref<256x64xf32, #tpu.memory_space<vmem>>
    tpu.enqueue_dma source(%dma_start3A_377 : memref<256x64xf32, #tpu.memory_space<vmem>>) target(%dma_start3A_373 : memref<256x64xf32, #tpu.memory_space<hbm>>) target_semaphore(%dma_start3A_369 : memref<!tpu.dma_semaphore, #tpu.memory_space<semaphore_mem>>)
    %get3A_378 = arith.constant 0 : index
    %get3A_379 = arith.constant 768 : index
    %get3A_380 = arith.constant 0 : index
    %get3A_381 = vector.load %arg11[%get3A_378, %get3A_379, %get3A_380] : memref<8x1024x64xf32, #tpu.memory_space<vmem>>, vector<1x256x64xf32>
    %get3A_382 = vector.shape_cast %get3A_381 : vector<1x256x64xf32> to vector<256x64xf32>
    %get3A_383 = arith.constant 0 : index
    %get3A_384 = arith.constant 0 : index
    %get3A_385 = vector.load %arg5[%get3A_383, %get3A_384] : memref<64x64xf32, #tpu.memory_space<vmem>>, vector<64x64xf32>
    %dot_general3A_386 = arith.constant dense<0.000000e+00> : vector<256x64xf32>
    %dot_general3A_387 = tpu.matmul %get3A_382, %get3A_385, %dot_general3A_386 {dimension_numbers = #tpu.dot_dimension_numbers<[1], [0], [0], [1], [0, 0, 1, 1], [], []>, transpose_lhs_hint = false} : vector<256x64xf32>, vector<64x64xf32>, vector<256x64xf32> -> vector<256x64xf32>
    %slice3A_388 = vector.extract_strided_slice %dot_general3A_261 {offsets = [768, 0], sizes = [256, 64], strides = [1, 1]} : vector<1024x64xf32> to vector<256x64xf32>
    %add3A_389 = arith.addf %dot_general3A_387, %slice3A_388 : vector<256x64xf32>
    %swap3A_390 = arith.constant 0 : index
    %swap3A_391 = arith.constant 768 : index
    %swap3A_392 = arith.constant 0 : index
    %swap3A_393 = vector.load %arg8[%swap3A_390, %swap3A_391, %swap3A_392] : memref<8x1024x64xf32, #tpu.memory_space<vmem>>, vector<1x256x64xf32>
    %swap3A_394 = vector.shape_cast %swap3A_393 : vector<1x256x64xf32> to vector<256x64xf32>
    %swap3A_395 = vector.shape_cast %add3A_389 : vector<256x64xf32> to vector<1x256x64xf32>
    tpu.vector_store %arg8[%swap3A_390, %swap3A_391, %swap3A_392], %swap3A_395 {strides = array<i32>} : memref<8x1024x64xf32, #tpu.memory_space<vmem>>, vector<1x256x64xf32>,
    %dma_start3A_396 = arith.constant 0 : i32
    %dma_start3A_397 = arith.constant 0 : i32
    %dma_start3A_398 = arith.constant 3 : i32
    %dma_start3A_399 = tpu.memref_slice %arg10[%dma_start3A_398] : memref<32x!tpu.dma_semaphore, #tpu.memory_space<semaphore_mem>> -> memref<1x!tpu.dma_semaphore, #tpu.memory_space<semaphore_mem>>
    %dma_start3A_400 = tpu.memref_squeeze %dma_start3A_399 : memref<1x!tpu.dma_semaphore, #tpu.memory_space<semaphore_mem>> -> memref<!tpu.dma_semaphore, #tpu.memory_space<semaphore_mem>>
    %dma_start3A_401 = arith.constant 768 : i32
    %dma_start3A_402 = arith.constant 0 : i32
    %dma_start3A_403 = tpu.memref_slice %arg7[%dma_start3A_397, %dma_start3A_401, %dma_start3A_402] : memref<8x1024x64xf32, #tpu.memory_space<hbm>> -> memref<1x256x64xf32, #tpu.memory_space<hbm>>
    %dma_start3A_404 = tpu.memref_squeeze %dma_start3A_403 : memref<1x256x64xf32, #tpu.memory_space<hbm>> -> memref<256x64xf32, #tpu.memory_space<hbm>>
    %dma_start3A_405 = arith.constant 768 : i32
    %dma_start3A_406 = arith.constant 0 : i32
    %dma_start3A_407 = tpu.memref_slice %arg8[%dma_start3A_396, %dma_start3A_405, %dma_start3A_406] : memref<8x1024x64xf32, #tpu.memory_space<vmem>> -> memref<1x256x64xf32, #tpu.memory_space<vmem>>
    %dma_start3A_408 = tpu.memref_squeeze %dma_start3A_407 : memref<1x256x64xf32, #tpu.memory_space<vmem>> -> memref<256x64xf32, #tpu.memory_space<vmem>>
    tpu.enqueue_dma source(%dma_start3A_408 : memref<256x64xf32, #tpu.memory_space<vmem>>) target(%dma_start3A_404 : memref<256x64xf32, #tpu.memory_space<hbm>>) target_semaphore(%dma_start3A_400 : memref<!tpu.dma_semaphore, #tpu.memory_space<semaphore_mem>>)
    %dma_wait3A_409 = arith.constant 1 : i32
    %dma_wait3A_410 = arith.constant 1 : i32
    %dma_wait3A_411 = arith.constant 2 : i32
    %dma_wait3A_412 = tpu.memref_slice %arg9[%dma_wait3A_411] : memref<16x!tpu.dma_semaphore, #tpu.memory_space<semaphore_mem>> -> memref<1x!tpu.dma_semaphore, #tpu.memory_space<semaphore_mem>>
    %dma_wait3A_413 = tpu.memref_squeeze %dma_wait3A_412 : memref<1x!tpu.dma_semaphore, #tpu.memory_space<semaphore_mem>> -> memref<!tpu.dma_semaphore, #tpu.memory_space<semaphore_mem>>
    %dma_wait3A_414 = arith.constant 0 : i32
    %dma_wait3A_415 = arith.constant 0 : i32
    %dma_wait3A_416 = tpu.memref_slice %arg11[%dma_wait3A_410, %dma_wait3A_414, %dma_wait3A_415] : memref<8x1024x64xf32, #tpu.memory_space<vmem>> -> memref<1x512x64xf32, #tpu.memory_space<vmem>>
    %dma_wait3A_417 = tpu.memref_squeeze %dma_wait3A_416 : memref<1x512x64xf32, #tpu.memory_space<vmem>> -> memref<512x64xf32, #tpu.memory_space<vmem>>
    %dma_wait3A_418 = arith.constant 0 : i32
    %dma_wait3A_419 = arith.constant 0 : i32
    %dma_wait3A_420 = tpu.memref_slice %arg0[%dma_wait3A_409, %dma_wait3A_418, %dma_wait3A_419] : memref<8x1024x64xf32, #tpu.memory_space<hbm>> -> memref<1x512x64xf32, #tpu.memory_space<hbm>>
    %dma_wait3A_421 = tpu.memref_squeeze %dma_wait3A_420 : memref<1x512x64xf32, #tpu.memory_space<hbm>> -> memref<512x64xf32, #tpu.memory_space<hbm>>
    tpu.wait_dma2 semaphore(%dma_wait3A_413 : memref<!tpu.dma_semaphore, #tpu.memory_space<semaphore_mem>>) src(%dma_wait3A_421 : memref<512x64xf32, #tpu.memory_space<hbm>>) dst(%dma_wait3A_417 : memref<512x64xf32, #tpu.memory_space<vmem>>)
    %dma_wait3A_422 = arith.constant 1 : i32
    %dma_wait3A_423 = arith.constant 1 : i32
    %dma_wait3A_424 = arith.constant 3 : i32
    %dma_wait3A_425 = tpu.memref_slice %arg9[%dma_wait3A_424] : memref<16x!tpu.dma_semaphore, #tpu.memory_space<semaphore_mem>> -> memref<1x!tpu.dma_semaphore, #tpu.memory_space<semaphore_mem>>
    %dma_wait3A_426 = tpu.memref_squeeze %dma_wait3A_425 : memref<1x!tpu.dma_semaphore, #tpu.memory_space<semaphore_mem>> -> memref<!tpu.dma_semaphore, #tpu.memory_space<semaphore_mem>>
    %dma_wait3A_427 = arith.constant 512 : i32
    %dma_wait3A_428 = arith.constant 0 : i32
    %dma_wait3A_429 = tpu.memref_slice %arg11[%dma_wait3A_423, %dma_wait3A_427, %dma_wait3A_428] : memref<8x1024x64xf32, #tpu.memory_space<vmem>> -> memref<1x512x64xf32, #tpu.memory_space<vmem>>
    %dma_wait3A_430 = tpu.memref_squeeze %dma_wait3A_429 : memref<1x512x64xf32, #tpu.memory_space<vmem>> -> memref<512x64xf32, #tpu.memory_space<vmem>>
    %dma_wait3A_431 = arith.constant 512 : i32
    %dma_wait3A_432 = arith.constant 0 : i32
    %dma_wait3A_433 = tpu.memref_slice %arg0[%dma_wait3A_422, %dma_wait3A_431, %dma_wait3A_432] : memref<8x1024x64xf32, #tpu.memory_space<hbm>> -> memref<1x512x64xf32, #tpu.memory_space<hbm>>
    %dma_wait3A_434 = tpu.memref_squeeze %dma_wait3A_433 : memref<1x512x64xf32, #tpu.memory_space<hbm>> -> memref<512x64xf32, #tpu.memory_space<hbm>>
    tpu.wait_dma2 semaphore(%dma_wait3A_426 : memref<!tpu.dma_semaphore, #tpu.memory_space<semaphore_mem>>) src(%dma_wait3A_434 : memref<512x64xf32, #tpu.memory_space<hbm>>) dst(%dma_wait3A_430 : memref<512x64xf32, #tpu.memory_space<vmem>>)
    %get3A_435 = arith.constant 1 : index
    %get3A_436 = arith.constant 0 : index
    %get3A_437 = arith.constant 0 : index
    %get3A_438 = vector.load %arg11[%get3A_435, %get3A_436, %get3A_437] : memref<8x1024x64xf32, #tpu.memory_space<vmem>>, vector<1x256x64xf32>
    %get3A_439 = vector.shape_cast %get3A_438 : vector<1x256x64xf32> to vector<256x64xf32>
    %get3A_440 = arith.constant 0 : index
    %get3A_441 = arith.constant 0 : index
    %get3A_442 = vector.load %arg5[%get3A_440, %get3A_441] : memref<64x64xf32, #tpu.memory_space<vmem>>, vector<64x64xf32>
    %dot_general3A_443 = arith.constant dense<0.000000e+00> : vector<256x64xf32>
    %dot_general3A_444 = tpu.matmul %get3A_439, %get3A_442, %dot_general3A_443 {dimension_numbers = #tpu.dot_dimension_numbers<[1], [0], [0], [1], [0, 0, 1, 1], [], []>, transpose_lhs_hint = false} : vector<256x64xf32>, vector<64x64xf32>, vector<256x64xf32> -> vector<256x64xf32>
    %slice3A_445 = vector.extract_strided_slice %dot_general3A_261 {offsets = [0, 0], sizes = [256, 64], strides = [1, 1]} : vector<1024x64xf32> to vector<256x64xf32>
    %add3A_446 = arith.addf %dot_general3A_444, %slice3A_445 : vector<256x64xf32>
    %swap3A_447 = arith.constant 1 : index
    %swap3A_448 = arith.constant 0 : index
    %swap3A_449 = arith.constant 0 : index
    %swap3A_450 = vector.load %arg8[%swap3A_447, %swap3A_448, %swap3A_449] : memref<8x1024x64xf32, #tpu.memory_space<vmem>>, vector<1x256x64xf32>
    %swap3A_451 = vector.shape_cast %swap3A_450 : vector<1x256x64xf32> to vector<256x64xf32>
    %swap3A_452 = vector.shape_cast %add3A_446 : vector<256x64xf32> to vector<1x256x64xf32>
    tpu.vector_store %arg8[%swap3A_447, %swap3A_448, %swap3A_449], %swap3A_452 {strides = array<i32>} : memref<8x1024x64xf32, #tpu.memory_space<vmem>>, vector<1x256x64xf32>,
    %dma_start3A_453 = arith.constant 1 : i32
    %dma_start3A_454 = arith.constant 1 : i32
    %dma_start3A_455 = arith.constant 4 : i32
    %dma_start3A_456 = tpu.memref_slice %arg10[%dma_start3A_455] : memref<32x!tpu.dma_semaphore, #tpu.memory_space<semaphore_mem>> -> memref<1x!tpu.dma_semaphore, #tpu.memory_space<semaphore_mem>>
    %dma_start3A_457 = tpu.memref_squeeze %dma_start3A_456 : memref<1x!tpu.dma_semaphore, #tpu.memory_space<semaphore_mem>> -> memref<!tpu.dma_semaphore, #tpu.memory_space<semaphore_mem>>
    %dma_start3A_458 = arith.constant 0 : i32
    %dma_start3A_459 = arith.constant 0 : i32
    %dma_start3A_460 = tpu.memref_slice %arg7[%dma_start3A_454, %dma_start3A_458, %dma_start3A_459] : memref<8x1024x64xf32, #tpu.memory_space<hbm>> -> memref<1x256x64xf32, #tpu.memory_space<hbm>>
    %dma_start3A_461 = tpu.memref_squeeze %dma_start3A_460 : memref<1x256x64xf32, #tpu.memory_space<hbm>> -> memref<256x64xf32, #tpu.memory_space<hbm>>
    %dma_start3A_462 = arith.constant 0 : i32
    %dma_start3A_463 = arith.constant 0 : i32
    %dma_start3A_464 = tpu.memref_slice %arg8[%dma_start3A_453, %dma_start3A_462, %dma_start3A_463] : memref<8x1024x64xf32, #tpu.memory_space<vmem>> -> memref<1x256x64xf32, #tpu.memory_space<vmem>>
    %dma_start3A_465 = tpu.memref_squeeze %dma_start3A_464 : memref<1x256x64xf32, #tpu.memory_space<vmem>> -> memref<256x64xf32, #tpu.memory_space<vmem>>
    tpu.enqueue_dma source(%dma_start3A_465 : memref<256x64xf32, #tpu.memory_space<vmem>>) target(%dma_start3A_461 : memref<256x64xf32, #tpu.memory_space<hbm>>) target_semaphore(%dma_start3A_457 : memref<!tpu.dma_semaphore, #tpu.memory_space<semaphore_mem>>)
    %get3A_466 = arith.constant 1 : index
    %get3A_467 = arith.constant 256 : index
    %get3A_468 = arith.constant 0 : index
    %get3A_469 = vector.load %arg11[%get3A_466, %get3A_467, %get3A_468] : memref<8x1024x64xf32, #tpu.memory_space<vmem>>, vector<1x256x64xf32>
    %get3A_470 = vector.shape_cast %get3A_469 : vector<1x256x64xf32> to vector<256x64xf32>
    %get3A_471 = arith.constant 0 : index
    %get3A_472 = arith.constant 0 : index
    %get3A_473 = vector.load %arg5[%get3A_471, %get3A_472] : memref<64x64xf32, #tpu.memory_space<vmem>>, vector<64x64xf32>
    %dot_general3A_474 = arith.constant dense<0.000000e+00> : vector<256x64xf32>
    %dot_general3A_475 = tpu.matmul %get3A_470, %get3A_473, %dot_general3A_474 {dimension_numbers = #tpu.dot_dimension_numbers<[1], [0], [0], [1], [0, 0, 1, 1], [], []>, transpose_lhs_hint = false} : vector<256x64xf32>, vector<64x64xf32>, vector<256x64xf32> -> vector<256x64xf32>
    %slice3A_476 = vector.extract_strided_slice %dot_general3A_261 {offsets = [256, 0], sizes = [256, 64], strides = [1, 1]} : vector<1024x64xf32> to vector<256x64xf32>
    %add3A_477 = arith.addf %dot_general3A_475, %slice3A_476 : vector<256x64xf32>
    %swap3A_478 = arith.constant 1 : index
    %swap3A_479 = arith.constant 256 : index
    %swap3A_480 = arith.constant 0 : index
    %swap3A_481 = vector.load %arg8[%swap3A_478, %swap3A_479, %swap3A_480] : memref<8x1024x64xf32, #tpu.memory_space<vmem>>, vector<1x256x64xf32>
    %swap3A_482 = vector.shape_cast %swap3A_481 : vector<1x256x64xf32> to vector<256x64xf32>
    %swap3A_483 = vector.shape_cast %add3A_477 : vector<256x64xf32> to vector<1x256x64xf32>
    tpu.vector_store %arg8[%swap3A_478, %swap3A_479, %swap3A_480], %swap3A_483 {strides = array<i32>} : memref<8x1024x64xf32, #tpu.memory_space<vmem>>, vector<1x256x64xf32>,
    %dma_start3A_484 = arith.constant 1 : i32
    %dma_start3A_485 = arith.constant 1 : i32
    %dma_start3A_486 = arith.constant 5 : i32
    %dma_start3A_487 = tpu.memref_slice %arg10[%dma_start3A_486] : memref<32x!tpu.dma_semaphore, #tpu.memory_space<semaphore_mem>> -> memref<1x!tpu.dma_semaphore, #tpu.memory_space<semaphore_mem>>
    %dma_start3A_488 = tpu.memref_squeeze %dma_start3A_487 : memref<1x!tpu.dma_semaphore, #tpu.memory_space<semaphore_mem>> -> memref<!tpu.dma_semaphore, #tpu.memory_space<semaphore_mem>>
    %dma_start3A_489 = arith.constant 256 : i32
    %dma_start3A_490 = arith.constant 0 : i32
    %dma_start3A_491 = tpu.memref_slice %arg7[%dma_start3A_485, %dma_start3A_489, %dma_start3A_490] : memref<8x1024x64xf32, #tpu.memory_space<hbm>> -> memref<1x256x64xf32, #tpu.memory_space<hbm>>
    %dma_start3A_492 = tpu.memref_squeeze %dma_start3A_491 : memref<1x256x64xf32, #tpu.memory_space<hbm>> -> memref<256x64xf32, #tpu.memory_space<hbm>>
    %dma_start3A_493 = arith.constant 256 : i32
    %dma_start3A_494 = arith.constant 0 : i32
    %dma_start3A_495 = tpu.memref_slice %arg8[%dma_start3A_484, %dma_start3A_493, %dma_start3A_494] : memref<8x1024x64xf32, #tpu.memory_space<vmem>> -> memref<1x256x64xf32, #tpu.memory_space<vmem>>
    %dma_start3A_496 = tpu.memref_squeeze %dma_start3A_495 : memref<1x256x64xf32, #tpu.memory_space<vmem>> -> memref<256x64xf32, #tpu.memory_space<vmem>>
    tpu.enqueue_dma source(%dma_start3A_496 : memref<256x64xf32, #tpu.memory_space<vmem>>) target(%dma_start3A_492 : memref<256x64xf32, #tpu.memory_space<hbm>>) target_semaphore(%dma_start3A_488 : memref<!tpu.dma_semaphore, #tpu.memory_space<semaphore_mem>>)
    %get3A_497 = arith.constant 1 : index
    %get3A_498 = arith.constant 512 : index
    %get3A_499 = arith.constant 0 : index
    %get3A_500 = vector.load %arg11[%get3A_497, %get3A_498, %get3A_499] : memref<8x1024x64xf32, #tpu.memory_space<vmem>>, vector<1x256x64xf32>
    %get3A_501 = vector.shape_cast %get3A_500 : vector<1x256x64xf32> to vector<256x64xf32>
    %get3A_502 = arith.constant 0 : index
    %get3A_503 = arith.constant 0 : index
    %get3A_504 = vector.load %arg5[%get3A_502, %get3A_503] : memref<64x64xf32, #tpu.memory_space<vmem>>, vector<64x64xf32>
    %dot_general3A_505 = arith.constant dense<0.000000e+00> : vector<256x64xf32>
    %dot_general3A_506 = tpu.matmul %get3A_501, %get3A_504, %dot_general3A_505 {dimension_numbers = #tpu.dot_dimension_numbers<[1], [0], [0], [1], [0, 0, 1, 1], [], []>, transpose_lhs_hint = false} : vector<256x64xf32>, vector<64x64xf32>, vector<256x64xf32> -> vector<256x64xf32>
    %slice3A_507 = vector.extract_strided_slice %dot_general3A_261 {offsets = [512, 0], sizes = [256, 64], strides = [1, 1]} : vector<1024x64xf32> to vector<256x64xf32>
    %add3A_508 = arith.addf %dot_general3A_506, %slice3A_507 : vector<256x64xf32>
    %swap3A_509 = arith.constant 1 : index
    %swap3A_510 = arith.constant 512 : index
    %swap3A_511 = arith.constant 0 : index
    %swap3A_512 = vector.load %arg8[%swap3A_509, %swap3A_510, %swap3A_511] : memref<8x1024x64xf32, #tpu.memory_space<vmem>>, vector<1x256x64xf32>
    %swap3A_513 = vector.shape_cast %swap3A_512 : vector<1x256x64xf32> to vector<256x64xf32>
    %swap3A_514 = vector.shape_cast %add3A_508 : vector<256x64xf32> to vector<1x256x64xf32>
    tpu.vector_store %arg8[%swap3A_509, %swap3A_510, %swap3A_511], %swap3A_514 {strides = array<i32>} : memref<8x1024x64xf32, #tpu.memory_space<vmem>>, vector<1x256x64xf32>,
    %dma_start3A_515 = arith.constant 1 : i32
    %dma_start3A_516 = arith.constant 1 : i32
    %dma_start3A_517 = arith.constant 6 : i32
    %dma_start3A_518 = tpu.memref_slice %arg10[%dma_start3A_517] : memref<32x!tpu.dma_semaphore, #tpu.memory_space<semaphore_mem>> -> memref<1x!tpu.dma_semaphore, #tpu.memory_space<semaphore_mem>>
    %dma_start3A_519 = tpu.memref_squeeze %dma_start3A_518 : memref<1x!tpu.dma_semaphore, #tpu.memory_space<semaphore_mem>> -> memref<!tpu.dma_semaphore, #tpu.memory_space<semaphore_mem>>
    %dma_start3A_520 = arith.constant 512 : i32
    %dma_start3A_521 = arith.constant 0 : i32
    %dma_start3A_522 = tpu.memref_slice %arg7[%dma_start3A_516, %dma_start3A_520, %dma_start3A_521] : memref<8x1024x64xf32, #tpu.memory_space<hbm>> -> memref<1x256x64xf32, #tpu.memory_space<hbm>>
    %dma_start3A_523 = tpu.memref_squeeze %dma_start3A_522 : memref<1x256x64xf32, #tpu.memory_space<hbm>> -> memref<256x64xf32, #tpu.memory_space<hbm>>
    %dma_start3A_524 = arith.constant 512 : i32
    %dma_start3A_525 = arith.constant 0 : i32
    %dma_start3A_526 = tpu.memref_slice %arg8[%dma_start3A_515, %dma_start3A_524, %dma_start3A_525] : memref<8x1024x64xf32, #tpu.memory_space<vmem>> -> memref<1x256x64xf32, #tpu.memory_space<vmem>>
    %dma_start3A_527 = tpu.memref_squeeze %dma_start3A_526 : memref<1x256x64xf32, #tpu.memory_space<vmem>> -> memref<256x64xf32, #tpu.memory_space<vmem>>
    tpu.enqueue_dma source(%dma_start3A_527 : memref<256x64xf32, #tpu.memory_space<vmem>>) target(%dma_start3A_523 : memref<256x64xf32, #tpu.memory_space<hbm>>) target_semaphore(%dma_start3A_519 : memref<!tpu.dma_semaphore, #tpu.memory_space<semaphore_mem>>)
    %get3A_528 = arith.constant 1 : index
    %get3A_529 = arith.constant 768 : index
    %get3A_530 = arith.constant 0 : index
    %get3A_531 = vector.load %arg11[%get3A_528, %get3A_529, %get3A_530] : memref<8x1024x64xf32, #tpu.memory_space<vmem>>, vector<1x256x64xf32>
    %get3A_532 = vector.shape_cast %get3A_531 : vector<1x256x64xf32> to vector<256x64xf32>
    %get3A_533 = arith.constant 0 : index
    %get3A_534 = arith.constant 0 : index
    %get3A_535 = vector.load %arg5[%get3A_533, %get3A_534] : memref<64x64xf32, #tpu.memory_space<vmem>>, vector<64x64xf32>
    %dot_general3A_536 = arith.constant dense<0.000000e+00> : vector<256x64xf32>
    %dot_general3A_537 = tpu.matmul %get3A_532, %get3A_535, %dot_general3A_536 {dimension_numbers = #tpu.dot_dimension_numbers<[1], [0], [0], [1], [0, 0, 1, 1], [], []>, transpose_lhs_hint = false} : vector<256x64xf32>, vector<64x64xf32>, vector<256x64xf32> -> vector<256x64xf32>
    %slice3A_538 = vector.extract_strided_slice %dot_general3A_261 {offsets = [768, 0], sizes = [256, 64], strides = [1, 1]} : vector<1024x64xf32> to vector<256x64xf32>
    %add3A_539 = arith.addf %dot_general3A_537, %slice3A_538 : vector<256x64xf32>
    %swap3A_540 = arith.constant 1 : index
    %swap3A_541 = arith.constant 768 : index
    %swap3A_542 = arith.constant 0 : index
    %swap3A_543 = vector.load %arg8[%swap3A_540, %swap3A_541, %swap3A_542] : memref<8x1024x64xf32, #tpu.memory_space<vmem>>, vector<1x256x64xf32>
    %swap3A_544 = vector.shape_cast %swap3A_543 : vector<1x256x64xf32> to vector<256x64xf32>
    %swap3A_545 = vector.shape_cast %add3A_539 : vector<256x64xf32> to vector<1x256x64xf32>
    tpu.vector_store %arg8[%swap3A_540, %swap3A_541, %swap3A_542], %swap3A_545 {strides = array<i32>} : memref<8x1024x64xf32, #tpu.memory_space<vmem>>, vector<1x256x64xf32>,
    %dma_start3A_546 = arith.constant 1 : i32
    %dma_start3A_547 = arith.constant 1 : i32
    %dma_start3A_548 = arith.constant 7 : i32
    %dma_start3A_549 = tpu.memref_slice %arg10[%dma_start3A_548] : memref<32x!tpu.dma_semaphore, #tpu.memory_space<semaphore_mem>> -> memref<1x!tpu.dma_semaphore, #tpu.memory_space<semaphore_mem>>
    %dma_start3A_550 = tpu.memref_squeeze %dma_start3A_549 : memref<1x!tpu.dma_semaphore, #tpu.memory_space<semaphore_mem>> -> memref<!tpu.dma_semaphore, #tpu.memory_space<semaphore_mem>>
    %dma_start3A_551 = arith.constant 768 : i32
    %dma_start3A_552 = arith.constant 0 : i32
    %dma_start3A_553 = tpu.memref_slice %arg7[%dma_start3A_547, %dma_start3A_551, %dma_start3A_552] : memref<8x1024x64xf32, #tpu.memory_space<hbm>> -> memref<1x256x64xf32, #tpu.memory_space<hbm>>
    %dma_start3A_554 = tpu.memref_squeeze %dma_start3A_553 : memref<1x256x64xf32, #tpu.memory_space<hbm>> -> memref<256x64xf32, #tpu.memory_space<hbm>>
    %dma_start3A_555 = arith.constant 768 : i32
    %dma_start3A_556 = arith.constant 0 : i32
    %dma_start3A_557 = tpu.memref_slice %arg8[%dma_start3A_546, %dma_start3A_555, %dma_start3A_556] : memref<8x1024x64xf32, #tpu.memory_space<vmem>> -> memref<1x256x64xf32, #tpu.memory_space<vmem>>
    %dma_start3A_558 = tpu.memref_squeeze %dma_start3A_557 : memref<1x256x64xf32, #tpu.memory_space<vmem>> -> memref<256x64xf32, #tpu.memory_space<vmem>>
    tpu.enqueue_dma source(%dma_start3A_558 : memref<256x64xf32, #tpu.memory_space<vmem>>) target(%dma_start3A_554 : memref<256x64xf32, #tpu.memory_space<hbm>>) target_semaphore(%dma_start3A_550 : memref<!tpu.dma_semaphore, #tpu.memory_space<semaphore_mem>>)
    %dma_wait3A_559 = arith.constant 2 : i32
    %dma_wait3A_560 = arith.constant 2 : i32
    %dma_wait3A_561 = arith.constant 4 : i32
    %dma_wait3A_562 = tpu.memref_slice %arg9[%dma_wait3A_561] : memref<16x!tpu.dma_semaphore, #tpu.memory_space<semaphore_mem>> -> memref<1x!tpu.dma_semaphore, #tpu.memory_space<semaphore_mem>>
    %dma_wait3A_563 = tpu.memref_squeeze %dma_wait3A_562 : memref<1x!tpu.dma_semaphore, #tpu.memory_space<semaphore_mem>> -> memref<!tpu.dma_semaphore, #tpu.memory_space<semaphore_mem>>
    %dma_wait3A_564 = arith.constant 0 : i32
    %dma_wait3A_565 = arith.constant 0 : i32
    %dma_wait3A_566 = tpu.memref_slice %arg11[%dma_wait3A_560, %dma_wait3A_564, %dma_wait3A_565] : memref<8x1024x64xf32, #tpu.memory_space<vmem>> -> memref<1x512x64xf32, #tpu.memory_space<vmem>>
    %dma_wait3A_567 = tpu.memref_squeeze %dma_wait3A_566 : memref<1x512x64xf32, #tpu.memory_space<vmem>> -> memref<512x64xf32, #tpu.memory_space<vmem>>
    %dma_wait3A_568 = arith.constant 0 : i32
    %dma_wait3A_569 = arith.constant 0 : i32
    %dma_wait3A_570 = tpu.memref_slice %arg0[%dma_wait3A_559, %dma_wait3A_568, %dma_wait3A_569] : memref<8x1024x64xf32, #tpu.memory_space<hbm>> -> memref<1x512x64xf32, #tpu.memory_space<hbm>>
    %dma_wait3A_571 = tpu.memref_squeeze %dma_wait3A_570 : memref<1x512x64xf32, #tpu.memory_space<hbm>> -> memref<512x64xf32, #tpu.memory_space<hbm>>
    tpu.wait_dma2 semaphore(%dma_wait3A_563 : memref<!tpu.dma_semaphore, #tpu.memory_space<semaphore_mem>>) src(%dma_wait3A_571 : memref<512x64xf32, #tpu.memory_space<hbm>>) dst(%dma_wait3A_567 : memref<512x64xf32, #tpu.memory_space<vmem>>)
    %dma_wait3A_572 = arith.constant 2 : i32
    %dma_wait3A_573 = arith.constant 2 : i32
    %dma_wait3A_574 = arith.constant 5 : i32
    %dma_wait3A_575 = tpu.memref_slice %arg9[%dma_wait3A_574] : memref<16x!tpu.dma_semaphore, #tpu.memory_space<semaphore_mem>> -> memref<1x!tpu.dma_semaphore, #tpu.memory_space<semaphore_mem>>
    %dma_wait3A_576 = tpu.memref_squeeze %dma_wait3A_575 : memref<1x!tpu.dma_semaphore, #tpu.memory_space<semaphore_mem>> -> memref<!tpu.dma_semaphore, #tpu.memory_space<semaphore_mem>>
    %dma_wait3A_577 = arith.constant 512 : i32
    %dma_wait3A_578 = arith.constant 0 : i32
    %dma_wait3A_579 = tpu.memref_slice %arg11[%dma_wait3A_573, %dma_wait3A_577, %dma_wait3A_578] : memref<8x1024x64xf32, #tpu.memory_space<vmem>> -> memref<1x512x64xf32, #tpu.memory_space<vmem>>
    %dma_wait3A_580 = tpu.memref_squeeze %dma_wait3A_579 : memref<1x512x64xf32, #tpu.memory_space<vmem>> -> memref<512x64xf32, #tpu.memory_space<vmem>>
    %dma_wait3A_581 = arith.constant 512 : i32
    %dma_wait3A_582 = arith.constant 0 : i32
    %dma_wait3A_583 = tpu.memref_slice %arg0[%dma_wait3A_572, %dma_wait3A_581, %dma_wait3A_582] : memref<8x1024x64xf32, #tpu.memory_space<hbm>> -> memref<1x512x64xf32, #tpu.memory_space<hbm>>
    %dma_wait3A_584 = tpu.memref_squeeze %dma_wait3A_583 : memref<1x512x64xf32, #tpu.memory_space<hbm>> -> memref<512x64xf32, #tpu.memory_space<hbm>>
    tpu.wait_dma2 semaphore(%dma_wait3A_576 : memref<!tpu.dma_semaphore, #tpu.memory_space<semaphore_mem>>) src(%dma_wait3A_584 : memref<512x64xf32, #tpu.memory_space<hbm>>) dst(%dma_wait3A_580 : memref<512x64xf32, #tpu.memory_space<vmem>>)
    %get3A_585 = arith.constant 2 : index
    %get3A_586 = arith.constant 0 : index
    %get3A_587 = arith.constant 0 : index
    %get3A_588 = vector.load %arg11[%get3A_585, %get3A_586, %get3A_587] : memref<8x1024x64xf32, #tpu.memory_space<vmem>>, vector<1x256x64xf32>
    %get3A_589 = vector.shape_cast %get3A_588 : vector<1x256x64xf32> to vector<256x64xf32>
    %get3A_590 = arith.constant 0 : index
    %get3A_591 = arith.constant 0 : index
    %get3A_592 = vector.load %arg5[%get3A_590, %get3A_591] : memref<64x64xf32, #tpu.memory_space<vmem>>, vector<64x64xf32>
    %dot_general3A_593 = arith.constant dense<0.000000e+00> : vector<256x64xf32>
    %dot_general3A_594 = tpu.matmul %get3A_589, %get3A_592, %dot_general3A_593 {dimension_numbers = #tpu.dot_dimension_numbers<[1], [0], [0], [1], [0, 0, 1, 1], [], []>, transpose_lhs_hint = false} : vector<256x64xf32>, vector<64x64xf32>, vector<256x64xf32> -> vector<256x64xf32>
    %slice3A_595 = vector.extract_strided_slice %dot_general3A_261 {offsets = [0, 0], sizes = [256, 64], strides = [1, 1]} : vector<1024x64xf32> to vector<256x64xf32>
    %add3A_596 = arith.addf %dot_general3A_594, %slice3A_595 : vector<256x64xf32>
    %swap3A_597 = arith.constant 2 : index
    %swap3A_598 = arith.constant 0 : index
    %swap3A_599 = arith.constant 0 : index
    %swap3A_600 = vector.load %arg8[%swap3A_597, %swap3A_598, %swap3A_599] : memref<8x1024x64xf32, #tpu.memory_space<vmem>>, vector<1x256x64xf32>
    %swap3A_601 = vector.shape_cast %swap3A_600 : vector<1x256x64xf32> to vector<256x64xf32>
    %swap3A_602 = vector.shape_cast %add3A_596 : vector<256x64xf32> to vector<1x256x64xf32>
    tpu.vector_store %arg8[%swap3A_597, %swap3A_598, %swap3A_599], %swap3A_602 {strides = array<i32>} : memref<8x1024x64xf32, #tpu.memory_space<vmem>>, vector<1x256x64xf32>,
    %dma_start3A_603 = arith.constant 2 : i32
    %dma_start3A_604 = arith.constant 2 : i32
    %dma_start3A_605 = arith.constant 8 : i32
    %dma_start3A_606 = tpu.memref_slice %arg10[%dma_start3A_605] : memref<32x!tpu.dma_semaphore, #tpu.memory_space<semaphore_mem>> -> memref<1x!tpu.dma_semaphore, #tpu.memory_space<semaphore_mem>>
    %dma_start3A_607 = tpu.memref_squeeze %dma_start3A_606 : memref<1x!tpu.dma_semaphore, #tpu.memory_space<semaphore_mem>> -> memref<!tpu.dma_semaphore, #tpu.memory_space<semaphore_mem>>
    %dma_start3A_608 = arith.constant 0 : i32
    %dma_start3A_609 = arith.constant 0 : i32
    %dma_start3A_610 = tpu.memref_slice %arg7[%dma_start3A_604, %dma_start3A_608, %dma_start3A_609] : memref<8x1024x64xf32, #tpu.memory_space<hbm>> -> memref<1x256x64xf32, #tpu.memory_space<hbm>>
    %dma_start3A_611 = tpu.memref_squeeze %dma_start3A_610 : memref<1x256x64xf32, #tpu.memory_space<hbm>> -> memref<256x64xf32, #tpu.memory_space<hbm>>
    %dma_start3A_612 = arith.constant 0 : i32
    %dma_start3A_613 = arith.constant 0 : i32
    %dma_start3A_614 = tpu.memref_slice %arg8[%dma_start3A_603, %dma_start3A_612, %dma_start3A_613] : memref<8x1024x64xf32, #tpu.memory_space<vmem>> -> memref<1x256x64xf32, #tpu.memory_space<vmem>>
    %dma_start3A_615 = tpu.memref_squeeze %dma_start3A_614 : memref<1x256x64xf32, #tpu.memory_space<vmem>> -> memref<256x64xf32, #tpu.memory_space<vmem>>
    tpu.enqueue_dma source(%dma_start3A_615 : memref<256x64xf32, #tpu.memory_space<vmem>>) target(%dma_start3A_611 : memref<256x64xf32, #tpu.memory_space<hbm>>) target_semaphore(%dma_start3A_607 : memref<!tpu.dma_semaphore, #tpu.memory_space<semaphore_mem>>)
    %get3A_616 = arith.constant 2 : index
    %get3A_617 = arith.constant 256 : index
    %get3A_618 = arith.constant 0 : index
    %get3A_619 = vector.load %arg11[%get3A_616, %get3A_617, %get3A_618] : memref<8x1024x64xf32, #tpu.memory_space<vmem>>, vector<1x256x64xf32>
    %get3A_620 = vector.shape_cast %get3A_619 : vector<1x256x64xf32> to vector<256x64xf32>
    %get3A_621 = arith.constant 0 : index
    %get3A_622 = arith.constant 0 : index
    %get3A_623 = vector.load %arg5[%get3A_621, %get3A_622] : memref<64x64xf32, #tpu.memory_space<vmem>>, vector<64x64xf32>
    %dot_general3A_624 = arith.constant dense<0.000000e+00> : vector<256x64xf32>
    %dot_general3A_625 = tpu.matmul %get3A_620, %get3A_623, %dot_general3A_624 {dimension_numbers = #tpu.dot_dimension_numbers<[1], [0], [0], [1], [0, 0, 1, 1], [], []>, transpose_lhs_hint = false} : vector<256x64xf32>, vector<64x64xf32>, vector<256x64xf32> -> vector<256x64xf32>
    %slice3A_626 = vector.extract_strided_slice %dot_general3A_261 {offsets = [256, 0], sizes = [256, 64], strides = [1, 1]} : vector<1024x64xf32> to vector<256x64xf32>
    %add3A_627 = arith.addf %dot_general3A_625, %slice3A_626 : vector<256x64xf32>
    %swap3A_628 = arith.constant 2 : index
    %swap3A_629 = arith.constant 256 : index
    %swap3A_630 = arith.constant 0 : index
    %swap3A_631 = vector.load %arg8[%swap3A_628, %swap3A_629, %swap3A_630] : memref<8x1024x64xf32, #tpu.memory_space<vmem>>, vector<1x256x64xf32>
    %swap3A_632 = vector.shape_cast %swap3A_631 : vector<1x256x64xf32> to vector<256x64xf32>
    %swap3A_633 = vector.shape_cast %add3A_627 : vector<256x64xf32> to vector<1x256x64xf32>
    tpu.vector_store %arg8[%swap3A_628, %swap3A_629, %swap3A_630], %swap3A_633 {strides = array<i32>} : memref<8x1024x64xf32, #tpu.memory_space<vmem>>, vector<1x256x64xf32>,
    %dma_start3A_634 = arith.constant 2 : i32
    %dma_start3A_635 = arith.constant 2 : i32
    %dma_start3A_636 = arith.constant 9 : i32
    %dma_start3A_637 = tpu.memref_slice %arg10[%dma_start3A_636] : memref<32x!tpu.dma_semaphore, #tpu.memory_space<semaphore_mem>> -> memref<1x!tpu.dma_semaphore, #tpu.memory_space<semaphore_mem>>
    %dma_start3A_638 = tpu.memref_squeeze %dma_start3A_637 : memref<1x!tpu.dma_semaphore, #tpu.memory_space<semaphore_mem>> -> memref<!tpu.dma_semaphore, #tpu.memory_space<semaphore_mem>>
    %dma_start3A_639 = arith.constant 256 : i32
    %dma_start3A_640 = arith.constant 0 : i32
    %dma_start3A_641 = tpu.memref_slice %arg7[%dma_start3A_635, %dma_start3A_639, %dma_start3A_640] : memref<8x1024x64xf32, #tpu.memory_space<hbm>> -> memref<1x256x64xf32, #tpu.memory_space<hbm>>
    %dma_start3A_642 = tpu.memref_squeeze %dma_start3A_641 : memref<1x256x64xf32, #tpu.memory_space<hbm>> -> memref<256x64xf32, #tpu.memory_space<hbm>>
    %dma_start3A_643 = arith.constant 256 : i32
    %dma_start3A_644 = arith.constant 0 : i32
    %dma_start3A_645 = tpu.memref_slice %arg8[%dma_start3A_634, %dma_start3A_643, %dma_start3A_644] : memref<8x1024x64xf32, #tpu.memory_space<vmem>> -> memref<1x256x64xf32, #tpu.memory_space<vmem>>
    %dma_start3A_646 = tpu.memref_squeeze %dma_start3A_645 : memref<1x256x64xf32, #tpu.memory_space<vmem>> -> memref<256x64xf32, #tpu.memory_space<vmem>>
    tpu.enqueue_dma source(%dma_start3A_646 : memref<256x64xf32, #tpu.memory_space<vmem>>) target(%dma_start3A_642 : memref<256x64xf32, #tpu.memory_space<hbm>>) target_semaphore(%dma_start3A_638 : memref<!tpu.dma_semaphore, #tpu.memory_space<semaphore_mem>>)
    %get3A_647 = arith.constant 2 : index
    %get3A_648 = arith.constant 512 : index
    %get3A_649 = arith.constant 0 : index
    %get3A_650 = vector.load %arg11[%get3A_647, %get3A_648, %get3A_649] : memref<8x1024x64xf32, #tpu.memory_space<vmem>>, vector<1x256x64xf32>
    %get3A_651 = vector.shape_cast %get3A_650 : vector<1x256x64xf32> to vector<256x64xf32>
    %get3A_652 = arith.constant 0 : index
    %get3A_653 = arith.constant 0 : index
    %get3A_654 = vector.load %arg5[%get3A_652, %get3A_653] : memref<64x64xf32, #tpu.memory_space<vmem>>, vector<64x64xf32>
    %dot_general3A_655 = arith.constant dense<0.000000e+00> : vector<256x64xf32>
    %dot_general3A_656 = tpu.matmul %get3A_651, %get3A_654, %dot_general3A_655 {dimension_numbers = #tpu.dot_dimension_numbers<[1], [0], [0], [1], [0, 0, 1, 1], [], []>, transpose_lhs_hint = false} : vector<256x64xf32>, vector<64x64xf32>, vector<256x64xf32> -> vector<256x64xf32>
    %slice3A_657 = vector.extract_strided_slice %dot_general3A_261 {offsets = [512, 0], sizes = [256, 64], strides = [1, 1]} : vector<1024x64xf32> to vector<256x64xf32>
    %add3A_658 = arith.addf %dot_general3A_656, %slice3A_657 : vector<256x64xf32>
    %swap3A_659 = arith.constant 2 : index
    %swap3A_660 = arith.constant 512 : index
    %swap3A_661 = arith.constant 0 : index
    %swap3A_662 = vector.load %arg8[%swap3A_659, %swap3A_660, %swap3A_661] : memref<8x1024x64xf32, #tpu.memory_space<vmem>>, vector<1x256x64xf32>
    %swap3A_663 = vector.shape_cast %swap3A_662 : vector<1x256x64xf32> to vector<256x64xf32>
    %swap3A_664 = vector.shape_cast %add3A_658 : vector<256x64xf32> to vector<1x256x64xf32>
    tpu.vector_store %arg8[%swap3A_659, %swap3A_660, %swap3A_661], %swap3A_664 {strides = array<i32>} : memref<8x1024x64xf32, #tpu.memory_space<vmem>>, vector<1x256x64xf32>,
    %dma_start3A_665 = arith.constant 2 : i32
    %dma_start3A_666 = arith.constant 2 : i32
    %dma_start3A_667 = arith.constant 10 : i32
    %dma_start3A_668 = tpu.memref_slice %arg10[%dma_start3A_667] : memref<32x!tpu.dma_semaphore, #tpu.memory_space<semaphore_mem>> -> memref<1x!tpu.dma_semaphore, #tpu.memory_space<semaphore_mem>>
    %dma_start3A_669 = tpu.memref_squeeze %dma_start3A_668 : memref<1x!tpu.dma_semaphore, #tpu.memory_space<semaphore_mem>> -> memref<!tpu.dma_semaphore, #tpu.memory_space<semaphore_mem>>
    %dma_start3A_670 = arith.constant 512 : i32
    %dma_start3A_671 = arith.constant 0 : i32
    %dma_start3A_672 = tpu.memref_slice %arg7[%dma_start3A_666, %dma_start3A_670, %dma_start3A_671] : memref<8x1024x64xf32, #tpu.memory_space<hbm>> -> memref<1x256x64xf32, #tpu.memory_space<hbm>>
    %dma_start3A_673 = tpu.memref_squeeze %dma_start3A_672 : memref<1x256x64xf32, #tpu.memory_space<hbm>> -> memref<256x64xf32, #tpu.memory_space<hbm>>
    %dma_start3A_674 = arith.constant 512 : i32
    %dma_start3A_675 = arith.constant 0 : i32
    %dma_start3A_676 = tpu.memref_slice %arg8[%dma_start3A_665, %dma_start3A_674, %dma_start3A_675] : memref<8x1024x64xf32, #tpu.memory_space<vmem>> -> memref<1x256x64xf32, #tpu.memory_space<vmem>>
    %dma_start3A_677 = tpu.memref_squeeze %dma_start3A_676 : memref<1x256x64xf32, #tpu.memory_space<vmem>> -> memref<256x64xf32, #tpu.memory_space<vmem>>
    tpu.enqueue_dma source(%dma_start3A_677 : memref<256x64xf32, #tpu.memory_space<vmem>>) target(%dma_start3A_673 : memref<256x64xf32, #tpu.memory_space<hbm>>) target_semaphore(%dma_start3A_669 : memref<!tpu.dma_semaphore, #tpu.memory_space<semaphore_mem>>)
    %get3A_678 = arith.constant 2 : index
    %get3A_679 = arith.constant 768 : index
    %get3A_680 = arith.constant 0 : index
    %get3A_681 = vector.load %arg11[%get3A_678, %get3A_679, %get3A_680] : memref<8x1024x64xf32, #tpu.memory_space<vmem>>, vector<1x256x64xf32>
    %get3A_682 = vector.shape_cast %get3A_681 : vector<1x256x64xf32> to vector<256x64xf32>
    %get3A_683 = arith.constant 0 : index
    %get3A_684 = arith.constant 0 : index
    %get3A_685 = vector.load %arg5[%get3A_683, %get3A_684] : memref<64x64xf32, #tpu.memory_space<vmem>>, vector<64x64xf32>
    %dot_general3A_686 = arith.constant dense<0.000000e+00> : vector<256x64xf32>
    %dot_general3A_687 = tpu.matmul %get3A_682, %get3A_685, %dot_general3A_686 {dimension_numbers = #tpu.dot_dimension_numbers<[1], [0], [0], [1], [0, 0, 1, 1], [], []>, transpose_lhs_hint = false} : vector<256x64xf32>, vector<64x64xf32>, vector<256x64xf32> -> vector<256x64xf32>
    %slice3A_688 = vector.extract_strided_slice %dot_general3A_261 {offsets = [768, 0], sizes = [256, 64], strides = [1, 1]} : vector<1024x64xf32> to vector<256x64xf32>
    %add3A_689 = arith.addf %dot_general3A_687, %slice3A_688 : vector<256x64xf32>
    %swap3A_690 = arith.constant 2 : index
    %swap3A_691 = arith.constant 768 : index
    %swap3A_692 = arith.constant 0 : index
    %swap3A_693 = vector.load %arg8[%swap3A_690, %swap3A_691, %swap3A_692] : memref<8x1024x64xf32, #tpu.memory_space<vmem>>, vector<1x256x64xf32>
    %swap3A_694 = vector.shape_cast %swap3A_693 : vector<1x256x64xf32> to vector<256x64xf32>
    %swap3A_695 = vector.shape_cast %add3A_689 : vector<256x64xf32> to vector<1x256x64xf32>
    tpu.vector_store %arg8[%swap3A_690, %swap3A_691, %swap3A_692], %swap3A_695 {strides = array<i32>} : memref<8x1024x64xf32, #tpu.memory_space<vmem>>, vector<1x256x64xf32>,
    %dma_start3A_696 = arith.constant 2 : i32
    %dma_start3A_697 = arith.constant 2 : i32
    %dma_start3A_698 = arith.constant 11 : i32
    %dma_start3A_699 = tpu.memref_slice %arg10[%dma_start3A_698] : memref<32x!tpu.dma_semaphore, #tpu.memory_space<semaphore_mem>> -> memref<1x!tpu.dma_semaphore, #tpu.memory_space<semaphore_mem>>
    %dma_start3A_700 = tpu.memref_squeeze %dma_start3A_699 : memref<1x!tpu.dma_semaphore, #tpu.memory_space<semaphore_mem>> -> memref<!tpu.dma_semaphore, #tpu.memory_space<semaphore_mem>>
    %dma_start3A_701 = arith.constant 768 : i32
    %dma_start3A_702 = arith.constant 0 : i32
    %dma_start3A_703 = tpu.memref_slice %arg7[%dma_start3A_697, %dma_start3A_701, %dma_start3A_702] : memref<8x1024x64xf32, #tpu.memory_space<hbm>> -> memref<1x256x64xf32, #tpu.memory_space<hbm>>
    %dma_start3A_704 = tpu.memref_squeeze %dma_start3A_703 : memref<1x256x64xf32, #tpu.memory_space<hbm>> -> memref<256x64xf32, #tpu.memory_space<hbm>>
    %dma_start3A_705 = arith.constant 768 : i32
    %dma_start3A_706 = arith.constant 0 : i32
    %dma_start3A_707 = tpu.memref_slice %arg8[%dma_start3A_696, %dma_start3A_705, %dma_start3A_706] : memref<8x1024x64xf32, #tpu.memory_space<vmem>> -> memref<1x256x64xf32, #tpu.memory_space<vmem>>
    %dma_start3A_708 = tpu.memref_squeeze %dma_start3A_707 : memref<1x256x64xf32, #tpu.memory_space<vmem>> -> memref<256x64xf32, #tpu.memory_space<vmem>>
    tpu.enqueue_dma source(%dma_start3A_708 : memref<256x64xf32, #tpu.memory_space<vmem>>) target(%dma_start3A_704 : memref<256x64xf32, #tpu.memory_space<hbm>>) target_semaphore(%dma_start3A_700 : memref<!tpu.dma_semaphore, #tpu.memory_space<semaphore_mem>>)
    %dma_wait3A_709 = arith.constant 3 : i32
    %dma_wait3A_710 = arith.constant 3 : i32
    %dma_wait3A_711 = arith.constant 6 : i32
    %dma_wait3A_712 = tpu.memref_slice %arg9[%dma_wait3A_711] : memref<16x!tpu.dma_semaphore, #tpu.memory_space<semaphore_mem>> -> memref<1x!tpu.dma_semaphore, #tpu.memory_space<semaphore_mem>>
    %dma_wait3A_713 = tpu.memref_squeeze %dma_wait3A_712 : memref<1x!tpu.dma_semaphore, #tpu.memory_space<semaphore_mem>> -> memref<!tpu.dma_semaphore, #tpu.memory_space<semaphore_mem>>
    %dma_wait3A_714 = arith.constant 0 : i32
    %dma_wait3A_715 = arith.constant 0 : i32
    %dma_wait3A_716 = tpu.memref_slice %arg11[%dma_wait3A_710, %dma_wait3A_714, %dma_wait3A_715] : memref<8x1024x64xf32, #tpu.memory_space<vmem>> -> memref<1x512x64xf32, #tpu.memory_space<vmem>>
    %dma_wait3A_717 = tpu.memref_squeeze %dma_wait3A_716 : memref<1x512x64xf32, #tpu.memory_space<vmem>> -> memref<512x64xf32, #tpu.memory_space<vmem>>
    %dma_wait3A_718 = arith.constant 0 : i32
    %dma_wait3A_719 = arith.constant 0 : i32
    %dma_wait3A_720 = tpu.memref_slice %arg0[%dma_wait3A_709, %dma_wait3A_718, %dma_wait3A_719] : memref<8x1024x64xf32, #tpu.memory_space<hbm>> -> memref<1x512x64xf32, #tpu.memory_space<hbm>>
    %dma_wait3A_721 = tpu.memref_squeeze %dma_wait3A_720 : memref<1x512x64xf32, #tpu.memory_space<hbm>> -> memref<512x64xf32, #tpu.memory_space<hbm>>
    tpu.wait_dma2 semaphore(%dma_wait3A_713 : memref<!tpu.dma_semaphore, #tpu.memory_space<semaphore_mem>>) src(%dma_wait3A_721 : memref<512x64xf32, #tpu.memory_space<hbm>>) dst(%dma_wait3A_717 : memref<512x64xf32, #tpu.memory_space<vmem>>)
    %dma_wait3A_722 = arith.constant 3 : i32
    %dma_wait3A_723 = arith.constant 3 : i32
    %dma_wait3A_724 = arith.constant 7 : i32
    %dma_wait3A_725 = tpu.memref_slice %arg9[%dma_wait3A_724] : memref<16x!tpu.dma_semaphore, #tpu.memory_space<semaphore_mem>> -> memref<1x!tpu.dma_semaphore, #tpu.memory_space<semaphore_mem>>
    %dma_wait3A_726 = tpu.memref_squeeze %dma_wait3A_725 : memref<1x!tpu.dma_semaphore, #tpu.memory_space<semaphore_mem>> -> memref<!tpu.dma_semaphore, #tpu.memory_space<semaphore_mem>>
    %dma_wait3A_727 = arith.constant 512 : i32
    %dma_wait3A_728 = arith.constant 0 : i32
    %dma_wait3A_729 = tpu.memref_slice %arg11[%dma_wait3A_723, %dma_wait3A_727, %dma_wait3A_728] : memref<8x1024x64xf32, #tpu.memory_space<vmem>> -> memref<1x512x64xf32, #tpu.memory_space<vmem>>
    %dma_wait3A_730 = tpu.memref_squeeze %dma_wait3A_729 : memref<1x512x64xf32, #tpu.memory_space<vmem>> -> memref<512x64xf32, #tpu.memory_space<vmem>>
    %dma_wait3A_731 = arith.constant 512 : i32
    %dma_wait3A_732 = arith.constant 0 : i32
    %dma_wait3A_733 = tpu.memref_slice %arg0[%dma_wait3A_722, %dma_wait3A_731, %dma_wait3A_732] : memref<8x1024x64xf32, #tpu.memory_space<hbm>> -> memref<1x512x64xf32, #tpu.memory_space<hbm>>
    %dma_wait3A_734 = tpu.memref_squeeze %dma_wait3A_733 : memref<1x512x64xf32, #tpu.memory_space<hbm>> -> memref<512x64xf32, #tpu.memory_space<hbm>>
    tpu.wait_dma2 semaphore(%dma_wait3A_726 : memref<!tpu.dma_semaphore, #tpu.memory_space<semaphore_mem>>) src(%dma_wait3A_734 : memref<512x64xf32, #tpu.memory_space<hbm>>) dst(%dma_wait3A_730 : memref<512x64xf32, #tpu.memory_space<vmem>>)
    %get3A_735 = arith.constant 3 : index
    %get3A_736 = arith.constant 0 : index
    %get3A_737 = arith.constant 0 : index
    %get3A_738 = vector.load %arg11[%get3A_735, %get3A_736, %get3A_737] : memref<8x1024x64xf32, #tpu.memory_space<vmem>>, vector<1x256x64xf32>
    %get3A_739 = vector.shape_cast %get3A_738 : vector<1x256x64xf32> to vector<256x64xf32>
    %get3A_740 = arith.constant 0 : index
    %get3A_741 = arith.constant 0 : index
    %get3A_742 = vector.load %arg5[%get3A_740, %get3A_741] : memref<64x64xf32, #tpu.memory_space<vmem>>, vector<64x64xf32>
    %dot_general3A_743 = arith.constant dense<0.000000e+00> : vector<256x64xf32>
    %dot_general3A_744 = tpu.matmul %get3A_739, %get3A_742, %dot_general3A_743 {dimension_numbers = #tpu.dot_dimension_numbers<[1], [0], [0], [1], [0, 0, 1, 1], [], []>, transpose_lhs_hint = false} : vector<256x64xf32>, vector<64x64xf32>, vector<256x64xf32> -> vector<256x64xf32>
    %slice3A_745 = vector.extract_strided_slice %dot_general3A_261 {offsets = [0, 0], sizes = [256, 64], strides = [1, 1]} : vector<1024x64xf32> to vector<256x64xf32>
    %add3A_746 = arith.addf %dot_general3A_744, %slice3A_745 : vector<256x64xf32>
    %swap3A_747 = arith.constant 3 : index
    %swap3A_748 = arith.constant 0 : index
    %swap3A_749 = arith.constant 0 : index
    %swap3A_750 = vector.load %arg8[%swap3A_747, %swap3A_748, %swap3A_749] : memref<8x1024x64xf32, #tpu.memory_space<vmem>>, vector<1x256x64xf32>
    %swap3A_751 = vector.shape_cast %swap3A_750 : vector<1x256x64xf32> to vector<256x64xf32>
    %swap3A_752 = vector.shape_cast %add3A_746 : vector<256x64xf32> to vector<1x256x64xf32>
    tpu.vector_store %arg8[%swap3A_747, %swap3A_748, %swap3A_749], %swap3A_752 {strides = array<i32>} : memref<8x1024x64xf32, #tpu.memory_space<vmem>>, vector<1x256x64xf32>,
    %dma_start3A_753 = arith.constant 3 : i32
    %dma_start3A_754 = arith.constant 3 : i32
    %dma_start3A_755 = arith.constant 12 : i32
    %dma_start3A_756 = tpu.memref_slice %arg10[%dma_start3A_755] : memref<32x!tpu.dma_semaphore, #tpu.memory_space<semaphore_mem>> -> memref<1x!tpu.dma_semaphore, #tpu.memory_space<semaphore_mem>>
    %dma_start3A_757 = tpu.memref_squeeze %dma_start3A_756 : memref<1x!tpu.dma_semaphore, #tpu.memory_space<semaphore_mem>> -> memref<!tpu.dma_semaphore, #tpu.memory_space<semaphore_mem>>
    %dma_start3A_758 = arith.constant 0 : i32
    %dma_start3A_759 = arith.constant 0 : i32
    %dma_start3A_760 = tpu.memref_slice %arg7[%dma_start3A_754, %dma_start3A_758, %dma_start3A_759] : memref<8x1024x64xf32, #tpu.memory_space<hbm>> -> memref<1x256x64xf32, #tpu.memory_space<hbm>>
    %dma_start3A_761 = tpu.memref_squeeze %dma_start3A_760 : memref<1x256x64xf32, #tpu.memory_space<hbm>> -> memref<256x64xf32, #tpu.memory_space<hbm>>
    %dma_start3A_762 = arith.constant 0 : i32
    %dma_start3A_763 = arith.constant 0 : i32
    %dma_start3A_764 = tpu.memref_slice %arg8[%dma_start3A_753, %dma_start3A_762, %dma_start3A_763] : memref<8x1024x64xf32, #tpu.memory_space<vmem>> -> memref<1x256x64xf32, #tpu.memory_space<vmem>>
    %dma_start3A_765 = tpu.memref_squeeze %dma_start3A_764 : memref<1x256x64xf32, #tpu.memory_space<vmem>> -> memref<256x64xf32, #tpu.memory_space<vmem>>
    tpu.enqueue_dma source(%dma_start3A_765 : memref<256x64xf32, #tpu.memory_space<vmem>>) target(%dma_start3A_761 : memref<256x64xf32, #tpu.memory_space<hbm>>) target_semaphore(%dma_start3A_757 : memref<!tpu.dma_semaphore, #tpu.memory_space<semaphore_mem>>)
    %get3A_766 = arith.constant 3 : index
    %get3A_767 = arith.constant 256 : index
    %get3A_768 = arith.constant 0 : index
    %get3A_769 = vector.load %arg11[%get3A_766, %get3A_767, %get3A_768] : memref<8x1024x64xf32, #tpu.memory_space<vmem>>, vector<1x256x64xf32>
    %get3A_770 = vector.shape_cast %get3A_769 : vector<1x256x64xf32> to vector<256x64xf32>
    %get3A_771 = arith.constant 0 : index
    %get3A_772 = arith.constant 0 : index
    %get3A_773 = vector.load %arg5[%get3A_771, %get3A_772] : memref<64x64xf32, #tpu.memory_space<vmem>>, vector<64x64xf32>
    %dot_general3A_774 = arith.constant dense<0.000000e+00> : vector<256x64xf32>
    %dot_general3A_775 = tpu.matmul %get3A_770, %get3A_773, %dot_general3A_774 {dimension_numbers = #tpu.dot_dimension_numbers<[1], [0], [0], [1], [0, 0, 1, 1], [], []>, transpose_lhs_hint = false} : vector<256x64xf32>, vector<64x64xf32>, vector<256x64xf32> -> vector<256x64xf32>
    %slice3A_776 = vector.extract_strided_slice %dot_general3A_261 {offsets = [256, 0], sizes = [256, 64], strides = [1, 1]} : vector<1024x64xf32> to vector<256x64xf32>
    %add3A_777 = arith.addf %dot_general3A_775, %slice3A_776 : vector<256x64xf32>
    %swap3A_778 = arith.constant 3 : index
    %swap3A_779 = arith.constant 256 : index
    %swap3A_780 = arith.constant 0 : index
    %swap3A_781 = vector.load %arg8[%swap3A_778, %swap3A_779, %swap3A_780] : memref<8x1024x64xf32, #tpu.memory_space<vmem>>, vector<1x256x64xf32>
    %swap3A_782 = vector.shape_cast %swap3A_781 : vector<1x256x64xf32> to vector<256x64xf32>
    %swap3A_783 = vector.shape_cast %add3A_777 : vector<256x64xf32> to vector<1x256x64xf32>
    tpu.vector_store %arg8[%swap3A_778, %swap3A_779, %swap3A_780], %swap3A_783 {strides = array<i32>} : memref<8x1024x64xf32, #tpu.memory_space<vmem>>, vector<1x256x64xf32>,
    %dma_start3A_784 = arith.constant 3 : i32
    %dma_start3A_785 = arith.constant 3 : i32
    %dma_start3A_786 = arith.constant 13 : i32
    %dma_start3A_787 = tpu.memref_slice %arg10[%dma_start3A_786] : memref<32x!tpu.dma_semaphore, #tpu.memory_space<semaphore_mem>> -> memref<1x!tpu.dma_semaphore, #tpu.memory_space<semaphore_mem>>
    %dma_start3A_788 = tpu.memref_squeeze %dma_start3A_787 : memref<1x!tpu.dma_semaphore, #tpu.memory_space<semaphore_mem>> -> memref<!tpu.dma_semaphore, #tpu.memory_space<semaphore_mem>>
    %dma_start3A_789 = arith.constant 256 : i32
    %dma_start3A_790 = arith.constant 0 : i32
    %dma_start3A_791 = tpu.memref_slice %arg7[%dma_start3A_785, %dma_start3A_789, %dma_start3A_790] : memref<8x1024x64xf32, #tpu.memory_space<hbm>> -> memref<1x256x64xf32, #tpu.memory_space<hbm>>
    %dma_start3A_792 = tpu.memref_squeeze %dma_start3A_791 : memref<1x256x64xf32, #tpu.memory_space<hbm>> -> memref<256x64xf32, #tpu.memory_space<hbm>>
    %dma_start3A_793 = arith.constant 256 : i32
    %dma_start3A_794 = arith.constant 0 : i32
    %dma_start3A_795 = tpu.memref_slice %arg8[%dma_start3A_784, %dma_start3A_793, %dma_start3A_794] : memref<8x1024x64xf32, #tpu.memory_space<vmem>> -> memref<1x256x64xf32, #tpu.memory_space<vmem>>
    %dma_start3A_796 = tpu.memref_squeeze %dma_start3A_795 : memref<1x256x64xf32, #tpu.memory_space<vmem>> -> memref<256x64xf32, #tpu.memory_space<vmem>>
    tpu.enqueue_dma source(%dma_start3A_796 : memref<256x64xf32, #tpu.memory_space<vmem>>) target(%dma_start3A_792 : memref<256x64xf32, #tpu.memory_space<hbm>>) target_semaphore(%dma_start3A_788 : memref<!tpu.dma_semaphore, #tpu.memory_space<semaphore_mem>>)
    %get3A_797 = arith.constant 3 : index
    %get3A_798 = arith.constant 512 : index
    %get3A_799 = arith.constant 0 : index
    %get3A_800 = vector.load %arg11[%get3A_797, %get3A_798, %get3A_799] : memref<8x1024x64xf32, #tpu.memory_space<vmem>>, vector<1x256x64xf32>
    %get3A_801 = vector.shape_cast %get3A_800 : vector<1x256x64xf32> to vector<256x64xf32>
    %get3A_802 = arith.constant 0 : index
    %get3A_803 = arith.constant 0 : index
    %get3A_804 = vector.load %arg5[%get3A_802, %get3A_803] : memref<64x64xf32, #tpu.memory_space<vmem>>, vector<64x64xf32>
    %dot_general3A_805 = arith.constant dense<0.000000e+00> : vector<256x64xf32>
    %dot_general3A_806 = tpu.matmul %get3A_801, %get3A_804, %dot_general3A_805 {dimension_numbers = #tpu.dot_dimension_numbers<[1], [0], [0], [1], [0, 0, 1, 1], [], []>, transpose_lhs_hint = false} : vector<256x64xf32>, vector<64x64xf32>, vector<256x64xf32> -> vector<256x64xf32>
    %slice3A_807 = vector.extract_strided_slice %dot_general3A_261 {offsets = [512, 0], sizes = [256, 64], strides = [1, 1]} : vector<1024x64xf32> to vector<256x64xf32>
    %add3A_808 = arith.addf %dot_general3A_806, %slice3A_807 : vector<256x64xf32>
    %swap3A_809 = arith.constant 3 : index
    %swap3A_810 = arith.constant 512 : index
    %swap3A_811 = arith.constant 0 : index
    %swap3A_812 = vector.load %arg8[%swap3A_809, %swap3A_810, %swap3A_811] : memref<8x1024x64xf32, #tpu.memory_space<vmem>>, vector<1x256x64xf32>
    %swap3A_813 = vector.shape_cast %swap3A_812 : vector<1x256x64xf32> to vector<256x64xf32>
    %swap3A_814 = vector.shape_cast %add3A_808 : vector<256x64xf32> to vector<1x256x64xf32>
    tpu.vector_store %arg8[%swap3A_809, %swap3A_810, %swap3A_811], %swap3A_814 {strides = array<i32>} : memref<8x1024x64xf32, #tpu.memory_space<vmem>>, vector<1x256x64xf32>,
    %dma_start3A_815 = arith.constant 3 : i32
    %dma_start3A_816 = arith.constant 3 : i32
    %dma_start3A_817 = arith.constant 14 : i32
    %dma_start3A_818 = tpu.memref_slice %arg10[%dma_start3A_817] : memref<32x!tpu.dma_semaphore, #tpu.memory_space<semaphore_mem>> -> memref<1x!tpu.dma_semaphore, #tpu.memory_space<semaphore_mem>>
    %dma_start3A_819 = tpu.memref_squeeze %dma_start3A_818 : memref<1x!tpu.dma_semaphore, #tpu.memory_space<semaphore_mem>> -> memref<!tpu.dma_semaphore, #tpu.memory_space<semaphore_mem>>
    %dma_start3A_820 = arith.constant 512 : i32
    %dma_start3A_821 = arith.constant 0 : i32
    %dma_start3A_822 = tpu.memref_slice %arg7[%dma_start3A_816, %dma_start3A_820, %dma_start3A_821] : memref<8x1024x64xf32, #tpu.memory_space<hbm>> -> memref<1x256x64xf32, #tpu.memory_space<hbm>>
    %dma_start3A_823 = tpu.memref_squeeze %dma_start3A_822 : memref<1x256x64xf32, #tpu.memory_space<hbm>> -> memref<256x64xf32, #tpu.memory_space<hbm>>
    %dma_start3A_824 = arith.constant 512 : i32
    %dma_start3A_825 = arith.constant 0 : i32
    %dma_start3A_826 = tpu.memref_slice %arg8[%dma_start3A_815, %dma_start3A_824, %dma_start3A_825] : memref<8x1024x64xf32, #tpu.memory_space<vmem>> -> memref<1x256x64xf32, #tpu.memory_space<vmem>>
    %dma_start3A_827 = tpu.memref_squeeze %dma_start3A_826 : memref<1x256x64xf32, #tpu.memory_space<vmem>> -> memref<256x64xf32, #tpu.memory_space<vmem>>
    tpu.enqueue_dma source(%dma_start3A_827 : memref<256x64xf32, #tpu.memory_space<vmem>>) target(%dma_start3A_823 : memref<256x64xf32, #tpu.memory_space<hbm>>) target_semaphore(%dma_start3A_819 : memref<!tpu.dma_semaphore, #tpu.memory_space<semaphore_mem>>)
    %get3A_828 = arith.constant 3 : index
    %get3A_829 = arith.constant 768 : index
    %get3A_830 = arith.constant 0 : index
    %get3A_831 = vector.load %arg11[%get3A_828, %get3A_829, %get3A_830] : memref<8x1024x64xf32, #tpu.memory_space<vmem>>, vector<1x256x64xf32>
    %get3A_832 = vector.shape_cast %get3A_831 : vector<1x256x64xf32> to vector<256x64xf32>
    %get3A_833 = arith.constant 0 : index
    %get3A_834 = arith.constant 0 : index
    %get3A_835 = vector.load %arg5[%get3A_833, %get3A_834] : memref<64x64xf32, #tpu.memory_space<vmem>>, vector<64x64xf32>
    %dot_general3A_836 = arith.constant dense<0.000000e+00> : vector<256x64xf32>
    %dot_general3A_837 = tpu.matmul %get3A_832, %get3A_835, %dot_general3A_836 {dimension_numbers = #tpu.dot_dimension_numbers<[1], [0], [0], [1], [0, 0, 1, 1], [], []>, transpose_lhs_hint = false} : vector<256x64xf32>, vector<64x64xf32>, vector<256x64xf32> -> vector<256x64xf32>
    %slice3A_838 = vector.extract_strided_slice %dot_general3A_261 {offsets = [768, 0], sizes = [256, 64], strides = [1, 1]} : vector<1024x64xf32> to vector<256x64xf32>
    %add3A_839 = arith.addf %dot_general3A_837, %slice3A_838 : vector<256x64xf32>
    %swap3A_840 = arith.constant 3 : index
    %swap3A_841 = arith.constant 768 : index
    %swap3A_842 = arith.constant 0 : index
    %swap3A_843 = vector.load %arg8[%swap3A_840, %swap3A_841, %swap3A_842] : memref<8x1024x64xf32, #tpu.memory_space<vmem>>, vector<1x256x64xf32>
    %swap3A_844 = vector.shape_cast %swap3A_843 : vector<1x256x64xf32> to vector<256x64xf32>
    %swap3A_845 = vector.shape_cast %add3A_839 : vector<256x64xf32> to vector<1x256x64xf32>
    tpu.vector_store %arg8[%swap3A_840, %swap3A_841, %swap3A_842], %swap3A_845 {strides = array<i32>} : memref<8x1024x64xf32, #tpu.memory_space<vmem>>, vector<1x256x64xf32>,
    %dma_start3A_846 = arith.constant 3 : i32
    %dma_start3A_847 = arith.constant 3 : i32
    %dma_start3A_848 = arith.constant 15 : i32
    %dma_start3A_849 = tpu.memref_slice %arg10[%dma_start3A_848] : memref<32x!tpu.dma_semaphore, #tpu.memory_space<semaphore_mem>> -> memref<1x!tpu.dma_semaphore, #tpu.memory_space<semaphore_mem>>
    %dma_start3A_850 = tpu.memref_squeeze %dma_start3A_849 : memref<1x!tpu.dma_semaphore, #tpu.memory_space<semaphore_mem>> -> memref<!tpu.dma_semaphore, #tpu.memory_space<semaphore_mem>>
    %dma_start3A_851 = arith.constant 768 : i32
    %dma_start3A_852 = arith.constant 0 : i32
    %dma_start3A_853 = tpu.memref_slice %arg7[%dma_start3A_847, %dma_start3A_851, %dma_start3A_852] : memref<8x1024x64xf32, #tpu.memory_space<hbm>> -> memref<1x256x64xf32, #tpu.memory_space<hbm>>
    %dma_start3A_854 = tpu.memref_squeeze %dma_start3A_853 : memref<1x256x64xf32, #tpu.memory_space<hbm>> -> memref<256x64xf32, #tpu.memory_space<hbm>>
    %dma_start3A_855 = arith.constant 768 : i32
    %dma_start3A_856 = arith.constant 0 : i32
    %dma_start3A_857 = tpu.memref_slice %arg8[%dma_start3A_846, %dma_start3A_855, %dma_start3A_856] : memref<8x1024x64xf32, #tpu.memory_space<vmem>> -> memref<1x256x64xf32, #tpu.memory_space<vmem>>
    %dma_start3A_858 = tpu.memref_squeeze %dma_start3A_857 : memref<1x256x64xf32, #tpu.memory_space<vmem>> -> memref<256x64xf32, #tpu.memory_space<vmem>>
    tpu.enqueue_dma source(%dma_start3A_858 : memref<256x64xf32, #tpu.memory_space<vmem>>) target(%dma_start3A_854 : memref<256x64xf32, #tpu.memory_space<hbm>>) target_semaphore(%dma_start3A_850 : memref<!tpu.dma_semaphore, #tpu.memory_space<semaphore_mem>>)
    %dma_wait3A_859 = arith.constant 4 : i32
    %dma_wait3A_860 = arith.constant 4 : i32
    %dma_wait3A_861 = arith.constant 8 : i32
    %dma_wait3A_862 = tpu.memref_slice %arg9[%dma_wait3A_861] : memref<16x!tpu.dma_semaphore, #tpu.memory_space<semaphore_mem>> -> memref<1x!tpu.dma_semaphore, #tpu.memory_space<semaphore_mem>>
    %dma_wait3A_863 = tpu.memref_squeeze %dma_wait3A_862 : memref<1x!tpu.dma_semaphore, #tpu.memory_space<semaphore_mem>> -> memref<!tpu.dma_semaphore, #tpu.memory_space<semaphore_mem>>
    %dma_wait3A_864 = arith.constant 0 : i32
    %dma_wait3A_865 = arith.constant 0 : i32
    %dma_wait3A_866 = tpu.memref_slice %arg11[%dma_wait3A_860, %dma_wait3A_864, %dma_wait3A_865] : memref<8x1024x64xf32, #tpu.memory_space<vmem>> -> memref<1x512x64xf32, #tpu.memory_space<vmem>>
    %dma_wait3A_867 = tpu.memref_squeeze %dma_wait3A_866 : memref<1x512x64xf32, #tpu.memory_space<vmem>> -> memref<512x64xf32, #tpu.memory_space<vmem>>
    %dma_wait3A_868 = arith.constant 0 : i32
    %dma_wait3A_869 = arith.constant 0 : i32
    %dma_wait3A_870 = tpu.memref_slice %arg0[%dma_wait3A_859, %dma_wait3A_868, %dma_wait3A_869] : memref<8x1024x64xf32, #tpu.memory_space<hbm>> -> memref<1x512x64xf32, #tpu.memory_space<hbm>>
    %dma_wait3A_871 = tpu.memref_squeeze %dma_wait3A_870 : memref<1x512x64xf32, #tpu.memory_space<hbm>> -> memref<512x64xf32, #tpu.memory_space<hbm>>
    tpu.wait_dma2 semaphore(%dma_wait3A_863 : memref<!tpu.dma_semaphore, #tpu.memory_space<semaphore_mem>>) src(%dma_wait3A_871 : memref<512x64xf32, #tpu.memory_space<hbm>>) dst(%dma_wait3A_867 : memref<512x64xf32, #tpu.memory_space<vmem>>)
    %dma_wait3A_872 = arith.constant 4 : i32
    %dma_wait3A_873 = arith.constant 4 : i32
    %dma_wait3A_874 = arith.constant 9 : i32
    %dma_wait3A_875 = tpu.memref_slice %arg9[%dma_wait3A_874] : memref<16x!tpu.dma_semaphore, #tpu.memory_space<semaphore_mem>> -> memref<1x!tpu.dma_semaphore, #tpu.memory_space<semaphore_mem>>
    %dma_wait3A_876 = tpu.memref_squeeze %dma_wait3A_875 : memref<1x!tpu.dma_semaphore, #tpu.memory_space<semaphore_mem>> -> memref<!tpu.dma_semaphore, #tpu.memory_space<semaphore_mem>>
    %dma_wait3A_877 = arith.constant 512 : i32
    %dma_wait3A_878 = arith.constant 0 : i32
    %dma_wait3A_879 = tpu.memref_slice %arg11[%dma_wait3A_873, %dma_wait3A_877, %dma_wait3A_878] : memref<8x1024x64xf32, #tpu.memory_space<vmem>> -> memref<1x512x64xf32, #tpu.memory_space<vmem>>
    %dma_wait3A_880 = tpu.memref_squeeze %dma_wait3A_879 : memref<1x512x64xf32, #tpu.memory_space<vmem>> -> memref<512x64xf32, #tpu.memory_space<vmem>>
    %dma_wait3A_881 = arith.constant 512 : i32
    %dma_wait3A_882 = arith.constant 0 : i32
    %dma_wait3A_883 = tpu.memref_slice %arg0[%dma_wait3A_872, %dma_wait3A_881, %dma_wait3A_882] : memref<8x1024x64xf32, #tpu.memory_space<hbm>> -> memref<1x512x64xf32, #tpu.memory_space<hbm>>
    %dma_wait3A_884 = tpu.memref_squeeze %dma_wait3A_883 : memref<1x512x64xf32, #tpu.memory_space<hbm>> -> memref<512x64xf32, #tpu.memory_space<hbm>>
    tpu.wait_dma2 semaphore(%dma_wait3A_876 : memref<!tpu.dma_semaphore, #tpu.memory_space<semaphore_mem>>) src(%dma_wait3A_884 : memref<512x64xf32, #tpu.memory_space<hbm>>) dst(%dma_wait3A_880 : memref<512x64xf32, #tpu.memory_space<vmem>>)
    %get3A_885 = arith.constant 4 : index
    %get3A_886 = arith.constant 0 : index
    %get3A_887 = arith.constant 0 : index
    %get3A_888 = vector.load %arg11[%get3A_885, %get3A_886, %get3A_887] : memref<8x1024x64xf32, #tpu.memory_space<vmem>>, vector<1x256x64xf32>
    %get3A_889 = vector.shape_cast %get3A_888 : vector<1x256x64xf32> to vector<256x64xf32>
    %get3A_890 = arith.constant 0 : index
    %get3A_891 = arith.constant 0 : index
    %get3A_892 = vector.load %arg5[%get3A_890, %get3A_891] : memref<64x64xf32, #tpu.memory_space<vmem>>, vector<64x64xf32>
    %dot_general3A_893 = arith.constant dense<0.000000e+00> : vector<256x64xf32>
    %dot_general3A_894 = tpu.matmul %get3A_889, %get3A_892, %dot_general3A_893 {dimension_numbers = #tpu.dot_dimension_numbers<[1], [0], [0], [1], [0, 0, 1, 1], [], []>, transpose_lhs_hint = false} : vector<256x64xf32>, vector<64x64xf32>, vector<256x64xf32> -> vector<256x64xf32>
    %slice3A_895 = vector.extract_strided_slice %dot_general3A_261 {offsets = [0, 0], sizes = [256, 64], strides = [1, 1]} : vector<1024x64xf32> to vector<256x64xf32>
    %add3A_896 = arith.addf %dot_general3A_894, %slice3A_895 : vector<256x64xf32>
    %swap3A_897 = arith.constant 4 : index
    %swap3A_898 = arith.constant 0 : index
    %swap3A_899 = arith.constant 0 : index
    %swap3A_900 = vector.load %arg8[%swap3A_897, %swap3A_898, %swap3A_899] : memref<8x1024x64xf32, #tpu.memory_space<vmem>>, vector<1x256x64xf32>
    %swap3A_901 = vector.shape_cast %swap3A_900 : vector<1x256x64xf32> to vector<256x64xf32>
    %swap3A_902 = vector.shape_cast %add3A_896 : vector<256x64xf32> to vector<1x256x64xf32>
    tpu.vector_store %arg8[%swap3A_897, %swap3A_898, %swap3A_899], %swap3A_902 {strides = array<i32>} : memref<8x1024x64xf32, #tpu.memory_space<vmem>>, vector<1x256x64xf32>,
    %dma_start3A_903 = arith.constant 4 : i32
    %dma_start3A_904 = arith.constant 4 : i32
    %dma_start3A_905 = arith.constant 16 : i32
    %dma_start3A_906 = tpu.memref_slice %arg10[%dma_start3A_905] : memref<32x!tpu.dma_semaphore, #tpu.memory_space<semaphore_mem>> -> memref<1x!tpu.dma_semaphore, #tpu.memory_space<semaphore_mem>>
    %dma_start3A_907 = tpu.memref_squeeze %dma_start3A_906 : memref<1x!tpu.dma_semaphore, #tpu.memory_space<semaphore_mem>> -> memref<!tpu.dma_semaphore, #tpu.memory_space<semaphore_mem>>
    %dma_start3A_908 = arith.constant 0 : i32
    %dma_start3A_909 = arith.constant 0 : i32
    %dma_start3A_910 = tpu.memref_slice %arg7[%dma_start3A_904, %dma_start3A_908, %dma_start3A_909] : memref<8x1024x64xf32, #tpu.memory_space<hbm>> -> memref<1x256x64xf32, #tpu.memory_space<hbm>>
    %dma_start3A_911 = tpu.memref_squeeze %dma_start3A_910 : memref<1x256x64xf32, #tpu.memory_space<hbm>> -> memref<256x64xf32, #tpu.memory_space<hbm>>
    %dma_start3A_912 = arith.constant 0 : i32
    %dma_start3A_913 = arith.constant 0 : i32
    %dma_start3A_914 = tpu.memref_slice %arg8[%dma_start3A_903, %dma_start3A_912, %dma_start3A_913] : memref<8x1024x64xf32, #tpu.memory_space<vmem>> -> memref<1x256x64xf32, #tpu.memory_space<vmem>>
    %dma_start3A_915 = tpu.memref_squeeze %dma_start3A_914 : memref<1x256x64xf32, #tpu.memory_space<vmem>> -> memref<256x64xf32, #tpu.memory_space<vmem>>
    tpu.enqueue_dma source(%dma_start3A_915 : memref<256x64xf32, #tpu.memory_space<vmem>>) target(%dma_start3A_911 : memref<256x64xf32, #tpu.memory_space<hbm>>) target_semaphore(%dma_start3A_907 : memref<!tpu.dma_semaphore, #tpu.memory_space<semaphore_mem>>)
    %get3A_916 = arith.constant 4 : index
    %get3A_917 = arith.constant 256 : index
    %get3A_918 = arith.constant 0 : index
    %get3A_919 = vector.load %arg11[%get3A_916, %get3A_917, %get3A_918] : memref<8x1024x64xf32, #tpu.memory_space<vmem>>, vector<1x256x64xf32>
    %get3A_920 = vector.shape_cast %get3A_919 : vector<1x256x64xf32> to vector<256x64xf32>
    %get3A_921 = arith.constant 0 : index
    %get3A_922 = arith.constant 0 : index
    %get3A_923 = vector.load %arg5[%get3A_921, %get3A_922] : memref<64x64xf32, #tpu.memory_space<vmem>>, vector<64x64xf32>
    %dot_general3A_924 = arith.constant dense<0.000000e+00> : vector<256x64xf32>
    %dot_general3A_925 = tpu.matmul %get3A_920, %get3A_923, %dot_general3A_924 {dimension_numbers = #tpu.dot_dimension_numbers<[1], [0], [0], [1], [0, 0, 1, 1], [], []>, transpose_lhs_hint = false} : vector<256x64xf32>, vector<64x64xf32>, vector<256x64xf32> -> vector<256x64xf32>
    %slice3A_926 = vector.extract_strided_slice %dot_general3A_261 {offsets = [256, 0], sizes = [256, 64], strides = [1, 1]} : vector<1024x64xf32> to vector<256x64xf32>
    %add3A_927 = arith.addf %dot_general3A_925, %slice3A_926 : vector<256x64xf32>
    %swap3A_928 = arith.constant 4 : index
    %swap3A_929 = arith.constant 256 : index
    %swap3A_930 = arith.constant 0 : index
    %swap3A_931 = vector.load %arg8[%swap3A_928, %swap3A_929, %swap3A_930] : memref<8x1024x64xf32, #tpu.memory_space<vmem>>, vector<1x256x64xf32>
    %swap3A_932 = vector.shape_cast %swap3A_931 : vector<1x256x64xf32> to vector<256x64xf32>
    %swap3A_933 = vector.shape_cast %add3A_927 : vector<256x64xf32> to vector<1x256x64xf32>
    tpu.vector_store %arg8[%swap3A_928, %swap3A_929, %swap3A_930], %swap3A_933 {strides = array<i32>} : memref<8x1024x64xf32, #tpu.memory_space<vmem>>, vector<1x256x64xf32>,
    %dma_start3A_934 = arith.constant 4 : i32
    %dma_start3A_935 = arith.constant 4 : i32
    %dma_start3A_936 = arith.constant 17 : i32
    %dma_start3A_937 = tpu.memref_slice %arg10[%dma_start3A_936] : memref<32x!tpu.dma_semaphore, #tpu.memory_space<semaphore_mem>> -> memref<1x!tpu.dma_semaphore, #tpu.memory_space<semaphore_mem>>
    %dma_start3A_938 = tpu.memref_squeeze %dma_start3A_937 : memref<1x!tpu.dma_semaphore, #tpu.memory_space<semaphore_mem>> -> memref<!tpu.dma_semaphore, #tpu.memory_space<semaphore_mem>>
    %dma_start3A_939 = arith.constant 256 : i32
    %dma_start3A_940 = arith.constant 0 : i32
    %dma_start3A_941 = tpu.memref_slice %arg7[%dma_start3A_935, %dma_start3A_939, %dma_start3A_940] : memref<8x1024x64xf32, #tpu.memory_space<hbm>> -> memref<1x256x64xf32, #tpu.memory_space<hbm>>
    %dma_start3A_942 = tpu.memref_squeeze %dma_start3A_941 : memref<1x256x64xf32, #tpu.memory_space<hbm>> -> memref<256x64xf32, #tpu.memory_space<hbm>>
    %dma_start3A_943 = arith.constant 256 : i32
    %dma_start3A_944 = arith.constant 0 : i32
    %dma_start3A_945 = tpu.memref_slice %arg8[%dma_start3A_934, %dma_start3A_943, %dma_start3A_944] : memref<8x1024x64xf32, #tpu.memory_space<vmem>> -> memref<1x256x64xf32, #tpu.memory_space<vmem>>
    %dma_start3A_946 = tpu.memref_squeeze %dma_start3A_945 : memref<1x256x64xf32, #tpu.memory_space<vmem>> -> memref<256x64xf32, #tpu.memory_space<vmem>>
    tpu.enqueue_dma source(%dma_start3A_946 : memref<256x64xf32, #tpu.memory_space<vmem>>) target(%dma_start3A_942 : memref<256x64xf32, #tpu.memory_space<hbm>>) target_semaphore(%dma_start3A_938 : memref<!tpu.dma_semaphore, #tpu.memory_space<semaphore_mem>>)
    %get3A_947 = arith.constant 4 : index
    %get3A_948 = arith.constant 512 : index
    %get3A_949 = arith.constant 0 : index
    %get3A_950 = vector.load %arg11[%get3A_947, %get3A_948, %get3A_949] : memref<8x1024x64xf32, #tpu.memory_space<vmem>>, vector<1x256x64xf32>
    %get3A_951 = vector.shape_cast %get3A_950 : vector<1x256x64xf32> to vector<256x64xf32>
    %get3A_952 = arith.constant 0 : index
    %get3A_953 = arith.constant 0 : index
    %get3A_954 = vector.load %arg5[%get3A_952, %get3A_953] : memref<64x64xf32, #tpu.memory_space<vmem>>, vector<64x64xf32>
    %dot_general3A_955 = arith.constant dense<0.000000e+00> : vector<256x64xf32>
    %dot_general3A_956 = tpu.matmul %get3A_951, %get3A_954, %dot_general3A_955 {dimension_numbers = #tpu.dot_dimension_numbers<[1], [0], [0], [1], [0, 0, 1, 1], [], []>, transpose_lhs_hint = false} : vector<256x64xf32>, vector<64x64xf32>, vector<256x64xf32> -> vector<256x64xf32>
    %slice3A_957 = vector.extract_strided_slice %dot_general3A_261 {offsets = [512, 0], sizes = [256, 64], strides = [1, 1]} : vector<1024x64xf32> to vector<256x64xf32>
    %add3A_958 = arith.addf %dot_general3A_956, %slice3A_957 : vector<256x64xf32>
    %swap3A_959 = arith.constant 4 : index
    %swap3A_960 = arith.constant 512 : index
    %swap3A_961 = arith.constant 0 : index
    %swap3A_962 = vector.load %arg8[%swap3A_959, %swap3A_960, %swap3A_961] : memref<8x1024x64xf32, #tpu.memory_space<vmem>>, vector<1x256x64xf32>
    %swap3A_963 = vector.shape_cast %swap3A_962 : vector<1x256x64xf32> to vector<256x64xf32>
    %swap3A_964 = vector.shape_cast %add3A_958 : vector<256x64xf32> to vector<1x256x64xf32>
    tpu.vector_store %arg8[%swap3A_959, %swap3A_960, %swap3A_961], %swap3A_964 {strides = array<i32>} : memref<8x1024x64xf32, #tpu.memory_space<vmem>>, vector<1x256x64xf32>,
    %dma_start3A_965 = arith.constant 4 : i32
    %dma_start3A_966 = arith.constant 4 : i32
    %dma_start3A_967 = arith.constant 18 : i32
    %dma_start3A_968 = tpu.memref_slice %arg10[%dma_start3A_967] : memref<32x!tpu.dma_semaphore, #tpu.memory_space<semaphore_mem>> -> memref<1x!tpu.dma_semaphore, #tpu.memory_space<semaphore_mem>>
    %dma_start3A_969 = tpu.memref_squeeze %dma_start3A_968 : memref<1x!tpu.dma_semaphore, #tpu.memory_space<semaphore_mem>> -> memref<!tpu.dma_semaphore, #tpu.memory_space<semaphore_mem>>
    %dma_start3A_970 = arith.constant 512 : i32
    %dma_start3A_971 = arith.constant 0 : i32
    %dma_start3A_972 = tpu.memref_slice %arg7[%dma_start3A_966, %dma_start3A_970, %dma_start3A_971] : memref<8x1024x64xf32, #tpu.memory_space<hbm>> -> memref<1x256x64xf32, #tpu.memory_space<hbm>>
    %dma_start3A_973 = tpu.memref_squeeze %dma_start3A_972 : memref<1x256x64xf32, #tpu.memory_space<hbm>> -> memref<256x64xf32, #tpu.memory_space<hbm>>
    %dma_start3A_974 = arith.constant 512 : i32
    %dma_start3A_975 = arith.constant 0 : i32
    %dma_start3A_976 = tpu.memref_slice %arg8[%dma_start3A_965, %dma_start3A_974, %dma_start3A_975] : memref<8x1024x64xf32, #tpu.memory_space<vmem>> -> memref<1x256x64xf32, #tpu.memory_space<vmem>>
    %dma_start3A_977 = tpu.memref_squeeze %dma_start3A_976 : memref<1x256x64xf32, #tpu.memory_space<vmem>> -> memref<256x64xf32, #tpu.memory_space<vmem>>
    tpu.enqueue_dma source(%dma_start3A_977 : memref<256x64xf32, #tpu.memory_space<vmem>>) target(%dma_start3A_973 : memref<256x64xf32, #tpu.memory_space<hbm>>) target_semaphore(%dma_start3A_969 : memref<!tpu.dma_semaphore, #tpu.memory_space<semaphore_mem>>)
    %get3A_978 = arith.constant 4 : index
    %get3A_979 = arith.constant 768 : index
    %get3A_980 = arith.constant 0 : index
    %get3A_981 = vector.load %arg11[%get3A_978, %get3A_979, %get3A_980] : memref<8x1024x64xf32, #tpu.memory_space<vmem>>, vector<1x256x64xf32>
    %get3A_982 = vector.shape_cast %get3A_981 : vector<1x256x64xf32> to vector<256x64xf32>
    %get3A_983 = arith.constant 0 : index
    %get3A_984 = arith.constant 0 : index
    %get3A_985 = vector.load %arg5[%get3A_983, %get3A_984] : memref<64x64xf32, #tpu.memory_space<vmem>>, vector<64x64xf32>
    %dot_general3A_986 = arith.constant dense<0.000000e+00> : vector<256x64xf32>
    %dot_general3A_987 = tpu.matmul %get3A_982, %get3A_985, %dot_general3A_986 {dimension_numbers = #tpu.dot_dimension_numbers<[1], [0], [0], [1], [0, 0, 1, 1], [], []>, transpose_lhs_hint = false} : vector<256x64xf32>, vector<64x64xf32>, vector<256x64xf32> -> vector<256x64xf32>
    %slice3A_988 = vector.extract_strided_slice %dot_general3A_261 {offsets = [768, 0], sizes = [256, 64], strides = [1, 1]} : vector<1024x64xf32> to vector<256x64xf32>
    %add3A_989 = arith.addf %dot_general3A_987, %slice3A_988 : vector<256x64xf32>
    %swap3A_990 = arith.constant 4 : index
    %swap3A_991 = arith.constant 768 : index
    %swap3A_992 = arith.constant 0 : index
    %swap3A_993 = vector.load %arg8[%swap3A_990, %swap3A_991, %swap3A_992] : memref<8x1024x64xf32, #tpu.memory_space<vmem>>, vector<1x256x64xf32>
    %swap3A_994 = vector.shape_cast %swap3A_993 : vector<1x256x64xf32> to vector<256x64xf32>
    %swap3A_995 = vector.shape_cast %add3A_989 : vector<256x64xf32> to vector<1x256x64xf32>
    tpu.vector_store %arg8[%swap3A_990, %swap3A_991, %swap3A_992], %swap3A_995 {strides = array<i32>} : memref<8x1024x64xf32, #tpu.memory_space<vmem>>, vector<1x256x64xf32>,
    %dma_start3A_996 = arith.constant 4 : i32
    %dma_start3A_997 = arith.constant 4 : i32
    %dma_start3A_998 = arith.constant 19 : i32
    %dma_start3A_999 = tpu.memref_slice %arg10[%dma_start3A_998] : memref<32x!tpu.dma_semaphore, #tpu.memory_space<semaphore_mem>> -> memref<1x!tpu.dma_semaphore, #tpu.memory_space<semaphore_mem>>
    %dma_start3A_1000 = tpu.memref_squeeze %dma_start3A_999 : memref<1x!tpu.dma_semaphore, #tpu.memory_space<semaphore_mem>> -> memref<!tpu.dma_semaphore, #tpu.memory_space<semaphore_mem>>
    %dma_start3A_1001 = arith.constant 768 : i32
    %dma_start3A_1002 = arith.constant 0 : i32
    %dma_start3A_1003 = tpu.memref_slice %arg7[%dma_start3A_997, %dma_start3A_1001, %dma_start3A_1002] : memref<8x1024x64xf32, #tpu.memory_space<hbm>> -> memref<1x256x64xf32, #tpu.memory_space<hbm>>
    %dma_start3A_1004 = tpu.memref_squeeze %dma_start3A_1003 : memref<1x256x64xf32, #tpu.memory_space<hbm>> -> memref<256x64xf32, #tpu.memory_space<hbm>>
    %dma_start3A_1005 = arith.constant 768 : i32
    %dma_start3A_1006 = arith.constant 0 : i32
    %dma_start3A_1007 = tpu.memref_slice %arg8[%dma_start3A_996, %dma_start3A_1005, %dma_start3A_1006] : memref<8x1024x64xf32, #tpu.memory_space<vmem>> -> memref<1x256x64xf32, #tpu.memory_space<vmem>>
    %dma_start3A_1008 = tpu.memref_squeeze %dma_start3A_1007 : memref<1x256x64xf32, #tpu.memory_space<vmem>> -> memref<256x64xf32, #tpu.memory_space<vmem>>
    tpu.enqueue_dma source(%dma_start3A_1008 : memref<256x64xf32, #tpu.memory_space<vmem>>) target(%dma_start3A_1004 : memref<256x64xf32, #tpu.memory_space<hbm>>) target_semaphore(%dma_start3A_1000 : memref<!tpu.dma_semaphore, #tpu.memory_space<semaphore_mem>>)
    %dma_wait3A_1009 = arith.constant 5 : i32
    %dma_wait3A_1010 = arith.constant 5 : i32
    %dma_wait3A_1011 = arith.constant 10 : i32
    %dma_wait3A_1012 = tpu.memref_slice %arg9[%dma_wait3A_1011] : memref<16x!tpu.dma_semaphore, #tpu.memory_space<semaphore_mem>> -> memref<1x!tpu.dma_semaphore, #tpu.memory_space<semaphore_mem>>
    %dma_wait3A_1013 = tpu.memref_squeeze %dma_wait3A_1012 : memref<1x!tpu.dma_semaphore, #tpu.memory_space<semaphore_mem>> -> memref<!tpu.dma_semaphore, #tpu.memory_space<semaphore_mem>>
    %dma_wait3A_1014 = arith.constant 0 : i32
    %dma_wait3A_1015 = arith.constant 0 : i32
    %dma_wait3A_1016 = tpu.memref_slice %arg11[%dma_wait3A_1010, %dma_wait3A_1014, %dma_wait3A_1015] : memref<8x1024x64xf32, #tpu.memory_space<vmem>> -> memref<1x512x64xf32, #tpu.memory_space<vmem>>
    %dma_wait3A_1017 = tpu.memref_squeeze %dma_wait3A_1016 : memref<1x512x64xf32, #tpu.memory_space<vmem>> -> memref<512x64xf32, #tpu.memory_space<vmem>>
    %dma_wait3A_1018 = arith.constant 0 : i32
    %dma_wait3A_1019 = arith.constant 0 : i32
    %dma_wait3A_1020 = tpu.memref_slice %arg0[%dma_wait3A_1009, %dma_wait3A_1018, %dma_wait3A_1019] : memref<8x1024x64xf32, #tpu.memory_space<hbm>> -> memref<1x512x64xf32, #tpu.memory_space<hbm>>
    %dma_wait3A_1021 = tpu.memref_squeeze %dma_wait3A_1020 : memref<1x512x64xf32, #tpu.memory_space<hbm>> -> memref<512x64xf32, #tpu.memory_space<hbm>>
    tpu.wait_dma2 semaphore(%dma_wait3A_1013 : memref<!tpu.dma_semaphore, #tpu.memory_space<semaphore_mem>>) src(%dma_wait3A_1021 : memref<512x64xf32, #tpu.memory_space<hbm>>) dst(%dma_wait3A_1017 : memref<512x64xf32, #tpu.memory_space<vmem>>)
    %dma_wait3A_1022 = arith.constant 5 : i32
    %dma_wait3A_1023 = arith.constant 5 : i32
    %dma_wait3A_1024 = arith.constant 11 : i32
    %dma_wait3A_1025 = tpu.memref_slice %arg9[%dma_wait3A_1024] : memref<16x!tpu.dma_semaphore, #tpu.memory_space<semaphore_mem>> -> memref<1x!tpu.dma_semaphore, #tpu.memory_space<semaphore_mem>>
    %dma_wait3A_1026 = tpu.memref_squeeze %dma_wait3A_1025 : memref<1x!tpu.dma_semaphore, #tpu.memory_space<semaphore_mem>> -> memref<!tpu.dma_semaphore, #tpu.memory_space<semaphore_mem>>
    %dma_wait3A_1027 = arith.constant 512 : i32
    %dma_wait3A_1028 = arith.constant 0 : i32
    %dma_wait3A_1029 = tpu.memref_slice %arg11[%dma_wait3A_1023, %dma_wait3A_1027, %dma_wait3A_1028] : memref<8x1024x64xf32, #tpu.memory_space<vmem>> -> memref<1x512x64xf32, #tpu.memory_space<vmem>>
    %dma_wait3A_1030 = tpu.memref_squeeze %dma_wait3A_1029 : memref<1x512x64xf32, #tpu.memory_space<vmem>> -> memref<512x64xf32, #tpu.memory_space<vmem>>
    %dma_wait3A_1031 = arith.constant 512 : i32
    %dma_wait3A_1032 = arith.constant 0 : i32
    %dma_wait3A_1033 = tpu.memref_slice %arg0[%dma_wait3A_1022, %dma_wait3A_1031, %dma_wait3A_1032] : memref<8x1024x64xf32, #tpu.memory_space<hbm>> -> memref<1x512x64xf32, #tpu.memory_space<hbm>>
    %dma_wait3A_1034 = tpu.memref_squeeze %dma_wait3A_1033 : memref<1x512x64xf32, #tpu.memory_space<hbm>> -> memref<512x64xf32, #tpu.memory_space<hbm>>
    tpu.wait_dma2 semaphore(%dma_wait3A_1026 : memref<!tpu.dma_semaphore, #tpu.memory_space<semaphore_mem>>) src(%dma_wait3A_1034 : memref<512x64xf32, #tpu.memory_space<hbm>>) dst(%dma_wait3A_1030 : memref<512x64xf32, #tpu.memory_space<vmem>>)
    %get3A_1035 = arith.constant 5 : index
    %get3A_1036 = arith.constant 0 : index
    %get3A_1037 = arith.constant 0 : index
    %get3A_1038 = vector.load %arg11[%get3A_1035, %get3A_1036, %get3A_1037] : memref<8x1024x64xf32, #tpu.memory_space<vmem>>, vector<1x256x64xf32>
    %get3A_1039 = vector.shape_cast %get3A_1038 : vector<1x256x64xf32> to vector<256x64xf32>
    %get3A_1040 = arith.constant 0 : index
    %get3A_1041 = arith.constant 0 : index
    %get3A_1042 = vector.load %arg5[%get3A_1040, %get3A_1041] : memref<64x64xf32, #tpu.memory_space<vmem>>, vector<64x64xf32>
    %dot_general3A_1043 = arith.constant dense<0.000000e+00> : vector<256x64xf32>
    %dot_general3A_1044 = tpu.matmul %get3A_1039, %get3A_1042, %dot_general3A_1043 {dimension_numbers = #tpu.dot_dimension_numbers<[1], [0], [0], [1], [0, 0, 1, 1], [], []>, transpose_lhs_hint = false} : vector<256x64xf32>, vector<64x64xf32>, vector<256x64xf32> -> vector<256x64xf32>
    %slice3A_1045 = vector.extract_strided_slice %dot_general3A_261 {offsets = [0, 0], sizes = [256, 64], strides = [1, 1]} : vector<1024x64xf32> to vector<256x64xf32>
    %add3A_1046 = arith.addf %dot_general3A_1044, %slice3A_1045 : vector<256x64xf32>
    %swap3A_1047 = arith.constant 5 : index
    %swap3A_1048 = arith.constant 0 : index
    %swap3A_1049 = arith.constant 0 : index
    %swap3A_1050 = vector.load %arg8[%swap3A_1047, %swap3A_1048, %swap3A_1049] : memref<8x1024x64xf32, #tpu.memory_space<vmem>>, vector<1x256x64xf32>
    %swap3A_1051 = vector.shape_cast %swap3A_1050 : vector<1x256x64xf32> to vector<256x64xf32>
    %swap3A_1052 = vector.shape_cast %add3A_1046 : vector<256x64xf32> to vector<1x256x64xf32>
    tpu.vector_store %arg8[%swap3A_1047, %swap3A_1048, %swap3A_1049], %swap3A_1052 {strides = array<i32>} : memref<8x1024x64xf32, #tpu.memory_space<vmem>>, vector<1x256x64xf32>,
    %dma_start3A_1053 = arith.constant 5 : i32
    %dma_start3A_1054 = arith.constant 5 : i32
    %dma_start3A_1055 = arith.constant 20 : i32
    %dma_start3A_1056 = tpu.memref_slice %arg10[%dma_start3A_1055] : memref<32x!tpu.dma_semaphore, #tpu.memory_space<semaphore_mem>> -> memref<1x!tpu.dma_semaphore, #tpu.memory_space<semaphore_mem>>
    %dma_start3A_1057 = tpu.memref_squeeze %dma_start3A_1056 : memref<1x!tpu.dma_semaphore, #tpu.memory_space<semaphore_mem>> -> memref<!tpu.dma_semaphore, #tpu.memory_space<semaphore_mem>>
    %dma_start3A_1058 = arith.constant 0 : i32
    %dma_start3A_1059 = arith.constant 0 : i32
    %dma_start3A_1060 = tpu.memref_slice %arg7[%dma_start3A_1054, %dma_start3A_1058, %dma_start3A_1059] : memref<8x1024x64xf32, #tpu.memory_space<hbm>> -> memref<1x256x64xf32, #tpu.memory_space<hbm>>
    %dma_start3A_1061 = tpu.memref_squeeze %dma_start3A_1060 : memref<1x256x64xf32, #tpu.memory_space<hbm>> -> memref<256x64xf32, #tpu.memory_space<hbm>>
    %dma_start3A_1062 = arith.constant 0 : i32
    %dma_start3A_1063 = arith.constant 0 : i32
    %dma_start3A_1064 = tpu.memref_slice %arg8[%dma_start3A_1053, %dma_start3A_1062, %dma_start3A_1063] : memref<8x1024x64xf32, #tpu.memory_space<vmem>> -> memref<1x256x64xf32, #tpu.memory_space<vmem>>
    %dma_start3A_1065 = tpu.memref_squeeze %dma_start3A_1064 : memref<1x256x64xf32, #tpu.memory_space<vmem>> -> memref<256x64xf32, #tpu.memory_space<vmem>>
    tpu.enqueue_dma source(%dma_start3A_1065 : memref<256x64xf32, #tpu.memory_space<vmem>>) target(%dma_start3A_1061 : memref<256x64xf32, #tpu.memory_space<hbm>>) target_semaphore(%dma_start3A_1057 : memref<!tpu.dma_semaphore, #tpu.memory_space<semaphore_mem>>)
    %get3A_1066 = arith.constant 5 : index
    %get3A_1067 = arith.constant 256 : index
    %get3A_1068 = arith.constant 0 : index
    %get3A_1069 = vector.load %arg11[%get3A_1066, %get3A_1067, %get3A_1068] : memref<8x1024x64xf32, #tpu.memory_space<vmem>>, vector<1x256x64xf32>
    %get3A_1070 = vector.shape_cast %get3A_1069 : vector<1x256x64xf32> to vector<256x64xf32>
    %get3A_1071 = arith.constant 0 : index
    %get3A_1072 = arith.constant 0 : index
    %get3A_1073 = vector.load %arg5[%get3A_1071, %get3A_1072] : memref<64x64xf32, #tpu.memory_space<vmem>>, vector<64x64xf32>
    %dot_general3A_1074 = arith.constant dense<0.000000e+00> : vector<256x64xf32>
    %dot_general3A_1075 = tpu.matmul %get3A_1070, %get3A_1073, %dot_general3A_1074 {dimension_numbers = #tpu.dot_dimension_numbers<[1], [0], [0], [1], [0, 0, 1, 1], [], []>, transpose_lhs_hint = false} : vector<256x64xf32>, vector<64x64xf32>, vector<256x64xf32> -> vector<256x64xf32>
    %slice3A_1076 = vector.extract_strided_slice %dot_general3A_261 {offsets = [256, 0], sizes = [256, 64], strides = [1, 1]} : vector<1024x64xf32> to vector<256x64xf32>
    %add3A_1077 = arith.addf %dot_general3A_1075, %slice3A_1076 : vector<256x64xf32>
    %swap3A_1078 = arith.constant 5 : index
    %swap3A_1079 = arith.constant 256 : index
    %swap3A_1080 = arith.constant 0 : index
    %swap3A_1081 = vector.load %arg8[%swap3A_1078, %swap3A_1079, %swap3A_1080] : memref<8x1024x64xf32, #tpu.memory_space<vmem>>, vector<1x256x64xf32>
    %swap3A_1082 = vector.shape_cast %swap3A_1081 : vector<1x256x64xf32> to vector<256x64xf32>
    %swap3A_1083 = vector.shape_cast %add3A_1077 : vector<256x64xf32> to vector<1x256x64xf32>
    tpu.vector_store %arg8[%swap3A_1078, %swap3A_1079, %swap3A_1080], %swap3A_1083 {strides = array<i32>} : memref<8x1024x64xf32, #tpu.memory_space<vmem>>, vector<1x256x64xf32>,
    %dma_start3A_1084 = arith.constant 5 : i32
    %dma_start3A_1085 = arith.constant 5 : i32
    %dma_start3A_1086 = arith.constant 21 : i32
    %dma_start3A_1087 = tpu.memref_slice %arg10[%dma_start3A_1086] : memref<32x!tpu.dma_semaphore, #tpu.memory_space<semaphore_mem>> -> memref<1x!tpu.dma_semaphore, #tpu.memory_space<semaphore_mem>>
    %dma_start3A_1088 = tpu.memref_squeeze %dma_start3A_1087 : memref<1x!tpu.dma_semaphore, #tpu.memory_space<semaphore_mem>> -> memref<!tpu.dma_semaphore, #tpu.memory_space<semaphore_mem>>
    %dma_start3A_1089 = arith.constant 256 : i32
    %dma_start3A_1090 = arith.constant 0 : i32
    %dma_start3A_1091 = tpu.memref_slice %arg7[%dma_start3A_1085, %dma_start3A_1089, %dma_start3A_1090] : memref<8x1024x64xf32, #tpu.memory_space<hbm>> -> memref<1x256x64xf32, #tpu.memory_space<hbm>>
    %dma_start3A_1092 = tpu.memref_squeeze %dma_start3A_1091 : memref<1x256x64xf32, #tpu.memory_space<hbm>> -> memref<256x64xf32, #tpu.memory_space<hbm>>
    %dma_start3A_1093 = arith.constant 256 : i32
    %dma_start3A_1094 = arith.constant 0 : i32
    %dma_start3A_1095 = tpu.memref_slice %arg8[%dma_start3A_1084, %dma_start3A_1093, %dma_start3A_1094] : memref<8x1024x64xf32, #tpu.memory_space<vmem>> -> memref<1x256x64xf32, #tpu.memory_space<vmem>>
    %dma_start3A_1096 = tpu.memref_squeeze %dma_start3A_1095 : memref<1x256x64xf32, #tpu.memory_space<vmem>> -> memref<256x64xf32, #tpu.memory_space<vmem>>
    tpu.enqueue_dma source(%dma_start3A_1096 : memref<256x64xf32, #tpu.memory_space<vmem>>) target(%dma_start3A_1092 : memref<256x64xf32, #tpu.memory_space<hbm>>) target_semaphore(%dma_start3A_1088 : memref<!tpu.dma_semaphore, #tpu.memory_space<semaphore_mem>>)
    %get3A_1097 = arith.constant 5 : index
    %get3A_1098 = arith.constant 512 : index
    %get3A_1099 = arith.constant 0 : index
    %get3A_1100 = vector.load %arg11[%get3A_1097, %get3A_1098, %get3A_1099] : memref<8x1024x64xf32, #tpu.memory_space<vmem>>, vector<1x256x64xf32>
    %get3A_1101 = vector.shape_cast %get3A_1100 : vector<1x256x64xf32> to vector<256x64xf32>
    %get3A_1102 = arith.constant 0 : index
    %get3A_1103 = arith.constant 0 : index
    %get3A_1104 = vector.load %arg5[%get3A_1102, %get3A_1103] : memref<64x64xf32, #tpu.memory_space<vmem>>, vector<64x64xf32>
    %dot_general3A_1105 = arith.constant dense<0.000000e+00> : vector<256x64xf32>
    %dot_general3A_1106 = tpu.matmul %get3A_1101, %get3A_1104, %dot_general3A_1105 {dimension_numbers = #tpu.dot_dimension_numbers<[1], [0], [0], [1], [0, 0, 1, 1], [], []>, transpose_lhs_hint = false} : vector<256x64xf32>, vector<64x64xf32>, vector<256x64xf32> -> vector<256x64xf32>
    %slice3A_1107 = vector.extract_strided_slice %dot_general3A_261 {offsets = [512, 0], sizes = [256, 64], strides = [1, 1]} : vector<1024x64xf32> to vector<256x64xf32>
    %add3A_1108 = arith.addf %dot_general3A_1106, %slice3A_1107 : vector<256x64xf32>
    %swap3A_1109 = arith.constant 5 : index
    %swap3A_1110 = arith.constant 512 : index
    %swap3A_1111 = arith.constant 0 : index
    %swap3A_1112 = vector.load %arg8[%swap3A_1109, %swap3A_1110, %swap3A_1111] : memref<8x1024x64xf32, #tpu.memory_space<vmem>>, vector<1x256x64xf32>
    %swap3A_1113 = vector.shape_cast %swap3A_1112 : vector<1x256x64xf32> to vector<256x64xf32>
    %swap3A_1114 = vector.shape_cast %add3A_1108 : vector<256x64xf32> to vector<1x256x64xf32>
    tpu.vector_store %arg8[%swap3A_1109, %swap3A_1110, %swap3A_1111], %swap3A_1114 {strides = array<i32>} : memref<8x1024x64xf32, #tpu.memory_space<vmem>>, vector<1x256x64xf32>,
    %dma_start3A_1115 = arith.constant 5 : i32
    %dma_start3A_1116 = arith.constant 5 : i32
    %dma_start3A_1117 = arith.constant 22 : i32
    %dma_start3A_1118 = tpu.memref_slice %arg10[%dma_start3A_1117] : memref<32x!tpu.dma_semaphore, #tpu.memory_space<semaphore_mem>> -> memref<1x!tpu.dma_semaphore, #tpu.memory_space<semaphore_mem>>
    %dma_start3A_1119 = tpu.memref_squeeze %dma_start3A_1118 : memref<1x!tpu.dma_semaphore, #tpu.memory_space<semaphore_mem>> -> memref<!tpu.dma_semaphore, #tpu.memory_space<semaphore_mem>>
    %dma_start3A_1120 = arith.constant 512 : i32
    %dma_start3A_1121 = arith.constant 0 : i32
    %dma_start3A_1122 = tpu.memref_slice %arg7[%dma_start3A_1116, %dma_start3A_1120, %dma_start3A_1121] : memref<8x1024x64xf32, #tpu.memory_space<hbm>> -> memref<1x256x64xf32, #tpu.memory_space<hbm>>
    %dma_start3A_1123 = tpu.memref_squeeze %dma_start3A_1122 : memref<1x256x64xf32, #tpu.memory_space<hbm>> -> memref<256x64xf32, #tpu.memory_space<hbm>>
    %dma_start3A_1124 = arith.constant 512 : i32
    %dma_start3A_1125 = arith.constant 0 : i32
    %dma_start3A_1126 = tpu.memref_slice %arg8[%dma_start3A_1115, %dma_start3A_1124, %dma_start3A_1125] : memref<8x1024x64xf32, #tpu.memory_space<vmem>> -> memref<1x256x64xf32, #tpu.memory_space<vmem>>
    %dma_start3A_1127 = tpu.memref_squeeze %dma_start3A_1126 : memref<1x256x64xf32, #tpu.memory_space<vmem>> -> memref<256x64xf32, #tpu.memory_space<vmem>>
    tpu.enqueue_dma source(%dma_start3A_1127 : memref<256x64xf32, #tpu.memory_space<vmem>>) target(%dma_start3A_1123 : memref<256x64xf32, #tpu.memory_space<hbm>>) target_semaphore(%dma_start3A_1119 : memref<!tpu.dma_semaphore, #tpu.memory_space<semaphore_mem>>)
    %get3A_1128 = arith.constant 5 : index
    %get3A_1129 = arith.constant 768 : index
    %get3A_1130 = arith.constant 0 : index
    %get3A_1131 = vector.load %arg11[%get3A_1128, %get3A_1129, %get3A_1130] : memref<8x1024x64xf32, #tpu.memory_space<vmem>>, vector<1x256x64xf32>
    %get3A_1132 = vector.shape_cast %get3A_1131 : vector<1x256x64xf32> to vector<256x64xf32>
    %get3A_1133 = arith.constant 0 : index
    %get3A_1134 = arith.constant 0 : index
    %get3A_1135 = vector.load %arg5[%get3A_1133, %get3A_1134] : memref<64x64xf32, #tpu.memory_space<vmem>>, vector<64x64xf32>
    %dot_general3A_1136 = arith.constant dense<0.000000e+00> : vector<256x64xf32>
    %dot_general3A_1137 = tpu.matmul %get3A_1132, %get3A_1135, %dot_general3A_1136 {dimension_numbers = #tpu.dot_dimension_numbers<[1], [0], [0], [1], [0, 0, 1, 1], [], []>, transpose_lhs_hint = false} : vector<256x64xf32>, vector<64x64xf32>, vector<256x64xf32> -> vector<256x64xf32>
    %slice3A_1138 = vector.extract_strided_slice %dot_general3A_261 {offsets = [768, 0], sizes = [256, 64], strides = [1, 1]} : vector<1024x64xf32> to vector<256x64xf32>
    %add3A_1139 = arith.addf %dot_general3A_1137, %slice3A_1138 : vector<256x64xf32>
    %swap3A_1140 = arith.constant 5 : index
    %swap3A_1141 = arith.constant 768 : index
    %swap3A_1142 = arith.constant 0 : index
    %swap3A_1143 = vector.load %arg8[%swap3A_1140, %swap3A_1141, %swap3A_1142] : memref<8x1024x64xf32, #tpu.memory_space<vmem>>, vector<1x256x64xf32>
    %swap3A_1144 = vector.shape_cast %swap3A_1143 : vector<1x256x64xf32> to vector<256x64xf32>
    %swap3A_1145 = vector.shape_cast %add3A_1139 : vector<256x64xf32> to vector<1x256x64xf32>
    tpu.vector_store %arg8[%swap3A_1140, %swap3A_1141, %swap3A_1142], %swap3A_1145 {strides = array<i32>} : memref<8x1024x64xf32, #tpu.memory_space<vmem>>, vector<1x256x64xf32>,
    %dma_start3A_1146 = arith.constant 5 : i32
    %dma_start3A_1147 = arith.constant 5 : i32
    %dma_start3A_1148 = arith.constant 23 : i32
    %dma_start3A_1149 = tpu.memref_slice %arg10[%dma_start3A_1148] : memref<32x!tpu.dma_semaphore, #tpu.memory_space<semaphore_mem>> -> memref<1x!tpu.dma_semaphore, #tpu.memory_space<semaphore_mem>>
    %dma_start3A_1150 = tpu.memref_squeeze %dma_start3A_1149 : memref<1x!tpu.dma_semaphore, #tpu.memory_space<semaphore_mem>> -> memref<!tpu.dma_semaphore, #tpu.memory_space<semaphore_mem>>
    %dma_start3A_1151 = arith.constant 768 : i32
    %dma_start3A_1152 = arith.constant 0 : i32
    %dma_start3A_1153 = tpu.memref_slice %arg7[%dma_start3A_1147, %dma_start3A_1151, %dma_start3A_1152] : memref<8x1024x64xf32, #tpu.memory_space<hbm>> -> memref<1x256x64xf32, #tpu.memory_space<hbm>>
    %dma_start3A_1154 = tpu.memref_squeeze %dma_start3A_1153 : memref<1x256x64xf32, #tpu.memory_space<hbm>> -> memref<256x64xf32, #tpu.memory_space<hbm>>
    %dma_start3A_1155 = arith.constant 768 : i32
    %dma_start3A_1156 = arith.constant 0 : i32
    %dma_start3A_1157 = tpu.memref_slice %arg8[%dma_start3A_1146, %dma_start3A_1155, %dma_start3A_1156] : memref<8x1024x64xf32, #tpu.memory_space<vmem>> -> memref<1x256x64xf32, #tpu.memory_space<vmem>>
    %dma_start3A_1158 = tpu.memref_squeeze %dma_start3A_1157 : memref<1x256x64xf32, #tpu.memory_space<vmem>> -> memref<256x64xf32, #tpu.memory_space<vmem>>
    tpu.enqueue_dma source(%dma_start3A_1158 : memref<256x64xf32, #tpu.memory_space<vmem>>) target(%dma_start3A_1154 : memref<256x64xf32, #tpu.memory_space<hbm>>) target_semaphore(%dma_start3A_1150 : memref<!tpu.dma_semaphore, #tpu.memory_space<semaphore_mem>>)
    %dma_wait3A_1159 = arith.constant 6 : i32
    %dma_wait3A_1160 = arith.constant 6 : i32
    %dma_wait3A_1161 = arith.constant 12 : i32
    %dma_wait3A_1162 = tpu.memref_slice %arg9[%dma_wait3A_1161] : memref<16x!tpu.dma_semaphore, #tpu.memory_space<semaphore_mem>> -> memref<1x!tpu.dma_semaphore, #tpu.memory_space<semaphore_mem>>
    %dma_wait3A_1163 = tpu.memref_squeeze %dma_wait3A_1162 : memref<1x!tpu.dma_semaphore, #tpu.memory_space<semaphore_mem>> -> memref<!tpu.dma_semaphore, #tpu.memory_space<semaphore_mem>>
    %dma_wait3A_1164 = arith.constant 0 : i32
    %dma_wait3A_1165 = arith.constant 0 : i32
    %dma_wait3A_1166 = tpu.memref_slice %arg11[%dma_wait3A_1160, %dma_wait3A_1164, %dma_wait3A_1165] : memref<8x1024x64xf32, #tpu.memory_space<vmem>> -> memref<1x512x64xf32, #tpu.memory_space<vmem>>
    %dma_wait3A_1167 = tpu.memref_squeeze %dma_wait3A_1166 : memref<1x512x64xf32, #tpu.memory_space<vmem>> -> memref<512x64xf32, #tpu.memory_space<vmem>>
    %dma_wait3A_1168 = arith.constant 0 : i32
    %dma_wait3A_1169 = arith.constant 0 : i32
    %dma_wait3A_1170 = tpu.memref_slice %arg0[%dma_wait3A_1159, %dma_wait3A_1168, %dma_wait3A_1169] : memref<8x1024x64xf32, #tpu.memory_space<hbm>> -> memref<1x512x64xf32, #tpu.memory_space<hbm>>
    %dma_wait3A_1171 = tpu.memref_squeeze %dma_wait3A_1170 : memref<1x512x64xf32, #tpu.memory_space<hbm>> -> memref<512x64xf32, #tpu.memory_space<hbm>>
    tpu.wait_dma2 semaphore(%dma_wait3A_1163 : memref<!tpu.dma_semaphore, #tpu.memory_space<semaphore_mem>>) src(%dma_wait3A_1171 : memref<512x64xf32, #tpu.memory_space<hbm>>) dst(%dma_wait3A_1167 : memref<512x64xf32, #tpu.memory_space<vmem>>)
    %dma_wait3A_1172 = arith.constant 6 : i32
    %dma_wait3A_1173 = arith.constant 6 : i32
    %dma_wait3A_1174 = arith.constant 13 : i32
    %dma_wait3A_1175 = tpu.memref_slice %arg9[%dma_wait3A_1174] : memref<16x!tpu.dma_semaphore, #tpu.memory_space<semaphore_mem>> -> memref<1x!tpu.dma_semaphore, #tpu.memory_space<semaphore_mem>>
    %dma_wait3A_1176 = tpu.memref_squeeze %dma_wait3A_1175 : memref<1x!tpu.dma_semaphore, #tpu.memory_space<semaphore_mem>> -> memref<!tpu.dma_semaphore, #tpu.memory_space<semaphore_mem>>
    %dma_wait3A_1177 = arith.constant 512 : i32
    %dma_wait3A_1178 = arith.constant 0 : i32
    %dma_wait3A_1179 = tpu.memref_slice %arg11[%dma_wait3A_1173, %dma_wait3A_1177, %dma_wait3A_1178] : memref<8x1024x64xf32, #tpu.memory_space<vmem>> -> memref<1x512x64xf32, #tpu.memory_space<vmem>>
    %dma_wait3A_1180 = tpu.memref_squeeze %dma_wait3A_1179 : memref<1x512x64xf32, #tpu.memory_space<vmem>> -> memref<512x64xf32, #tpu.memory_space<vmem>>
    %dma_wait3A_1181 = arith.constant 512 : i32
    %dma_wait3A_1182 = arith.constant 0 : i32
    %dma_wait3A_1183 = tpu.memref_slice %arg0[%dma_wait3A_1172, %dma_wait3A_1181, %dma_wait3A_1182] : memref<8x1024x64xf32, #tpu.memory_space<hbm>> -> memref<1x512x64xf32, #tpu.memory_space<hbm>>
    %dma_wait3A_1184 = tpu.memref_squeeze %dma_wait3A_1183 : memref<1x512x64xf32, #tpu.memory_space<hbm>> -> memref<512x64xf32, #tpu.memory_space<hbm>>
    tpu.wait_dma2 semaphore(%dma_wait3A_1176 : memref<!tpu.dma_semaphore, #tpu.memory_space<semaphore_mem>>) src(%dma_wait3A_1184 : memref<512x64xf32, #tpu.memory_space<hbm>>) dst(%dma_wait3A_1180 : memref<512x64xf32, #tpu.memory_space<vmem>>)
    %get3A_1185 = arith.constant 6 : index
    %get3A_1186 = arith.constant 0 : index
    %get3A_1187 = arith.constant 0 : index
    %get3A_1188 = vector.load %arg11[%get3A_1185, %get3A_1186, %get3A_1187] : memref<8x1024x64xf32, #tpu.memory_space<vmem>>, vector<1x256x64xf32>
    %get3A_1189 = vector.shape_cast %get3A_1188 : vector<1x256x64xf32> to vector<256x64xf32>
    %get3A_1190 = arith.constant 0 : index
    %get3A_1191 = arith.constant 0 : index
    %get3A_1192 = vector.load %arg5[%get3A_1190, %get3A_1191] : memref<64x64xf32, #tpu.memory_space<vmem>>, vector<64x64xf32>
    %dot_general3A_1193 = arith.constant dense<0.000000e+00> : vector<256x64xf32>
    %dot_general3A_1194 = tpu.matmul %get3A_1189, %get3A_1192, %dot_general3A_1193 {dimension_numbers = #tpu.dot_dimension_numbers<[1], [0], [0], [1], [0, 0, 1, 1], [], []>, transpose_lhs_hint = false} : vector<256x64xf32>, vector<64x64xf32>, vector<256x64xf32> -> vector<256x64xf32>
    %slice3A_1195 = vector.extract_strided_slice %dot_general3A_261 {offsets = [0, 0], sizes = [256, 64], strides = [1, 1]} : vector<1024x64xf32> to vector<256x64xf32>
    %add3A_1196 = arith.addf %dot_general3A_1194, %slice3A_1195 : vector<256x64xf32>
    %swap3A_1197 = arith.constant 6 : index
    %swap3A_1198 = arith.constant 0 : index
    %swap3A_1199 = arith.constant 0 : index
    %swap3A_1200 = vector.load %arg8[%swap3A_1197, %swap3A_1198, %swap3A_1199] : memref<8x1024x64xf32, #tpu.memory_space<vmem>>, vector<1x256x64xf32>
    %swap3A_1201 = vector.shape_cast %swap3A_1200 : vector<1x256x64xf32> to vector<256x64xf32>
    %swap3A_1202 = vector.shape_cast %add3A_1196 : vector<256x64xf32> to vector<1x256x64xf32>
    tpu.vector_store %arg8[%swap3A_1197, %swap3A_1198, %swap3A_1199], %swap3A_1202 {strides = array<i32>} : memref<8x1024x64xf32, #tpu.memory_space<vmem>>, vector<1x256x64xf32>,
    %dma_start3A_1203 = arith.constant 6 : i32
    %dma_start3A_1204 = arith.constant 6 : i32
    %dma_start3A_1205 = arith.constant 24 : i32
    %dma_start3A_1206 = tpu.memref_slice %arg10[%dma_start3A_1205] : memref<32x!tpu.dma_semaphore, #tpu.memory_space<semaphore_mem>> -> memref<1x!tpu.dma_semaphore, #tpu.memory_space<semaphore_mem>>
    %dma_start3A_1207 = tpu.memref_squeeze %dma_start3A_1206 : memref<1x!tpu.dma_semaphore, #tpu.memory_space<semaphore_mem>> -> memref<!tpu.dma_semaphore, #tpu.memory_space<semaphore_mem>>
    %dma_start3A_1208 = arith.constant 0 : i32
    %dma_start3A_1209 = arith.constant 0 : i32
    %dma_start3A_1210 = tpu.memref_slice %arg7[%dma_start3A_1204, %dma_start3A_1208, %dma_start3A_1209] : memref<8x1024x64xf32, #tpu.memory_space<hbm>> -> memref<1x256x64xf32, #tpu.memory_space<hbm>>
    %dma_start3A_1211 = tpu.memref_squeeze %dma_start3A_1210 : memref<1x256x64xf32, #tpu.memory_space<hbm>> -> memref<256x64xf32, #tpu.memory_space<hbm>>
    %dma_start3A_1212 = arith.constant 0 : i32
    %dma_start3A_1213 = arith.constant 0 : i32
    %dma_start3A_1214 = tpu.memref_slice %arg8[%dma_start3A_1203, %dma_start3A_1212, %dma_start3A_1213] : memref<8x1024x64xf32, #tpu.memory_space<vmem>> -> memref<1x256x64xf32, #tpu.memory_space<vmem>>
    %dma_start3A_1215 = tpu.memref_squeeze %dma_start3A_1214 : memref<1x256x64xf32, #tpu.memory_space<vmem>> -> memref<256x64xf32, #tpu.memory_space<vmem>>
    tpu.enqueue_dma source(%dma_start3A_1215 : memref<256x64xf32, #tpu.memory_space<vmem>>) target(%dma_start3A_1211 : memref<256x64xf32, #tpu.memory_space<hbm>>) target_semaphore(%dma_start3A_1207 : memref<!tpu.dma_semaphore, #tpu.memory_space<semaphore_mem>>)
    %get3A_1216 = arith.constant 6 : index
    %get3A_1217 = arith.constant 256 : index
    %get3A_1218 = arith.constant 0 : index
    %get3A_1219 = vector.load %arg11[%get3A_1216, %get3A_1217, %get3A_1218] : memref<8x1024x64xf32, #tpu.memory_space<vmem>>, vector<1x256x64xf32>
    %get3A_1220 = vector.shape_cast %get3A_1219 : vector<1x256x64xf32> to vector<256x64xf32>
    %get3A_1221 = arith.constant 0 : index
    %get3A_1222 = arith.constant 0 : index
    %get3A_1223 = vector.load %arg5[%get3A_1221, %get3A_1222] : memref<64x64xf32, #tpu.memory_space<vmem>>, vector<64x64xf32>
    %dot_general3A_1224 = arith.constant dense<0.000000e+00> : vector<256x64xf32>
    %dot_general3A_1225 = tpu.matmul %get3A_1220, %get3A_1223, %dot_general3A_1224 {dimension_numbers = #tpu.dot_dimension_numbers<[1], [0], [0], [1], [0, 0, 1, 1], [], []>, transpose_lhs_hint = false} : vector<256x64xf32>, vector<64x64xf32>, vector<256x64xf32> -> vector<256x64xf32>
    %slice3A_1226 = vector.extract_strided_slice %dot_general3A_261 {offsets = [256, 0], sizes = [256, 64], strides = [1, 1]} : vector<1024x64xf32> to vector<256x64xf32>
    %add3A_1227 = arith.addf %dot_general3A_1225, %slice3A_1226 : vector<256x64xf32>
    %swap3A_1228 = arith.constant 6 : index
    %swap3A_1229 = arith.constant 256 : index
    %swap3A_1230 = arith.constant 0 : index
    %swap3A_1231 = vector.load %arg8[%swap3A_1228, %swap3A_1229, %swap3A_1230] : memref<8x1024x64xf32, #tpu.memory_space<vmem>>, vector<1x256x64xf32>
    %swap3A_1232 = vector.shape_cast %swap3A_1231 : vector<1x256x64xf32> to vector<256x64xf32>
    %swap3A_1233 = vector.shape_cast %add3A_1227 : vector<256x64xf32> to vector<1x256x64xf32>
    tpu.vector_store %arg8[%swap3A_1228, %swap3A_1229, %swap3A_1230], %swap3A_1233 {strides = array<i32>} : memref<8x1024x64xf32, #tpu.memory_space<vmem>>, vector<1x256x64xf32>,
    %dma_start3A_1234 = arith.constant 6 : i32
    %dma_start3A_1235 = arith.constant 6 : i32
    %dma_start3A_1236 = arith.constant 25 : i32
    %dma_start3A_1237 = tpu.memref_slice %arg10[%dma_start3A_1236] : memref<32x!tpu.dma_semaphore, #tpu.memory_space<semaphore_mem>> -> memref<1x!tpu.dma_semaphore, #tpu.memory_space<semaphore_mem>>
    %dma_start3A_1238 = tpu.memref_squeeze %dma_start3A_1237 : memref<1x!tpu.dma_semaphore, #tpu.memory_space<semaphore_mem>> -> memref<!tpu.dma_semaphore, #tpu.memory_space<semaphore_mem>>
    %dma_start3A_1239 = arith.constant 256 : i32
    %dma_start3A_1240 = arith.constant 0 : i32
    %dma_start3A_1241 = tpu.memref_slice %arg7[%dma_start3A_1235, %dma_start3A_1239, %dma_start3A_1240] : memref<8x1024x64xf32, #tpu.memory_space<hbm>> -> memref<1x256x64xf32, #tpu.memory_space<hbm>>
    %dma_start3A_1242 = tpu.memref_squeeze %dma_start3A_1241 : memref<1x256x64xf32, #tpu.memory_space<hbm>> -> memref<256x64xf32, #tpu.memory_space<hbm>>
    %dma_start3A_1243 = arith.constant 256 : i32
    %dma_start3A_1244 = arith.constant 0 : i32
    %dma_start3A_1245 = tpu.memref_slice %arg8[%dma_start3A_1234, %dma_start3A_1243, %dma_start3A_1244] : memref<8x1024x64xf32, #tpu.memory_space<vmem>> -> memref<1x256x64xf32, #tpu.memory_space<vmem>>
    %dma_start3A_1246 = tpu.memref_squeeze %dma_start3A_1245 : memref<1x256x64xf32, #tpu.memory_space<vmem>> -> memref<256x64xf32, #tpu.memory_space<vmem>>
    tpu.enqueue_dma source(%dma_start3A_1246 : memref<256x64xf32, #tpu.memory_space<vmem>>) target(%dma_start3A_1242 : memref<256x64xf32, #tpu.memory_space<hbm>>) target_semaphore(%dma_start3A_1238 : memref<!tpu.dma_semaphore, #tpu.memory_space<semaphore_mem>>)
    %get3A_1247 = arith.constant 6 : index
    %get3A_1248 = arith.constant 512 : index
    %get3A_1249 = arith.constant 0 : index
    %get3A_1250 = vector.load %arg11[%get3A_1247, %get3A_1248, %get3A_1249] : memref<8x1024x64xf32, #tpu.memory_space<vmem>>, vector<1x256x64xf32>
    %get3A_1251 = vector.shape_cast %get3A_1250 : vector<1x256x64xf32> to vector<256x64xf32>
    %get3A_1252 = arith.constant 0 : index
    %get3A_1253 = arith.constant 0 : index
    %get3A_1254 = vector.load %arg5[%get3A_1252, %get3A_1253] : memref<64x64xf32, #tpu.memory_space<vmem>>, vector<64x64xf32>
    %dot_general3A_1255 = arith.constant dense<0.000000e+00> : vector<256x64xf32>
    %dot_general3A_1256 = tpu.matmul %get3A_1251, %get3A_1254, %dot_general3A_1255 {dimension_numbers = #tpu.dot_dimension_numbers<[1], [0], [0], [1], [0, 0, 1, 1], [], []>, transpose_lhs_hint = false} : vector<256x64xf32>, vector<64x64xf32>, vector<256x64xf32> -> vector<256x64xf32>
    %slice3A_1257 = vector.extract_strided_slice %dot_general3A_261 {offsets = [512, 0], sizes = [256, 64], strides = [1, 1]} : vector<1024x64xf32> to vector<256x64xf32>
    %add3A_1258 = arith.addf %dot_general3A_1256, %slice3A_1257 : vector<256x64xf32>
    %swap3A_1259 = arith.constant 6 : index
    %swap3A_1260 = arith.constant 512 : index
    %swap3A_1261 = arith.constant 0 : index
    %swap3A_1262 = vector.load %arg8[%swap3A_1259, %swap3A_1260, %swap3A_1261] : memref<8x1024x64xf32, #tpu.memory_space<vmem>>, vector<1x256x64xf32>
    %swap3A_1263 = vector.shape_cast %swap3A_1262 : vector<1x256x64xf32> to vector<256x64xf32>
    %swap3A_1264 = vector.shape_cast %add3A_1258 : vector<256x64xf32> to vector<1x256x64xf32>
    tpu.vector_store %arg8[%swap3A_1259, %swap3A_1260, %swap3A_1261], %swap3A_1264 {strides = array<i32>} : memref<8x1024x64xf32, #tpu.memory_space<vmem>>, vector<1x256x64xf32>,
    %dma_start3A_1265 = arith.constant 6 : i32
    %dma_start3A_1266 = arith.constant 6 : i32
    %dma_start3A_1267 = arith.constant 26 : i32
    %dma_start3A_1268 = tpu.memref_slice %arg10[%dma_start3A_1267] : memref<32x!tpu.dma_semaphore, #tpu.memory_space<semaphore_mem>> -> memref<1x!tpu.dma_semaphore, #tpu.memory_space<semaphore_mem>>
    %dma_start3A_1269 = tpu.memref_squeeze %dma_start3A_1268 : memref<1x!tpu.dma_semaphore, #tpu.memory_space<semaphore_mem>> -> memref<!tpu.dma_semaphore, #tpu.memory_space<semaphore_mem>>
    %dma_start3A_1270 = arith.constant 512 : i32
    %dma_start3A_1271 = arith.constant 0 : i32
    %dma_start3A_1272 = tpu.memref_slice %arg7[%dma_start3A_1266, %dma_start3A_1270, %dma_start3A_1271] : memref<8x1024x64xf32, #tpu.memory_space<hbm>> -> memref<1x256x64xf32, #tpu.memory_space<hbm>>
    %dma_start3A_1273 = tpu.memref_squeeze %dma_start3A_1272 : memref<1x256x64xf32, #tpu.memory_space<hbm>> -> memref<256x64xf32, #tpu.memory_space<hbm>>
    %dma_start3A_1274 = arith.constant 512 : i32
    %dma_start3A_1275 = arith.constant 0 : i32
    %dma_start3A_1276 = tpu.memref_slice %arg8[%dma_start3A_1265, %dma_start3A_1274, %dma_start3A_1275] : memref<8x1024x64xf32, #tpu.memory_space<vmem>> -> memref<1x256x64xf32, #tpu.memory_space<vmem>>
    %dma_start3A_1277 = tpu.memref_squeeze %dma_start3A_1276 : memref<1x256x64xf32, #tpu.memory_space<vmem>> -> memref<256x64xf32, #tpu.memory_space<vmem>>
    tpu.enqueue_dma source(%dma_start3A_1277 : memref<256x64xf32, #tpu.memory_space<vmem>>) target(%dma_start3A_1273 : memref<256x64xf32, #tpu.memory_space<hbm>>) target_semaphore(%dma_start3A_1269 : memref<!tpu.dma_semaphore, #tpu.memory_space<semaphore_mem>>)
    %get3A_1278 = arith.constant 6 : index
    %get3A_1279 = arith.constant 768 : index
    %get3A_1280 = arith.constant 0 : index
    %get3A_1281 = vector.load %arg11[%get3A_1278, %get3A_1279, %get3A_1280] : memref<8x1024x64xf32, #tpu.memory_space<vmem>>, vector<1x256x64xf32>
    %get3A_1282 = vector.shape_cast %get3A_1281 : vector<1x256x64xf32> to vector<256x64xf32>
    %get3A_1283 = arith.constant 0 : index
    %get3A_1284 = arith.constant 0 : index
    %get3A_1285 = vector.load %arg5[%get3A_1283, %get3A_1284] : memref<64x64xf32, #tpu.memory_space<vmem>>, vector<64x64xf32>
    %dot_general3A_1286 = arith.constant dense<0.000000e+00> : vector<256x64xf32>
    %dot_general3A_1287 = tpu.matmul %get3A_1282, %get3A_1285, %dot_general3A_1286 {dimension_numbers = #tpu.dot_dimension_numbers<[1], [0], [0], [1], [0, 0, 1, 1], [], []>, transpose_lhs_hint = false} : vector<256x64xf32>, vector<64x64xf32>, vector<256x64xf32> -> vector<256x64xf32>
    %slice3A_1288 = vector.extract_strided_slice %dot_general3A_261 {offsets = [768, 0], sizes = [256, 64], strides = [1, 1]} : vector<1024x64xf32> to vector<256x64xf32>
    %add3A_1289 = arith.addf %dot_general3A_1287, %slice3A_1288 : vector<256x64xf32>
    %swap3A_1290 = arith.constant 6 : index
    %swap3A_1291 = arith.constant 768 : index
    %swap3A_1292 = arith.constant 0 : index
    %swap3A_1293 = vector.load %arg8[%swap3A_1290, %swap3A_1291, %swap3A_1292] : memref<8x1024x64xf32, #tpu.memory_space<vmem>>, vector<1x256x64xf32>
    %swap3A_1294 = vector.shape_cast %swap3A_1293 : vector<1x256x64xf32> to vector<256x64xf32>
    %swap3A_1295 = vector.shape_cast %add3A_1289 : vector<256x64xf32> to vector<1x256x64xf32>
    tpu.vector_store %arg8[%swap3A_1290, %swap3A_1291, %swap3A_1292], %swap3A_1295 {strides = array<i32>} : memref<8x1024x64xf32, #tpu.memory_space<vmem>>, vector<1x256x64xf32>,
    %dma_start3A_1296 = arith.constant 6 : i32
    %dma_start3A_1297 = arith.constant 6 : i32
    %dma_start3A_1298 = arith.constant 27 : i32
    %dma_start3A_1299 = tpu.memref_slice %arg10[%dma_start3A_1298] : memref<32x!tpu.dma_semaphore, #tpu.memory_space<semaphore_mem>> -> memref<1x!tpu.dma_semaphore, #tpu.memory_space<semaphore_mem>>
    %dma_start3A_1300 = tpu.memref_squeeze %dma_start3A_1299 : memref<1x!tpu.dma_semaphore, #tpu.memory_space<semaphore_mem>> -> memref<!tpu.dma_semaphore, #tpu.memory_space<semaphore_mem>>
    %dma_start3A_1301 = arith.constant 768 : i32
    %dma_start3A_1302 = arith.constant 0 : i32
    %dma_start3A_1303 = tpu.memref_slice %arg7[%dma_start3A_1297, %dma_start3A_1301, %dma_start3A_1302] : memref<8x1024x64xf32, #tpu.memory_space<hbm>> -> memref<1x256x64xf32, #tpu.memory_space<hbm>>
    %dma_start3A_1304 = tpu.memref_squeeze %dma_start3A_1303 : memref<1x256x64xf32, #tpu.memory_space<hbm>> -> memref<256x64xf32, #tpu.memory_space<hbm>>
    %dma_start3A_1305 = arith.constant 768 : i32
    %dma_start3A_1306 = arith.constant 0 : i32
    %dma_start3A_1307 = tpu.memref_slice %arg8[%dma_start3A_1296, %dma_start3A_1305, %dma_start3A_1306] : memref<8x1024x64xf32, #tpu.memory_space<vmem>> -> memref<1x256x64xf32, #tpu.memory_space<vmem>>
    %dma_start3A_1308 = tpu.memref_squeeze %dma_start3A_1307 : memref<1x256x64xf32, #tpu.memory_space<vmem>> -> memref<256x64xf32, #tpu.memory_space<vmem>>
    tpu.enqueue_dma source(%dma_start3A_1308 : memref<256x64xf32, #tpu.memory_space<vmem>>) target(%dma_start3A_1304 : memref<256x64xf32, #tpu.memory_space<hbm>>) target_semaphore(%dma_start3A_1300 : memref<!tpu.dma_semaphore, #tpu.memory_space<semaphore_mem>>)
    %dma_wait3A_1309 = arith.constant 7 : i32
    %dma_wait3A_1310 = arith.constant 7 : i32
    %dma_wait3A_1311 = arith.constant 14 : i32
    %dma_wait3A_1312 = tpu.memref_slice %arg9[%dma_wait3A_1311] : memref<16x!tpu.dma_semaphore, #tpu.memory_space<semaphore_mem>> -> memref<1x!tpu.dma_semaphore, #tpu.memory_space<semaphore_mem>>
    %dma_wait3A_1313 = tpu.memref_squeeze %dma_wait3A_1312 : memref<1x!tpu.dma_semaphore, #tpu.memory_space<semaphore_mem>> -> memref<!tpu.dma_semaphore, #tpu.memory_space<semaphore_mem>>
    %dma_wait3A_1314 = arith.constant 0 : i32
    %dma_wait3A_1315 = arith.constant 0 : i32
    %dma_wait3A_1316 = tpu.memref_slice %arg11[%dma_wait3A_1310, %dma_wait3A_1314, %dma_wait3A_1315] : memref<8x1024x64xf32, #tpu.memory_space<vmem>> -> memref<1x512x64xf32, #tpu.memory_space<vmem>>
    %dma_wait3A_1317 = tpu.memref_squeeze %dma_wait3A_1316 : memref<1x512x64xf32, #tpu.memory_space<vmem>> -> memref<512x64xf32, #tpu.memory_space<vmem>>
    %dma_wait3A_1318 = arith.constant 0 : i32
    %dma_wait3A_1319 = arith.constant 0 : i32
    %dma_wait3A_1320 = tpu.memref_slice %arg0[%dma_wait3A_1309, %dma_wait3A_1318, %dma_wait3A_1319] : memref<8x1024x64xf32, #tpu.memory_space<hbm>> -> memref<1x512x64xf32, #tpu.memory_space<hbm>>
    %dma_wait3A_1321 = tpu.memref_squeeze %dma_wait3A_1320 : memref<1x512x64xf32, #tpu.memory_space<hbm>> -> memref<512x64xf32, #tpu.memory_space<hbm>>
    tpu.wait_dma2 semaphore(%dma_wait3A_1313 : memref<!tpu.dma_semaphore, #tpu.memory_space<semaphore_mem>>) src(%dma_wait3A_1321 : memref<512x64xf32, #tpu.memory_space<hbm>>) dst(%dma_wait3A_1317 : memref<512x64xf32, #tpu.memory_space<vmem>>)
    %dma_wait3A_1322 = arith.constant 7 : i32
    %dma_wait3A_1323 = arith.constant 7 : i32
    %dma_wait3A_1324 = arith.constant 15 : i32
    %dma_wait3A_1325 = tpu.memref_slice %arg9[%dma_wait3A_1324] : memref<16x!tpu.dma_semaphore, #tpu.memory_space<semaphore_mem>> -> memref<1x!tpu.dma_semaphore, #tpu.memory_space<semaphore_mem>>
    %dma_wait3A_1326 = tpu.memref_squeeze %dma_wait3A_1325 : memref<1x!tpu.dma_semaphore, #tpu.memory_space<semaphore_mem>> -> memref<!tpu.dma_semaphore, #tpu.memory_space<semaphore_mem>>
    %dma_wait3A_1327 = arith.constant 512 : i32
    %dma_wait3A_1328 = arith.constant 0 : i32
    %dma_wait3A_1329 = tpu.memref_slice %arg11[%dma_wait3A_1323, %dma_wait3A_1327, %dma_wait3A_1328] : memref<8x1024x64xf32, #tpu.memory_space<vmem>> -> memref<1x512x64xf32, #tpu.memory_space<vmem>>
    %dma_wait3A_1330 = tpu.memref_squeeze %dma_wait3A_1329 : memref<1x512x64xf32, #tpu.memory_space<vmem>> -> memref<512x64xf32, #tpu.memory_space<vmem>>
    %dma_wait3A_1331 = arith.constant 512 : i32
    %dma_wait3A_1332 = arith.constant 0 : i32
    %dma_wait3A_1333 = tpu.memref_slice %arg0[%dma_wait3A_1322, %dma_wait3A_1331, %dma_wait3A_1332] : memref<8x1024x64xf32, #tpu.memory_space<hbm>> -> memref<1x512x64xf32, #tpu.memory_space<hbm>>
    %dma_wait3A_1334 = tpu.memref_squeeze %dma_wait3A_1333 : memref<1x512x64xf32, #tpu.memory_space<hbm>> -> memref<512x64xf32, #tpu.memory_space<hbm>>
    tpu.wait_dma2 semaphore(%dma_wait3A_1326 : memref<!tpu.dma_semaphore, #tpu.memory_space<semaphore_mem>>) src(%dma_wait3A_1334 : memref<512x64xf32, #tpu.memory_space<hbm>>) dst(%dma_wait3A_1330 : memref<512x64xf32, #tpu.memory_space<vmem>>)
    %get3A_1335 = arith.constant 7 : index
    %get3A_1336 = arith.constant 0 : index
    %get3A_1337 = arith.constant 0 : index
    %get3A_1338 = vector.load %arg11[%get3A_1335, %get3A_1336, %get3A_1337] : memref<8x1024x64xf32, #tpu.memory_space<vmem>>, vector<1x256x64xf32>
    %get3A_1339 = vector.shape_cast %get3A_1338 : vector<1x256x64xf32> to vector<256x64xf32>
    %get3A_1340 = arith.constant 0 : index
    %get3A_1341 = arith.constant 0 : index
    %get3A_1342 = vector.load %arg5[%get3A_1340, %get3A_1341] : memref<64x64xf32, #tpu.memory_space<vmem>>, vector<64x64xf32>
    %dot_general3A_1343 = arith.constant dense<0.000000e+00> : vector<256x64xf32>
    %dot_general3A_1344 = tpu.matmul %get3A_1339, %get3A_1342, %dot_general3A_1343 {dimension_numbers = #tpu.dot_dimension_numbers<[1], [0], [0], [1], [0, 0, 1, 1], [], []>, transpose_lhs_hint = false} : vector<256x64xf32>, vector<64x64xf32>, vector<256x64xf32> -> vector<256x64xf32>
    %slice3A_1345 = vector.extract_strided_slice %dot_general3A_261 {offsets = [0, 0], sizes = [256, 64], strides = [1, 1]} : vector<1024x64xf32> to vector<256x64xf32>
    %add3A_1346 = arith.addf %dot_general3A_1344, %slice3A_1345 : vector<256x64xf32>
    %swap3A_1347 = arith.constant 7 : index
    %swap3A_1348 = arith.constant 0 : index
    %swap3A_1349 = arith.constant 0 : index
    %swap3A_1350 = vector.load %arg8[%swap3A_1347, %swap3A_1348, %swap3A_1349] : memref<8x1024x64xf32, #tpu.memory_space<vmem>>, vector<1x256x64xf32>
    %swap3A_1351 = vector.shape_cast %swap3A_1350 : vector<1x256x64xf32> to vector<256x64xf32>
    %swap3A_1352 = vector.shape_cast %add3A_1346 : vector<256x64xf32> to vector<1x256x64xf32>
    tpu.vector_store %arg8[%swap3A_1347, %swap3A_1348, %swap3A_1349], %swap3A_1352 {strides = array<i32>} : memref<8x1024x64xf32, #tpu.memory_space<vmem>>, vector<1x256x64xf32>,
    %dma_start3A_1353 = arith.constant 7 : i32
    %dma_start3A_1354 = arith.constant 7 : i32
    %dma_start3A_1355 = arith.constant 28 : i32
    %dma_start3A_1356 = tpu.memref_slice %arg10[%dma_start3A_1355] : memref<32x!tpu.dma_semaphore, #tpu.memory_space<semaphore_mem>> -> memref<1x!tpu.dma_semaphore, #tpu.memory_space<semaphore_mem>>
    %dma_start3A_1357 = tpu.memref_squeeze %dma_start3A_1356 : memref<1x!tpu.dma_semaphore, #tpu.memory_space<semaphore_mem>> -> memref<!tpu.dma_semaphore, #tpu.memory_space<semaphore_mem>>
    %dma_start3A_1358 = arith.constant 0 : i32
    %dma_start3A_1359 = arith.constant 0 : i32
    %dma_start3A_1360 = tpu.memref_slice %arg7[%dma_start3A_1354, %dma_start3A_1358, %dma_start3A_1359] : memref<8x1024x64xf32, #tpu.memory_space<hbm>> -> memref<1x256x64xf32, #tpu.memory_space<hbm>>
    %dma_start3A_1361 = tpu.memref_squeeze %dma_start3A_1360 : memref<1x256x64xf32, #tpu.memory_space<hbm>> -> memref<256x64xf32, #tpu.memory_space<hbm>>
    %dma_start3A_1362 = arith.constant 0 : i32
    %dma_start3A_1363 = arith.constant 0 : i32
    %dma_start3A_1364 = tpu.memref_slice %arg8[%dma_start3A_1353, %dma_start3A_1362, %dma_start3A_1363] : memref<8x1024x64xf32, #tpu.memory_space<vmem>> -> memref<1x256x64xf32, #tpu.memory_space<vmem>>
    %dma_start3A_1365 = tpu.memref_squeeze %dma_start3A_1364 : memref<1x256x64xf32, #tpu.memory_space<vmem>> -> memref<256x64xf32, #tpu.memory_space<vmem>>
    tpu.enqueue_dma source(%dma_start3A_1365 : memref<256x64xf32, #tpu.memory_space<vmem>>) target(%dma_start3A_1361 : memref<256x64xf32, #tpu.memory_space<hbm>>) target_semaphore(%dma_start3A_1357 : memref<!tpu.dma_semaphore, #tpu.memory_space<semaphore_mem>>)
    %get3A_1366 = arith.constant 7 : index
    %get3A_1367 = arith.constant 256 : index
    %get3A_1368 = arith.constant 0 : index
    %get3A_1369 = vector.load %arg11[%get3A_1366, %get3A_1367, %get3A_1368] : memref<8x1024x64xf32, #tpu.memory_space<vmem>>, vector<1x256x64xf32>
    %get3A_1370 = vector.shape_cast %get3A_1369 : vector<1x256x64xf32> to vector<256x64xf32>
    %get3A_1371 = arith.constant 0 : index
    %get3A_1372 = arith.constant 0 : index
    %get3A_1373 = vector.load %arg5[%get3A_1371, %get3A_1372] : memref<64x64xf32, #tpu.memory_space<vmem>>, vector<64x64xf32>
    %dot_general3A_1374 = arith.constant dense<0.000000e+00> : vector<256x64xf32>
    %dot_general3A_1375 = tpu.matmul %get3A_1370, %get3A_1373, %dot_general3A_1374 {dimension_numbers = #tpu.dot_dimension_numbers<[1], [0], [0], [1], [0, 0, 1, 1], [], []>, transpose_lhs_hint = false} : vector<256x64xf32>, vector<64x64xf32>, vector<256x64xf32> -> vector<256x64xf32>
    %slice3A_1376 = vector.extract_strided_slice %dot_general3A_261 {offsets = [256, 0], sizes = [256, 64], strides = [1, 1]} : vector<1024x64xf32> to vector<256x64xf32>
    %add3A_1377 = arith.addf %dot_general3A_1375, %slice3A_1376 : vector<256x64xf32>
    %swap3A_1378 = arith.constant 7 : index
    %swap3A_1379 = arith.constant 256 : index
    %swap3A_1380 = arith.constant 0 : index
    %swap3A_1381 = vector.load %arg8[%swap3A_1378, %swap3A_1379, %swap3A_1380] : memref<8x1024x64xf32, #tpu.memory_space<vmem>>, vector<1x256x64xf32>
    %swap3A_1382 = vector.shape_cast %swap3A_1381 : vector<1x256x64xf32> to vector<256x64xf32>
    %swap3A_1383 = vector.shape_cast %add3A_1377 : vector<256x64xf32> to vector<1x256x64xf32>
    tpu.vector_store %arg8[%swap3A_1378, %swap3A_1379, %swap3A_1380], %swap3A_1383 {strides = array<i32>} : memref<8x1024x64xf32, #tpu.memory_space<vmem>>, vector<1x256x64xf32>,
    %dma_start3A_1384 = arith.constant 7 : i32
    %dma_start3A_1385 = arith.constant 7 : i32
    %dma_start3A_1386 = arith.constant 29 : i32
    %dma_start3A_1387 = tpu.memref_slice %arg10[%dma_start3A_1386] : memref<32x!tpu.dma_semaphore, #tpu.memory_space<semaphore_mem>> -> memref<1x!tpu.dma_semaphore, #tpu.memory_space<semaphore_mem>>
    %dma_start3A_1388 = tpu.memref_squeeze %dma_start3A_1387 : memref<1x!tpu.dma_semaphore, #tpu.memory_space<semaphore_mem>> -> memref<!tpu.dma_semaphore, #tpu.memory_space<semaphore_mem>>
    %dma_start3A_1389 = arith.constant 256 : i32
    %dma_start3A_1390 = arith.constant 0 : i32
    %dma_start3A_1391 = tpu.memref_slice %arg7[%dma_start3A_1385, %dma_start3A_1389, %dma_start3A_1390] : memref<8x1024x64xf32, #tpu.memory_space<hbm>> -> memref<1x256x64xf32, #tpu.memory_space<hbm>>
    %dma_start3A_1392 = tpu.memref_squeeze %dma_start3A_1391 : memref<1x256x64xf32, #tpu.memory_space<hbm>> -> memref<256x64xf32, #tpu.memory_space<hbm>>
    %dma_start3A_1393 = arith.constant 256 : i32
    %dma_start3A_1394 = arith.constant 0 : i32
    %dma_start3A_1395 = tpu.memref_slice %arg8[%dma_start3A_1384, %dma_start3A_1393, %dma_start3A_1394] : memref<8x1024x64xf32, #tpu.memory_space<vmem>> -> memref<1x256x64xf32, #tpu.memory_space<vmem>>
    %dma_start3A_1396 = tpu.memref_squeeze %dma_start3A_1395 : memref<1x256x64xf32, #tpu.memory_space<vmem>> -> memref<256x64xf32, #tpu.memory_space<vmem>>
    tpu.enqueue_dma source(%dma_start3A_1396 : memref<256x64xf32, #tpu.memory_space<vmem>>) target(%dma_start3A_1392 : memref<256x64xf32, #tpu.memory_space<hbm>>) target_semaphore(%dma_start3A_1388 : memref<!tpu.dma_semaphore, #tpu.memory_space<semaphore_mem>>)
    %get3A_1397 = arith.constant 7 : index
    %get3A_1398 = arith.constant 512 : index
    %get3A_1399 = arith.constant 0 : index
    %get3A_1400 = vector.load %arg11[%get3A_1397, %get3A_1398, %get3A_1399] : memref<8x1024x64xf32, #tpu.memory_space<vmem>>, vector<1x256x64xf32>
    %get3A_1401 = vector.shape_cast %get3A_1400 : vector<1x256x64xf32> to vector<256x64xf32>
    %get3A_1402 = arith.constant 0 : index
    %get3A_1403 = arith.constant 0 : index
    %get3A_1404 = vector.load %arg5[%get3A_1402, %get3A_1403] : memref<64x64xf32, #tpu.memory_space<vmem>>, vector<64x64xf32>
    %dot_general3A_1405 = arith.constant dense<0.000000e+00> : vector<256x64xf32>
    %dot_general3A_1406 = tpu.matmul %get3A_1401, %get3A_1404, %dot_general3A_1405 {dimension_numbers = #tpu.dot_dimension_numbers<[1], [0], [0], [1], [0, 0, 1, 1], [], []>, transpose_lhs_hint = false} : vector<256x64xf32>, vector<64x64xf32>, vector<256x64xf32> -> vector<256x64xf32>
    %slice3A_1407 = vector.extract_strided_slice %dot_general3A_261 {offsets = [512, 0], sizes = [256, 64], strides = [1, 1]} : vector<1024x64xf32> to vector<256x64xf32>
    %add3A_1408 = arith.addf %dot_general3A_1406, %slice3A_1407 : vector<256x64xf32>
    %swap3A_1409 = arith.constant 7 : index
    %swap3A_1410 = arith.constant 512 : index
    %swap3A_1411 = arith.constant 0 : index
    %swap3A_1412 = vector.load %arg8[%swap3A_1409, %swap3A_1410, %swap3A_1411] : memref<8x1024x64xf32, #tpu.memory_space<vmem>>, vector<1x256x64xf32>
    %swap3A_1413 = vector.shape_cast %swap3A_1412 : vector<1x256x64xf32> to vector<256x64xf32>
    %swap3A_1414 = vector.shape_cast %add3A_1408 : vector<256x64xf32> to vector<1x256x64xf32>
    tpu.vector_store %arg8[%swap3A_1409, %swap3A_1410, %swap3A_1411], %swap3A_1414 {strides = array<i32>} : memref<8x1024x64xf32, #tpu.memory_space<vmem>>, vector<1x256x64xf32>,
    %dma_start3A_1415 = arith.constant 7 : i32
    %dma_start3A_1416 = arith.constant 7 : i32
    %dma_start3A_1417 = arith.constant 30 : i32
    %dma_start3A_1418 = tpu.memref_slice %arg10[%dma_start3A_1417] : memref<32x!tpu.dma_semaphore, #tpu.memory_space<semaphore_mem>> -> memref<1x!tpu.dma_semaphore, #tpu.memory_space<semaphore_mem>>
    %dma_start3A_1419 = tpu.memref_squeeze %dma_start3A_1418 : memref<1x!tpu.dma_semaphore, #tpu.memory_space<semaphore_mem>> -> memref<!tpu.dma_semaphore, #tpu.memory_space<semaphore_mem>>
    %dma_start3A_1420 = arith.constant 512 : i32
    %dma_start3A_1421 = arith.constant 0 : i32
    %dma_start3A_1422 = tpu.memref_slice %arg7[%dma_start3A_1416, %dma_start3A_1420, %dma_start3A_1421] : memref<8x1024x64xf32, #tpu.memory_space<hbm>> -> memref<1x256x64xf32, #tpu.memory_space<hbm>>
    %dma_start3A_1423 = tpu.memref_squeeze %dma_start3A_1422 : memref<1x256x64xf32, #tpu.memory_space<hbm>> -> memref<256x64xf32, #tpu.memory_space<hbm>>
    %dma_start3A_1424 = arith.constant 512 : i32
    %dma_start3A_1425 = arith.constant 0 : i32
    %dma_start3A_1426 = tpu.memref_slice %arg8[%dma_start3A_1415, %dma_start3A_1424, %dma_start3A_1425] : memref<8x1024x64xf32, #tpu.memory_space<vmem>> -> memref<1x256x64xf32, #tpu.memory_space<vmem>>
    %dma_start3A_1427 = tpu.memref_squeeze %dma_start3A_1426 : memref<1x256x64xf32, #tpu.memory_space<vmem>> -> memref<256x64xf32, #tpu.memory_space<vmem>>
    tpu.enqueue_dma source(%dma_start3A_1427 : memref<256x64xf32, #tpu.memory_space<vmem>>) target(%dma_start3A_1423 : memref<256x64xf32, #tpu.memory_space<hbm>>) target_semaphore(%dma_start3A_1419 : memref<!tpu.dma_semaphore, #tpu.memory_space<semaphore_mem>>)
    %get3A_1428 = arith.constant 7 : index
    %get3A_1429 = arith.constant 768 : index
    %get3A_1430 = arith.constant 0 : index
    %get3A_1431 = vector.load %arg11[%get3A_1428, %get3A_1429, %get3A_1430] : memref<8x1024x64xf32, #tpu.memory_space<vmem>>, vector<1x256x64xf32>
    %get3A_1432 = vector.shape_cast %get3A_1431 : vector<1x256x64xf32> to vector<256x64xf32>
    %get3A_1433 = arith.constant 0 : index
    %get3A_1434 = arith.constant 0 : index
    %get3A_1435 = vector.load %arg5[%get3A_1433, %get3A_1434] : memref<64x64xf32, #tpu.memory_space<vmem>>, vector<64x64xf32>
    %dot_general3A_1436 = arith.constant dense<0.000000e+00> : vector<256x64xf32>
    %dot_general3A_1437 = tpu.matmul %get3A_1432, %get3A_1435, %dot_general3A_1436 {dimension_numbers = #tpu.dot_dimension_numbers<[1], [0], [0], [1], [0, 0, 1, 1], [], []>, transpose_lhs_hint = false} : vector<256x64xf32>, vector<64x64xf32>, vector<256x64xf32> -> vector<256x64xf32>
    %slice3A_1438 = vector.extract_strided_slice %dot_general3A_261 {offsets = [768, 0], sizes = [256, 64], strides = [1, 1]} : vector<1024x64xf32> to vector<256x64xf32>
    %add3A_1439 = arith.addf %dot_general3A_1437, %slice3A_1438 : vector<256x64xf32>
    %swap3A_1440 = arith.constant 7 : index
    %swap3A_1441 = arith.constant 768 : index
    %swap3A_1442 = arith.constant 0 : index
    %swap3A_1443 = vector.load %arg8[%swap3A_1440, %swap3A_1441, %swap3A_1442] : memref<8x1024x64xf32, #tpu.memory_space<vmem>>, vector<1x256x64xf32>
    %swap3A_1444 = vector.shape_cast %swap3A_1443 : vector<1x256x64xf32> to vector<256x64xf32>
    %swap3A_1445 = vector.shape_cast %add3A_1439 : vector<256x64xf32> to vector<1x256x64xf32>
    tpu.vector_store %arg8[%swap3A_1440, %swap3A_1441, %swap3A_1442], %swap3A_1445 {strides = array<i32>} : memref<8x1024x64xf32, #tpu.memory_space<vmem>>, vector<1x256x64xf32>,
    %dma_start3A_1446 = arith.constant 7 : i32
    %dma_start3A_1447 = arith.constant 7 : i32
    %dma_start3A_1448 = arith.constant 31 : i32
    %dma_start3A_1449 = tpu.memref_slice %arg10[%dma_start3A_1448] : memref<32x!tpu.dma_semaphore, #tpu.memory_space<semaphore_mem>> -> memref<1x!tpu.dma_semaphore, #tpu.memory_space<semaphore_mem>>
    %dma_start3A_1450 = tpu.memref_squeeze %dma_start3A_1449 : memref<1x!tpu.dma_semaphore, #tpu.memory_space<semaphore_mem>> -> memref<!tpu.dma_semaphore, #tpu.memory_space<semaphore_mem>>
    %dma_start3A_1451 = arith.constant 768 : i32
    %dma_start3A_1452 = arith.constant 0 : i32
    %dma_start3A_1453 = tpu.memref_slice %arg7[%dma_start3A_1447, %dma_start3A_1451, %dma_start3A_1452] : memref<8x1024x64xf32, #tpu.memory_space<hbm>> -> memref<1x256x64xf32, #tpu.memory_space<hbm>>
    %dma_start3A_1454 = tpu.memref_squeeze %dma_start3A_1453 : memref<1x256x64xf32, #tpu.memory_space<hbm>> -> memref<256x64xf32, #tpu.memory_space<hbm>>
    %dma_start3A_1455 = arith.constant 768 : i32
    %dma_start3A_1456 = arith.constant 0 : i32
    %dma_start3A_1457 = tpu.memref_slice %arg8[%dma_start3A_1446, %dma_start3A_1455, %dma_start3A_1456] : memref<8x1024x64xf32, #tpu.memory_space<vmem>> -> memref<1x256x64xf32, #tpu.memory_space<vmem>>
    %dma_start3A_1458 = tpu.memref_squeeze %dma_start3A_1457 : memref<1x256x64xf32, #tpu.memory_space<vmem>> -> memref<256x64xf32, #tpu.memory_space<vmem>>
    tpu.enqueue_dma source(%dma_start3A_1458 : memref<256x64xf32, #tpu.memory_space<vmem>>) target(%dma_start3A_1454 : memref<256x64xf32, #tpu.memory_space<hbm>>) target_semaphore(%dma_start3A_1450 : memref<!tpu.dma_semaphore, #tpu.memory_space<semaphore_mem>>)
    %dma_wait3A_1459 = arith.constant 0 : i32
    %dma_wait3A_1460 = arith.constant 0 : i32
    %dma_wait3A_1461 = arith.constant 0 : i32
    %dma_wait3A_1462 = tpu.memref_slice %arg10[%dma_wait3A_1461] : memref<32x!tpu.dma_semaphore, #tpu.memory_space<semaphore_mem>> -> memref<1x!tpu.dma_semaphore, #tpu.memory_space<semaphore_mem>>
    %dma_wait3A_1463 = tpu.memref_squeeze %dma_wait3A_1462 : memref<1x!tpu.dma_semaphore, #tpu.memory_space<semaphore_mem>> -> memref<!tpu.dma_semaphore, #tpu.memory_space<semaphore_mem>>
    %dma_wait3A_1464 = arith.constant 0 : i32
    %dma_wait3A_1465 = arith.constant 0 : i32
    %dma_wait3A_1466 = tpu.memref_slice %arg7[%dma_wait3A_1460, %dma_wait3A_1464, %dma_wait3A_1465] : memref<8x1024x64xf32, #tpu.memory_space<hbm>> -> memref<1x256x64xf32, #tpu.memory_space<hbm>>
    %dma_wait3A_1467 = tpu.memref_squeeze %dma_wait3A_1466 : memref<1x256x64xf32, #tpu.memory_space<hbm>> -> memref<256x64xf32, #tpu.memory_space<hbm>>
    %dma_wait3A_1468 = arith.constant 0 : i32
    %dma_wait3A_1469 = arith.constant 0 : i32
    %dma_wait3A_1470 = tpu.memref_slice %arg8[%dma_wait3A_1459, %dma_wait3A_1468, %dma_wait3A_1469] : memref<8x1024x64xf32, #tpu.memory_space<vmem>> -> memref<1x256x64xf32, #tpu.memory_space<vmem>>
    %dma_wait3A_1471 = tpu.memref_squeeze %dma_wait3A_1470 : memref<1x256x64xf32, #tpu.memory_space<vmem>> -> memref<256x64xf32, #tpu.memory_space<vmem>>
    tpu.wait_dma2 semaphore(%dma_wait3A_1463 : memref<!tpu.dma_semaphore, #tpu.memory_space<semaphore_mem>>) src(%dma_wait3A_1471 : memref<256x64xf32, #tpu.memory_space<vmem>>) dst(%dma_wait3A_1467 : memref<256x64xf32, #tpu.memory_space<hbm>>)
    %dma_wait3A_1472 = arith.constant 0 : i32
    %dma_wait3A_1473 = arith.constant 0 : i32
    %dma_wait3A_1474 = arith.constant 1 : i32
    %dma_wait3A_1475 = tpu.memref_slice %arg10[%dma_wait3A_1474] : memref<32x!tpu.dma_semaphore, #tpu.memory_space<semaphore_mem>> -> memref<1x!tpu.dma_semaphore, #tpu.memory_space<semaphore_mem>>
    %dma_wait3A_1476 = tpu.memref_squeeze %dma_wait3A_1475 : memref<1x!tpu.dma_semaphore, #tpu.memory_space<semaphore_mem>> -> memref<!tpu.dma_semaphore, #tpu.memory_space<semaphore_mem>>
    %dma_wait3A_1477 = arith.constant 256 : i32
    %dma_wait3A_1478 = arith.constant 0 : i32
    %dma_wait3A_1479 = tpu.memref_slice %arg7[%dma_wait3A_1473, %dma_wait3A_1477, %dma_wait3A_1478] : memref<8x1024x64xf32, #tpu.memory_space<hbm>> -> memref<1x256x64xf32, #tpu.memory_space<hbm>>
    %dma_wait3A_1480 = tpu.memref_squeeze %dma_wait3A_1479 : memref<1x256x64xf32, #tpu.memory_space<hbm>> -> memref<256x64xf32, #tpu.memory_space<hbm>>
    %dma_wait3A_1481 = arith.constant 256 : i32
    %dma_wait3A_1482 = arith.constant 0 : i32
    %dma_wait3A_1483 = tpu.memref_slice %arg8[%dma_wait3A_1472, %dma_wait3A_1481, %dma_wait3A_1482] : memref<8x1024x64xf32, #tpu.memory_space<vmem>> -> memref<1x256x64xf32, #tpu.memory_space<vmem>>
    %dma_wait3A_1484 = tpu.memref_squeeze %dma_wait3A_1483 : memref<1x256x64xf32, #tpu.memory_space<vmem>> -> memref<256x64xf32, #tpu.memory_space<vmem>>
    tpu.wait_dma2 semaphore(%dma_wait3A_1476 : memref<!tpu.dma_semaphore, #tpu.memory_space<semaphore_mem>>) src(%dma_wait3A_1484 : memref<256x64xf32, #tpu.memory_space<vmem>>) dst(%dma_wait3A_1480 : memref<256x64xf32, #tpu.memory_space<hbm>>)
    %dma_wait3A_1485 = arith.constant 0 : i32
    %dma_wait3A_1486 = arith.constant 0 : i32
    %dma_wait3A_1487 = arith.constant 2 : i32
    %dma_wait3A_1488 = tpu.memref_slice %arg10[%dma_wait3A_1487] : memref<32x!tpu.dma_semaphore, #tpu.memory_space<semaphore_mem>> -> memref<1x!tpu.dma_semaphore, #tpu.memory_space<semaphore_mem>>
    %dma_wait3A_1489 = tpu.memref_squeeze %dma_wait3A_1488 : memref<1x!tpu.dma_semaphore, #tpu.memory_space<semaphore_mem>> -> memref<!tpu.dma_semaphore, #tpu.memory_space<semaphore_mem>>
    %dma_wait3A_1490 = arith.constant 512 : i32
    %dma_wait3A_1491 = arith.constant 0 : i32
    %dma_wait3A_1492 = tpu.memref_slice %arg7[%dma_wait3A_1486, %dma_wait3A_1490, %dma_wait3A_1491] : memref<8x1024x64xf32, #tpu.memory_space<hbm>> -> memref<1x256x64xf32, #tpu.memory_space<hbm>>
    %dma_wait3A_1493 = tpu.memref_squeeze %dma_wait3A_1492 : memref<1x256x64xf32, #tpu.memory_space<hbm>> -> memref<256x64xf32, #tpu.memory_space<hbm>>
    %dma_wait3A_1494 = arith.constant 512 : i32
    %dma_wait3A_1495 = arith.constant 0 : i32
    %dma_wait3A_1496 = tpu.memref_slice %arg8[%dma_wait3A_1485, %dma_wait3A_1494, %dma_wait3A_1495] : memref<8x1024x64xf32, #tpu.memory_space<vmem>> -> memref<1x256x64xf32, #tpu.memory_space<vmem>>
    %dma_wait3A_1497 = tpu.memref_squeeze %dma_wait3A_1496 : memref<1x256x64xf32, #tpu.memory_space<vmem>> -> memref<256x64xf32, #tpu.memory_space<vmem>>
    tpu.wait_dma2 semaphore(%dma_wait3A_1489 : memref<!tpu.dma_semaphore, #tpu.memory_space<semaphore_mem>>) src(%dma_wait3A_1497 : memref<256x64xf32, #tpu.memory_space<vmem>>) dst(%dma_wait3A_1493 : memref<256x64xf32, #tpu.memory_space<hbm>>)
    %dma_wait3A_1498 = arith.constant 0 : i32
    %dma_wait3A_1499 = arith.constant 0 : i32
    %dma_wait3A_1500 = arith.constant 3 : i32
    %dma_wait3A_1501 = tpu.memref_slice %arg10[%dma_wait3A_1500] : memref<32x!tpu.dma_semaphore, #tpu.memory_space<semaphore_mem>> -> memref<1x!tpu.dma_semaphore, #tpu.memory_space<semaphore_mem>>
    %dma_wait3A_1502 = tpu.memref_squeeze %dma_wait3A_1501 : memref<1x!tpu.dma_semaphore, #tpu.memory_space<semaphore_mem>> -> memref<!tpu.dma_semaphore, #tpu.memory_space<semaphore_mem>>
    %dma_wait3A_1503 = arith.constant 768 : i32
    %dma_wait3A_1504 = arith.constant 0 : i32
    %dma_wait3A_1505 = tpu.memref_slice %arg7[%dma_wait3A_1499, %dma_wait3A_1503, %dma_wait3A_1504] : memref<8x1024x64xf32, #tpu.memory_space<hbm>> -> memref<1x256x64xf32, #tpu.memory_space<hbm>>
    %dma_wait3A_1506 = tpu.memref_squeeze %dma_wait3A_1505 : memref<1x256x64xf32, #tpu.memory_space<hbm>> -> memref<256x64xf32, #tpu.memory_space<hbm>>
    %dma_wait3A_1507 = arith.constant 768 : i32
    %dma_wait3A_1508 = arith.constant 0 : i32
    %dma_wait3A_1509 = tpu.memref_slice %arg8[%dma_wait3A_1498, %dma_wait3A_1507, %dma_wait3A_1508] : memref<8x1024x64xf32, #tpu.memory_space<vmem>> -> memref<1x256x64xf32, #tpu.memory_space<vmem>>
    %dma_wait3A_1510 = tpu.memref_squeeze %dma_wait3A_1509 : memref<1x256x64xf32, #tpu.memory_space<vmem>> -> memref<256x64xf32, #tpu.memory_space<vmem>>
    tpu.wait_dma2 semaphore(%dma_wait3A_1502 : memref<!tpu.dma_semaphore, #tpu.memory_space<semaphore_mem>>) src(%dma_wait3A_1510 : memref<256x64xf32, #tpu.memory_space<vmem>>) dst(%dma_wait3A_1506 : memref<256x64xf32, #tpu.memory_space<hbm>>)
    %dma_wait3A_1511 = arith.constant 1 : i32
    %dma_wait3A_1512 = arith.constant 1 : i32
    %dma_wait3A_1513 = arith.constant 4 : i32
    %dma_wait3A_1514 = tpu.memref_slice %arg10[%dma_wait3A_1513] : memref<32x!tpu.dma_semaphore, #tpu.memory_space<semaphore_mem>> -> memref<1x!tpu.dma_semaphore, #tpu.memory_space<semaphore_mem>>
    %dma_wait3A_1515 = tpu.memref_squeeze %dma_wait3A_1514 : memref<1x!tpu.dma_semaphore, #tpu.memory_space<semaphore_mem>> -> memref<!tpu.dma_semaphore, #tpu.memory_space<semaphore_mem>>
    %dma_wait3A_1516 = arith.constant 0 : i32
    %dma_wait3A_1517 = arith.constant 0 : i32
    %dma_wait3A_1518 = tpu.memref_slice %arg7[%dma_wait3A_1512, %dma_wait3A_1516, %dma_wait3A_1517] : memref<8x1024x64xf32, #tpu.memory_space<hbm>> -> memref<1x256x64xf32, #tpu.memory_space<hbm>>
    %dma_wait3A_1519 = tpu.memref_squeeze %dma_wait3A_1518 : memref<1x256x64xf32, #tpu.memory_space<hbm>> -> memref<256x64xf32, #tpu.memory_space<hbm>>
    %dma_wait3A_1520 = arith.constant 0 : i32
    %dma_wait3A_1521 = arith.constant 0 : i32
    %dma_wait3A_1522 = tpu.memref_slice %arg8[%dma_wait3A_1511, %dma_wait3A_1520, %dma_wait3A_1521] : memref<8x1024x64xf32, #tpu.memory_space<vmem>> -> memref<1x256x64xf32, #tpu.memory_space<vmem>>
    %dma_wait3A_1523 = tpu.memref_squeeze %dma_wait3A_1522 : memref<1x256x64xf32, #tpu.memory_space<vmem>> -> memref<256x64xf32, #tpu.memory_space<vmem>>
    tpu.wait_dma2 semaphore(%dma_wait3A_1515 : memref<!tpu.dma_semaphore, #tpu.memory_space<semaphore_mem>>) src(%dma_wait3A_1523 : memref<256x64xf32, #tpu.memory_space<vmem>>) dst(%dma_wait3A_1519 : memref<256x64xf32, #tpu.memory_space<hbm>>)
    %dma_wait3A_1524 = arith.constant 1 : i32
    %dma_wait3A_1525 = arith.constant 1 : i32
    %dma_wait3A_1526 = arith.constant 5 : i32
    %dma_wait3A_1527 = tpu.memref_slice %arg10[%dma_wait3A_1526] : memref<32x!tpu.dma_semaphore, #tpu.memory_space<semaphore_mem>> -> memref<1x!tpu.dma_semaphore, #tpu.memory_space<semaphore_mem>>
    %dma_wait3A_1528 = tpu.memref_squeeze %dma_wait3A_1527 : memref<1x!tpu.dma_semaphore, #tpu.memory_space<semaphore_mem>> -> memref<!tpu.dma_semaphore, #tpu.memory_space<semaphore_mem>>
    %dma_wait3A_1529 = arith.constant 256 : i32
    %dma_wait3A_1530 = arith.constant 0 : i32
    %dma_wait3A_1531 = tpu.memref_slice %arg7[%dma_wait3A_1525, %dma_wait3A_1529, %dma_wait3A_1530] : memref<8x1024x64xf32, #tpu.memory_space<hbm>> -> memref<1x256x64xf32, #tpu.memory_space<hbm>>
    %dma_wait3A_1532 = tpu.memref_squeeze %dma_wait3A_1531 : memref<1x256x64xf32, #tpu.memory_space<hbm>> -> memref<256x64xf32, #tpu.memory_space<hbm>>
    %dma_wait3A_1533 = arith.constant 256 : i32
    %dma_wait3A_1534 = arith.constant 0 : i32
    %dma_wait3A_1535 = tpu.memref_slice %arg8[%dma_wait3A_1524, %dma_wait3A_1533, %dma_wait3A_1534] : memref<8x1024x64xf32, #tpu.memory_space<vmem>> -> memref<1x256x64xf32, #tpu.memory_space<vmem>>
    %dma_wait3A_1536 = tpu.memref_squeeze %dma_wait3A_1535 : memref<1x256x64xf32, #tpu.memory_space<vmem>> -> memref<256x64xf32, #tpu.memory_space<vmem>>
    tpu.wait_dma2 semaphore(%dma_wait3A_1528 : memref<!tpu.dma_semaphore, #tpu.memory_space<semaphore_mem>>) src(%dma_wait3A_1536 : memref<256x64xf32, #tpu.memory_space<vmem>>) dst(%dma_wait3A_1532 : memref<256x64xf32, #tpu.memory_space<hbm>>)
    %dma_wait3A_1537 = arith.constant 1 : i32
    %dma_wait3A_1538 = arith.constant 1 : i32
    %dma_wait3A_1539 = arith.constant 6 : i32
    %dma_wait3A_1540 = tpu.memref_slice %arg10[%dma_wait3A_1539] : memref<32x!tpu.dma_semaphore, #tpu.memory_space<semaphore_mem>> -> memref<1x!tpu.dma_semaphore, #tpu.memory_space<semaphore_mem>>
    %dma_wait3A_1541 = tpu.memref_squeeze %dma_wait3A_1540 : memref<1x!tpu.dma_semaphore, #tpu.memory_space<semaphore_mem>> -> memref<!tpu.dma_semaphore, #tpu.memory_space<semaphore_mem>>
    %dma_wait3A_1542 = arith.constant 512 : i32
    %dma_wait3A_1543 = arith.constant 0 : i32
    %dma_wait3A_1544 = tpu.memref_slice %arg7[%dma_wait3A_1538, %dma_wait3A_1542, %dma_wait3A_1543] : memref<8x1024x64xf32, #tpu.memory_space<hbm>> -> memref<1x256x64xf32, #tpu.memory_space<hbm>>
    %dma_wait3A_1545 = tpu.memref_squeeze %dma_wait3A_1544 : memref<1x256x64xf32, #tpu.memory_space<hbm>> -> memref<256x64xf32, #tpu.memory_space<hbm>>
    %dma_wait3A_1546 = arith.constant 512 : i32
    %dma_wait3A_1547 = arith.constant 0 : i32
    %dma_wait3A_1548 = tpu.memref_slice %arg8[%dma_wait3A_1537, %dma_wait3A_1546, %dma_wait3A_1547] : memref<8x1024x64xf32, #tpu.memory_space<vmem>> -> memref<1x256x64xf32, #tpu.memory_space<vmem>>
    %dma_wait3A_1549 = tpu.memref_squeeze %dma_wait3A_1548 : memref<1x256x64xf32, #tpu.memory_space<vmem>> -> memref<256x64xf32, #tpu.memory_space<vmem>>
    tpu.wait_dma2 semaphore(%dma_wait3A_1541 : memref<!tpu.dma_semaphore, #tpu.memory_space<semaphore_mem>>) src(%dma_wait3A_1549 : memref<256x64xf32, #tpu.memory_space<vmem>>) dst(%dma_wait3A_1545 : memref<256x64xf32, #tpu.memory_space<hbm>>)
    %dma_wait3A_1550 = arith.constant 1 : i32
    %dma_wait3A_1551 = arith.constant 1 : i32
    %dma_wait3A_1552 = arith.constant 7 : i32
    %dma_wait3A_1553 = tpu.memref_slice %arg10[%dma_wait3A_1552] : memref<32x!tpu.dma_semaphore, #tpu.memory_space<semaphore_mem>> -> memref<1x!tpu.dma_semaphore, #tpu.memory_space<semaphore_mem>>
    %dma_wait3A_1554 = tpu.memref_squeeze %dma_wait3A_1553 : memref<1x!tpu.dma_semaphore, #tpu.memory_space<semaphore_mem>> -> memref<!tpu.dma_semaphore, #tpu.memory_space<semaphore_mem>>
    %dma_wait3A_1555 = arith.constant 768 : i32
    %dma_wait3A_1556 = arith.constant 0 : i32
    %dma_wait3A_1557 = tpu.memref_slice %arg7[%dma_wait3A_1551, %dma_wait3A_1555, %dma_wait3A_1556] : memref<8x1024x64xf32, #tpu.memory_space<hbm>> -> memref<1x256x64xf32, #tpu.memory_space<hbm>>
    %dma_wait3A_1558 = tpu.memref_squeeze %dma_wait3A_1557 : memref<1x256x64xf32, #tpu.memory_space<hbm>> -> memref<256x64xf32, #tpu.memory_space<hbm>>
    %dma_wait3A_1559 = arith.constant 768 : i32
    %dma_wait3A_1560 = arith.constant 0 : i32
    %dma_wait3A_1561 = tpu.memref_slice %arg8[%dma_wait3A_1550, %dma_wait3A_1559, %dma_wait3A_1560] : memref<8x1024x64xf32, #tpu.memory_space<vmem>> -> memref<1x256x64xf32, #tpu.memory_space<vmem>>
    %dma_wait3A_1562 = tpu.memref_squeeze %dma_wait3A_1561 : memref<1x256x64xf32, #tpu.memory_space<vmem>> -> memref<256x64xf32, #tpu.memory_space<vmem>>
    tpu.wait_dma2 semaphore(%dma_wait3A_1554 : memref<!tpu.dma_semaphore, #tpu.memory_space<semaphore_mem>>) src(%dma_wait3A_1562 : memref<256x64xf32, #tpu.memory_space<vmem>>) dst(%dma_wait3A_1558 : memref<256x64xf32, #tpu.memory_space<hbm>>)
    %dma_wait3A_1563 = arith.constant 2 : i32
    %dma_wait3A_1564 = arith.constant 2 : i32
    %dma_wait3A_1565 = arith.constant 8 : i32
    %dma_wait3A_1566 = tpu.memref_slice %arg10[%dma_wait3A_1565] : memref<32x!tpu.dma_semaphore, #tpu.memory_space<semaphore_mem>> -> memref<1x!tpu.dma_semaphore, #tpu.memory_space<semaphore_mem>>
    %dma_wait3A_1567 = tpu.memref_squeeze %dma_wait3A_1566 : memref<1x!tpu.dma_semaphore, #tpu.memory_space<semaphore_mem>> -> memref<!tpu.dma_semaphore, #tpu.memory_space<semaphore_mem>>
    %dma_wait3A_1568 = arith.constant 0 : i32
    %dma_wait3A_1569 = arith.constant 0 : i32
    %dma_wait3A_1570 = tpu.memref_slice %arg7[%dma_wait3A_1564, %dma_wait3A_1568, %dma_wait3A_1569] : memref<8x1024x64xf32, #tpu.memory_space<hbm>> -> memref<1x256x64xf32, #tpu.memory_space<hbm>>
    %dma_wait3A_1571 = tpu.memref_squeeze %dma_wait3A_1570 : memref<1x256x64xf32, #tpu.memory_space<hbm>> -> memref<256x64xf32, #tpu.memory_space<hbm>>
    %dma_wait3A_1572 = arith.constant 0 : i32
    %dma_wait3A_1573 = arith.constant 0 : i32
    %dma_wait3A_1574 = tpu.memref_slice %arg8[%dma_wait3A_1563, %dma_wait3A_1572, %dma_wait3A_1573] : memref<8x1024x64xf32, #tpu.memory_space<vmem>> -> memref<1x256x64xf32, #tpu.memory_space<vmem>>
    %dma_wait3A_1575 = tpu.memref_squeeze %dma_wait3A_1574 : memref<1x256x64xf32, #tpu.memory_space<vmem>> -> memref<256x64xf32, #tpu.memory_space<vmem>>
    tpu.wait_dma2 semaphore(%dma_wait3A_1567 : memref<!tpu.dma_semaphore, #tpu.memory_space<semaphore_mem>>) src(%dma_wait3A_1575 : memref<256x64xf32, #tpu.memory_space<vmem>>) dst(%dma_wait3A_1571 : memref<256x64xf32, #tpu.memory_space<hbm>>)
    %dma_wait3A_1576 = arith.constant 2 : i32
    %dma_wait3A_1577 = arith.constant 2 : i32
    %dma_wait3A_1578 = arith.constant 9 : i32
    %dma_wait3A_1579 = tpu.memref_slice %arg10[%dma_wait3A_1578] : memref<32x!tpu.dma_semaphore, #tpu.memory_space<semaphore_mem>> -> memref<1x!tpu.dma_semaphore, #tpu.memory_space<semaphore_mem>>
    %dma_wait3A_1580 = tpu.memref_squeeze %dma_wait3A_1579 : memref<1x!tpu.dma_semaphore, #tpu.memory_space<semaphore_mem>> -> memref<!tpu.dma_semaphore, #tpu.memory_space<semaphore_mem>>
    %dma_wait3A_1581 = arith.constant 256 : i32
    %dma_wait3A_1582 = arith.constant 0 : i32
    %dma_wait3A_1583 = tpu.memref_slice %arg7[%dma_wait3A_1577, %dma_wait3A_1581, %dma_wait3A_1582] : memref<8x1024x64xf32, #tpu.memory_space<hbm>> -> memref<1x256x64xf32, #tpu.memory_space<hbm>>
    %dma_wait3A_1584 = tpu.memref_squeeze %dma_wait3A_1583 : memref<1x256x64xf32, #tpu.memory_space<hbm>> -> memref<256x64xf32, #tpu.memory_space<hbm>>
    %dma_wait3A_1585 = arith.constant 256 : i32
    %dma_wait3A_1586 = arith.constant 0 : i32
    %dma_wait3A_1587 = tpu.memref_slice %arg8[%dma_wait3A_1576, %dma_wait3A_1585, %dma_wait3A_1586] : memref<8x1024x64xf32, #tpu.memory_space<vmem>> -> memref<1x256x64xf32, #tpu.memory_space<vmem>>
    %dma_wait3A_1588 = tpu.memref_squeeze %dma_wait3A_1587 : memref<1x256x64xf32, #tpu.memory_space<vmem>> -> memref<256x64xf32, #tpu.memory_space<vmem>>
    tpu.wait_dma2 semaphore(%dma_wait3A_1580 : memref<!tpu.dma_semaphore, #tpu.memory_space<semaphore_mem>>) src(%dma_wait3A_1588 : memref<256x64xf32, #tpu.memory_space<vmem>>) dst(%dma_wait3A_1584 : memref<256x64xf32, #tpu.memory_space<hbm>>)
    %dma_wait3A_1589 = arith.constant 2 : i32
    %dma_wait3A_1590 = arith.constant 2 : i32
    %dma_wait3A_1591 = arith.constant 10 : i32
    %dma_wait3A_1592 = tpu.memref_slice %arg10[%dma_wait3A_1591] : memref<32x!tpu.dma_semaphore, #tpu.memory_space<semaphore_mem>> -> memref<1x!tpu.dma_semaphore, #tpu.memory_space<semaphore_mem>>
    %dma_wait3A_1593 = tpu.memref_squeeze %dma_wait3A_1592 : memref<1x!tpu.dma_semaphore, #tpu.memory_space<semaphore_mem>> -> memref<!tpu.dma_semaphore, #tpu.memory_space<semaphore_mem>>
    %dma_wait3A_1594 = arith.constant 512 : i32
    %dma_wait3A_1595 = arith.constant 0 : i32
    %dma_wait3A_1596 = tpu.memref_slice %arg7[%dma_wait3A_1590, %dma_wait3A_1594, %dma_wait3A_1595] : memref<8x1024x64xf32, #tpu.memory_space<hbm>> -> memref<1x256x64xf32, #tpu.memory_space<hbm>>
    %dma_wait3A_1597 = tpu.memref_squeeze %dma_wait3A_1596 : memref<1x256x64xf32, #tpu.memory_space<hbm>> -> memref<256x64xf32, #tpu.memory_space<hbm>>
    %dma_wait3A_1598 = arith.constant 512 : i32
    %dma_wait3A_1599 = arith.constant 0 : i32
    %dma_wait3A_1600 = tpu.memref_slice %arg8[%dma_wait3A_1589, %dma_wait3A_1598, %dma_wait3A_1599] : memref<8x1024x64xf32, #tpu.memory_space<vmem>> -> memref<1x256x64xf32, #tpu.memory_space<vmem>>
    %dma_wait3A_1601 = tpu.memref_squeeze %dma_wait3A_1600 : memref<1x256x64xf32, #tpu.memory_space<vmem>> -> memref<256x64xf32, #tpu.memory_space<vmem>>
    tpu.wait_dma2 semaphore(%dma_wait3A_1593 : memref<!tpu.dma_semaphore, #tpu.memory_space<semaphore_mem>>) src(%dma_wait3A_1601 : memref<256x64xf32, #tpu.memory_space<vmem>>) dst(%dma_wait3A_1597 : memref<256x64xf32, #tpu.memory_space<hbm>>)
    %dma_wait3A_1602 = arith.constant 2 : i32
    %dma_wait3A_1603 = arith.constant 2 : i32
    %dma_wait3A_1604 = arith.constant 11 : i32
    %dma_wait3A_1605 = tpu.memref_slice %arg10[%dma_wait3A_1604] : memref<32x!tpu.dma_semaphore, #tpu.memory_space<semaphore_mem>> -> memref<1x!tpu.dma_semaphore, #tpu.memory_space<semaphore_mem>>
    %dma_wait3A_1606 = tpu.memref_squeeze %dma_wait3A_1605 : memref<1x!tpu.dma_semaphore, #tpu.memory_space<semaphore_mem>> -> memref<!tpu.dma_semaphore, #tpu.memory_space<semaphore_mem>>
    %dma_wait3A_1607 = arith.constant 768 : i32
    %dma_wait3A_1608 = arith.constant 0 : i32
    %dma_wait3A_1609 = tpu.memref_slice %arg7[%dma_wait3A_1603, %dma_wait3A_1607, %dma_wait3A_1608] : memref<8x1024x64xf32, #tpu.memory_space<hbm>> -> memref<1x256x64xf32, #tpu.memory_space<hbm>>
    %dma_wait3A_1610 = tpu.memref_squeeze %dma_wait3A_1609 : memref<1x256x64xf32, #tpu.memory_space<hbm>> -> memref<256x64xf32, #tpu.memory_space<hbm>>
    %dma_wait3A_1611 = arith.constant 768 : i32
    %dma_wait3A_1612 = arith.constant 0 : i32
    %dma_wait3A_1613 = tpu.memref_slice %arg8[%dma_wait3A_1602, %dma_wait3A_1611, %dma_wait3A_1612] : memref<8x1024x64xf32, #tpu.memory_space<vmem>> -> memref<1x256x64xf32, #tpu.memory_space<vmem>>
    %dma_wait3A_1614 = tpu.memref_squeeze %dma_wait3A_1613 : memref<1x256x64xf32, #tpu.memory_space<vmem>> -> memref<256x64xf32, #tpu.memory_space<vmem>>
    tpu.wait_dma2 semaphore(%dma_wait3A_1606 : memref<!tpu.dma_semaphore, #tpu.memory_space<semaphore_mem>>) src(%dma_wait3A_1614 : memref<256x64xf32, #tpu.memory_space<vmem>>) dst(%dma_wait3A_1610 : memref<256x64xf32, #tpu.memory_space<hbm>>)
    %dma_wait3A_1615 = arith.constant 3 : i32
    %dma_wait3A_1616 = arith.constant 3 : i32
    %dma_wait3A_1617 = arith.constant 12 : i32
    %dma_wait3A_1618 = tpu.memref_slice %arg10[%dma_wait3A_1617] : memref<32x!tpu.dma_semaphore, #tpu.memory_space<semaphore_mem>> -> memref<1x!tpu.dma_semaphore, #tpu.memory_space<semaphore_mem>>
    %dma_wait3A_1619 = tpu.memref_squeeze %dma_wait3A_1618 : memref<1x!tpu.dma_semaphore, #tpu.memory_space<semaphore_mem>> -> memref<!tpu.dma_semaphore, #tpu.memory_space<semaphore_mem>>
    %dma_wait3A_1620 = arith.constant 0 : i32
    %dma_wait3A_1621 = arith.constant 0 : i32
    %dma_wait3A_1622 = tpu.memref_slice %arg7[%dma_wait3A_1616, %dma_wait3A_1620, %dma_wait3A_1621] : memref<8x1024x64xf32, #tpu.memory_space<hbm>> -> memref<1x256x64xf32, #tpu.memory_space<hbm>>
    %dma_wait3A_1623 = tpu.memref_squeeze %dma_wait3A_1622 : memref<1x256x64xf32, #tpu.memory_space<hbm>> -> memref<256x64xf32, #tpu.memory_space<hbm>>
    %dma_wait3A_1624 = arith.constant 0 : i32
    %dma_wait3A_1625 = arith.constant 0 : i32
    %dma_wait3A_1626 = tpu.memref_slice %arg8[%dma_wait3A_1615, %dma_wait3A_1624, %dma_wait3A_1625] : memref<8x1024x64xf32, #tpu.memory_space<vmem>> -> memref<1x256x64xf32, #tpu.memory_space<vmem>>
    %dma_wait3A_1627 = tpu.memref_squeeze %dma_wait3A_1626 : memref<1x256x64xf32, #tpu.memory_space<vmem>> -> memref<256x64xf32, #tpu.memory_space<vmem>>
    tpu.wait_dma2 semaphore(%dma_wait3A_1619 : memref<!tpu.dma_semaphore, #tpu.memory_space<semaphore_mem>>) src(%dma_wait3A_1627 : memref<256x64xf32, #tpu.memory_space<vmem>>) dst(%dma_wait3A_1623 : memref<256x64xf32, #tpu.memory_space<hbm>>)
    %dma_wait3A_1628 = arith.constant 3 : i32
    %dma_wait3A_1629 = arith.constant 3 : i32
    %dma_wait3A_1630 = arith.constant 13 : i32
    %dma_wait3A_1631 = tpu.memref_slice %arg10[%dma_wait3A_1630] : memref<32x!tpu.dma_semaphore, #tpu.memory_space<semaphore_mem>> -> memref<1x!tpu.dma_semaphore, #tpu.memory_space<semaphore_mem>>
    %dma_wait3A_1632 = tpu.memref_squeeze %dma_wait3A_1631 : memref<1x!tpu.dma_semaphore, #tpu.memory_space<semaphore_mem>> -> memref<!tpu.dma_semaphore, #tpu.memory_space<semaphore_mem>>
    %dma_wait3A_1633 = arith.constant 256 : i32
    %dma_wait3A_1634 = arith.constant 0 : i32
    %dma_wait3A_1635 = tpu.memref_slice %arg7[%dma_wait3A_1629, %dma_wait3A_1633, %dma_wait3A_1634] : memref<8x1024x64xf32, #tpu.memory_space<hbm>> -> memref<1x256x64xf32, #tpu.memory_space<hbm>>
    %dma_wait3A_1636 = tpu.memref_squeeze %dma_wait3A_1635 : memref<1x256x64xf32, #tpu.memory_space<hbm>> -> memref<256x64xf32, #tpu.memory_space<hbm>>
    %dma_wait3A_1637 = arith.constant 256 : i32
    %dma_wait3A_1638 = arith.constant 0 : i32
    %dma_wait3A_1639 = tpu.memref_slice %arg8[%dma_wait3A_1628, %dma_wait3A_1637, %dma_wait3A_1638] : memref<8x1024x64xf32, #tpu.memory_space<vmem>> -> memref<1x256x64xf32, #tpu.memory_space<vmem>>
    %dma_wait3A_1640 = tpu.memref_squeeze %dma_wait3A_1639 : memref<1x256x64xf32, #tpu.memory_space<vmem>> -> memref<256x64xf32, #tpu.memory_space<vmem>>
    tpu.wait_dma2 semaphore(%dma_wait3A_1632 : memref<!tpu.dma_semaphore, #tpu.memory_space<semaphore_mem>>) src(%dma_wait3A_1640 : memref<256x64xf32, #tpu.memory_space<vmem>>) dst(%dma_wait3A_1636 : memref<256x64xf32, #tpu.memory_space<hbm>>)
    %dma_wait3A_1641 = arith.constant 3 : i32
    %dma_wait3A_1642 = arith.constant 3 : i32
    %dma_wait3A_1643 = arith.constant 14 : i32
    %dma_wait3A_1644 = tpu.memref_slice %arg10[%dma_wait3A_1643] : memref<32x!tpu.dma_semaphore, #tpu.memory_space<semaphore_mem>> -> memref<1x!tpu.dma_semaphore, #tpu.memory_space<semaphore_mem>>
    %dma_wait3A_1645 = tpu.memref_squeeze %dma_wait3A_1644 : memref<1x!tpu.dma_semaphore, #tpu.memory_space<semaphore_mem>> -> memref<!tpu.dma_semaphore, #tpu.memory_space<semaphore_mem>>
    %dma_wait3A_1646 = arith.constant 512 : i32
    %dma_wait3A_1647 = arith.constant 0 : i32
    %dma_wait3A_1648 = tpu.memref_slice %arg7[%dma_wait3A_1642, %dma_wait3A_1646, %dma_wait3A_1647] : memref<8x1024x64xf32, #tpu.memory_space<hbm>> -> memref<1x256x64xf32, #tpu.memory_space<hbm>>
    %dma_wait3A_1649 = tpu.memref_squeeze %dma_wait3A_1648 : memref<1x256x64xf32, #tpu.memory_space<hbm>> -> memref<256x64xf32, #tpu.memory_space<hbm>>
    %dma_wait3A_1650 = arith.constant 512 : i32
    %dma_wait3A_1651 = arith.constant 0 : i32
    %dma_wait3A_1652 = tpu.memref_slice %arg8[%dma_wait3A_1641, %dma_wait3A_1650, %dma_wait3A_1651] : memref<8x1024x64xf32, #tpu.memory_space<vmem>> -> memref<1x256x64xf32, #tpu.memory_space<vmem>>
    %dma_wait3A_1653 = tpu.memref_squeeze %dma_wait3A_1652 : memref<1x256x64xf32, #tpu.memory_space<vmem>> -> memref<256x64xf32, #tpu.memory_space<vmem>>
    tpu.wait_dma2 semaphore(%dma_wait3A_1645 : memref<!tpu.dma_semaphore, #tpu.memory_space<semaphore_mem>>) src(%dma_wait3A_1653 : memref<256x64xf32, #tpu.memory_space<vmem>>) dst(%dma_wait3A_1649 : memref<256x64xf32, #tpu.memory_space<hbm>>)
    %dma_wait3A_1654 = arith.constant 3 : i32
    %dma_wait3A_1655 = arith.constant 3 : i32
    %dma_wait3A_1656 = arith.constant 15 : i32
    %dma_wait3A_1657 = tpu.memref_slice %arg10[%dma_wait3A_1656] : memref<32x!tpu.dma_semaphore, #tpu.memory_space<semaphore_mem>> -> memref<1x!tpu.dma_semaphore, #tpu.memory_space<semaphore_mem>>
    %dma_wait3A_1658 = tpu.memref_squeeze %dma_wait3A_1657 : memref<1x!tpu.dma_semaphore, #tpu.memory_space<semaphore_mem>> -> memref<!tpu.dma_semaphore, #tpu.memory_space<semaphore_mem>>
    %dma_wait3A_1659 = arith.constant 768 : i32
    %dma_wait3A_1660 = arith.constant 0 : i32
    %dma_wait3A_1661 = tpu.memref_slice %arg7[%dma_wait3A_1655, %dma_wait3A_1659, %dma_wait3A_1660] : memref<8x1024x64xf32, #tpu.memory_space<hbm>> -> memref<1x256x64xf32, #tpu.memory_space<hbm>>
    %dma_wait3A_1662 = tpu.memref_squeeze %dma_wait3A_1661 : memref<1x256x64xf32, #tpu.memory_space<hbm>> -> memref<256x64xf32, #tpu.memory_space<hbm>>
    %dma_wait3A_1663 = arith.constant 768 : i32
    %dma_wait3A_1664 = arith.constant 0 : i32
    %dma_wait3A_1665 = tpu.memref_slice %arg8[%dma_wait3A_1654, %dma_wait3A_1663, %dma_wait3A_1664] : memref<8x1024x64xf32, #tpu.memory_space<vmem>> -> memref<1x256x64xf32, #tpu.memory_space<vmem>>
    %dma_wait3A_1666 = tpu.memref_squeeze %dma_wait3A_1665 : memref<1x256x64xf32, #tpu.memory_space<vmem>> -> memref<256x64xf32, #tpu.memory_space<vmem>>
    tpu.wait_dma2 semaphore(%dma_wait3A_1658 : memref<!tpu.dma_semaphore, #tpu.memory_space<semaphore_mem>>) src(%dma_wait3A_1666 : memref<256x64xf32, #tpu.memory_space<vmem>>) dst(%dma_wait3A_1662 : memref<256x64xf32, #tpu.memory_space<hbm>>)
    %dma_wait3A_1667 = arith.constant 4 : i32
    %dma_wait3A_1668 = arith.constant 4 : i32
    %dma_wait3A_1669 = arith.constant 16 : i32
    %dma_wait3A_1670 = tpu.memref_slice %arg10[%dma_wait3A_1669] : memref<32x!tpu.dma_semaphore, #tpu.memory_space<semaphore_mem>> -> memref<1x!tpu.dma_semaphore, #tpu.memory_space<semaphore_mem>>
    %dma_wait3A_1671 = tpu.memref_squeeze %dma_wait3A_1670 : memref<1x!tpu.dma_semaphore, #tpu.memory_space<semaphore_mem>> -> memref<!tpu.dma_semaphore, #tpu.memory_space<semaphore_mem>>
    %dma_wait3A_1672 = arith.constant 0 : i32
    %dma_wait3A_1673 = arith.constant 0 : i32
    %dma_wait3A_1674 = tpu.memref_slice %arg7[%dma_wait3A_1668, %dma_wait3A_1672, %dma_wait3A_1673] : memref<8x1024x64xf32, #tpu.memory_space<hbm>> -> memref<1x256x64xf32, #tpu.memory_space<hbm>>
    %dma_wait3A_1675 = tpu.memref_squeeze %dma_wait3A_1674 : memref<1x256x64xf32, #tpu.memory_space<hbm>> -> memref<256x64xf32, #tpu.memory_space<hbm>>
    %dma_wait3A_1676 = arith.constant 0 : i32
    %dma_wait3A_1677 = arith.constant 0 : i32
    %dma_wait3A_1678 = tpu.memref_slice %arg8[%dma_wait3A_1667, %dma_wait3A_1676, %dma_wait3A_1677] : memref<8x1024x64xf32, #tpu.memory_space<vmem>> -> memref<1x256x64xf32, #tpu.memory_space<vmem>>
    %dma_wait3A_1679 = tpu.memref_squeeze %dma_wait3A_1678 : memref<1x256x64xf32, #tpu.memory_space<vmem>> -> memref<256x64xf32, #tpu.memory_space<vmem>>
    tpu.wait_dma2 semaphore(%dma_wait3A_1671 : memref<!tpu.dma_semaphore, #tpu.memory_space<semaphore_mem>>) src(%dma_wait3A_1679 : memref<256x64xf32, #tpu.memory_space<vmem>>) dst(%dma_wait3A_1675 : memref<256x64xf32, #tpu.memory_space<hbm>>)
    %dma_wait3A_1680 = arith.constant 4 : i32
    %dma_wait3A_1681 = arith.constant 4 : i32
    %dma_wait3A_1682 = arith.constant 17 : i32
    %dma_wait3A_1683 = tpu.memref_slice %arg10[%dma_wait3A_1682] : memref<32x!tpu.dma_semaphore, #tpu.memory_space<semaphore_mem>> -> memref<1x!tpu.dma_semaphore, #tpu.memory_space<semaphore_mem>>
    %dma_wait3A_1684 = tpu.memref_squeeze %dma_wait3A_1683 : memref<1x!tpu.dma_semaphore, #tpu.memory_space<semaphore_mem>> -> memref<!tpu.dma_semaphore, #tpu.memory_space<semaphore_mem>>
    %dma_wait3A_1685 = arith.constant 256 : i32
    %dma_wait3A_1686 = arith.constant 0 : i32
    %dma_wait3A_1687 = tpu.memref_slice %arg7[%dma_wait3A_1681, %dma_wait3A_1685, %dma_wait3A_1686] : memref<8x1024x64xf32, #tpu.memory_space<hbm>> -> memref<1x256x64xf32, #tpu.memory_space<hbm>>
    %dma_wait3A_1688 = tpu.memref_squeeze %dma_wait3A_1687 : memref<1x256x64xf32, #tpu.memory_space<hbm>> -> memref<256x64xf32, #tpu.memory_space<hbm>>
    %dma_wait3A_1689 = arith.constant 256 : i32
    %dma_wait3A_1690 = arith.constant 0 : i32
    %dma_wait3A_1691 = tpu.memref_slice %arg8[%dma_wait3A_1680, %dma_wait3A_1689, %dma_wait3A_1690] : memref<8x1024x64xf32, #tpu.memory_space<vmem>> -> memref<1x256x64xf32, #tpu.memory_space<vmem>>
    %dma_wait3A_1692 = tpu.memref_squeeze %dma_wait3A_1691 : memref<1x256x64xf32, #tpu.memory_space<vmem>> -> memref<256x64xf32, #tpu.memory_space<vmem>>
    tpu.wait_dma2 semaphore(%dma_wait3A_1684 : memref<!tpu.dma_semaphore, #tpu.memory_space<semaphore_mem>>) src(%dma_wait3A_1692 : memref<256x64xf32, #tpu.memory_space<vmem>>) dst(%dma_wait3A_1688 : memref<256x64xf32, #tpu.memory_space<hbm>>)
    %dma_wait3A_1693 = arith.constant 4 : i32
    %dma_wait3A_1694 = arith.constant 4 : i32
    %dma_wait3A_1695 = arith.constant 18 : i32
    %dma_wait3A_1696 = tpu.memref_slice %arg10[%dma_wait3A_1695] : memref<32x!tpu.dma_semaphore, #tpu.memory_space<semaphore_mem>> -> memref<1x!tpu.dma_semaphore, #tpu.memory_space<semaphore_mem>>
    %dma_wait3A_1697 = tpu.memref_squeeze %dma_wait3A_1696 : memref<1x!tpu.dma_semaphore, #tpu.memory_space<semaphore_mem>> -> memref<!tpu.dma_semaphore, #tpu.memory_space<semaphore_mem>>
    %dma_wait3A_1698 = arith.constant 512 : i32
    %dma_wait3A_1699 = arith.constant 0 : i32
    %dma_wait3A_1700 = tpu.memref_slice %arg7[%dma_wait3A_1694, %dma_wait3A_1698, %dma_wait3A_1699] : memref<8x1024x64xf32, #tpu.memory_space<hbm>> -> memref<1x256x64xf32, #tpu.memory_space<hbm>>
    %dma_wait3A_1701 = tpu.memref_squeeze %dma_wait3A_1700 : memref<1x256x64xf32, #tpu.memory_space<hbm>> -> memref<256x64xf32, #tpu.memory_space<hbm>>
    %dma_wait3A_1702 = arith.constant 512 : i32
    %dma_wait3A_1703 = arith.constant 0 : i32
    %dma_wait3A_1704 = tpu.memref_slice %arg8[%dma_wait3A_1693, %dma_wait3A_1702, %dma_wait3A_1703] : memref<8x1024x64xf32, #tpu.memory_space<vmem>> -> memref<1x256x64xf32, #tpu.memory_space<vmem>>
    %dma_wait3A_1705 = tpu.memref_squeeze %dma_wait3A_1704 : memref<1x256x64xf32, #tpu.memory_space<vmem>> -> memref<256x64xf32, #tpu.memory_space<vmem>>
    tpu.wait_dma2 semaphore(%dma_wait3A_1697 : memref<!tpu.dma_semaphore, #tpu.memory_space<semaphore_mem>>) src(%dma_wait3A_1705 : memref<256x64xf32, #tpu.memory_space<vmem>>) dst(%dma_wait3A_1701 : memref<256x64xf32, #tpu.memory_space<hbm>>)
    %dma_wait3A_1706 = arith.constant 4 : i32
    %dma_wait3A_1707 = arith.constant 4 : i32
    %dma_wait3A_1708 = arith.constant 19 : i32
    %dma_wait3A_1709 = tpu.memref_slice %arg10[%dma_wait3A_1708] : memref<32x!tpu.dma_semaphore, #tpu.memory_space<semaphore_mem>> -> memref<1x!tpu.dma_semaphore, #tpu.memory_space<semaphore_mem>>
    %dma_wait3A_1710 = tpu.memref_squeeze %dma_wait3A_1709 : memref<1x!tpu.dma_semaphore, #tpu.memory_space<semaphore_mem>> -> memref<!tpu.dma_semaphore, #tpu.memory_space<semaphore_mem>>
    %dma_wait3A_1711 = arith.constant 768 : i32
    %dma_wait3A_1712 = arith.constant 0 : i32
    %dma_wait3A_1713 = tpu.memref_slice %arg7[%dma_wait3A_1707, %dma_wait3A_1711, %dma_wait3A_1712] : memref<8x1024x64xf32, #tpu.memory_space<hbm>> -> memref<1x256x64xf32, #tpu.memory_space<hbm>>
    %dma_wait3A_1714 = tpu.memref_squeeze %dma_wait3A_1713 : memref<1x256x64xf32, #tpu.memory_space<hbm>> -> memref<256x64xf32, #tpu.memory_space<hbm>>
    %dma_wait3A_1715 = arith.constant 768 : i32
    %dma_wait3A_1716 = arith.constant 0 : i32
    %dma_wait3A_1717 = tpu.memref_slice %arg8[%dma_wait3A_1706, %dma_wait3A_1715, %dma_wait3A_1716] : memref<8x1024x64xf32, #tpu.memory_space<vmem>> -> memref<1x256x64xf32, #tpu.memory_space<vmem>>
    %dma_wait3A_1718 = tpu.memref_squeeze %dma_wait3A_1717 : memref<1x256x64xf32, #tpu.memory_space<vmem>> -> memref<256x64xf32, #tpu.memory_space<vmem>>
    tpu.wait_dma2 semaphore(%dma_wait3A_1710 : memref<!tpu.dma_semaphore, #tpu.memory_space<semaphore_mem>>) src(%dma_wait3A_1718 : memref<256x64xf32, #tpu.memory_space<vmem>>) dst(%dma_wait3A_1714 : memref<256x64xf32, #tpu.memory_space<hbm>>)
    %dma_wait3A_1719 = arith.constant 5 : i32
    %dma_wait3A_1720 = arith.constant 5 : i32
    %dma_wait3A_1721 = arith.constant 20 : i32
    %dma_wait3A_1722 = tpu.memref_slice %arg10[%dma_wait3A_1721] : memref<32x!tpu.dma_semaphore, #tpu.memory_space<semaphore_mem>> -> memref<1x!tpu.dma_semaphore, #tpu.memory_space<semaphore_mem>>
    %dma_wait3A_1723 = tpu.memref_squeeze %dma_wait3A_1722 : memref<1x!tpu.dma_semaphore, #tpu.memory_space<semaphore_mem>> -> memref<!tpu.dma_semaphore, #tpu.memory_space<semaphore_mem>>
    %dma_wait3A_1724 = arith.constant 0 : i32
    %dma_wait3A_1725 = arith.constant 0 : i32
    %dma_wait3A_1726 = tpu.memref_slice %arg7[%dma_wait3A_1720, %dma_wait3A_1724, %dma_wait3A_1725] : memref<8x1024x64xf32, #tpu.memory_space<hbm>> -> memref<1x256x64xf32, #tpu.memory_space<hbm>>
    %dma_wait3A_1727 = tpu.memref_squeeze %dma_wait3A_1726 : memref<1x256x64xf32, #tpu.memory_space<hbm>> -> memref<256x64xf32, #tpu.memory_space<hbm>>
    %dma_wait3A_1728 = arith.constant 0 : i32
    %dma_wait3A_1729 = arith.constant 0 : i32
    %dma_wait3A_1730 = tpu.memref_slice %arg8[%dma_wait3A_1719, %dma_wait3A_1728, %dma_wait3A_1729] : memref<8x1024x64xf32, #tpu.memory_space<vmem>> -> memref<1x256x64xf32, #tpu.memory_space<vmem>>
    %dma_wait3A_1731 = tpu.memref_squeeze %dma_wait3A_1730 : memref<1x256x64xf32, #tpu.memory_space<vmem>> -> memref<256x64xf32, #tpu.memory_space<vmem>>
    tpu.wait_dma2 semaphore(%dma_wait3A_1723 : memref<!tpu.dma_semaphore, #tpu.memory_space<semaphore_mem>>) src(%dma_wait3A_1731 : memref<256x64xf32, #tpu.memory_space<vmem>>) dst(%dma_wait3A_1727 : memref<256x64xf32, #tpu.memory_space<hbm>>)
    %dma_wait3A_1732 = arith.constant 5 : i32
    %dma_wait3A_1733 = arith.constant 5 : i32
    %dma_wait3A_1734 = arith.constant 21 : i32
    %dma_wait3A_1735 = tpu.memref_slice %arg10[%dma_wait3A_1734] : memref<32x!tpu.dma_semaphore, #tpu.memory_space<semaphore_mem>> -> memref<1x!tpu.dma_semaphore, #tpu.memory_space<semaphore_mem>>
    %dma_wait3A_1736 = tpu.memref_squeeze %dma_wait3A_1735 : memref<1x!tpu.dma_semaphore, #tpu.memory_space<semaphore_mem>> -> memref<!tpu.dma_semaphore, #tpu.memory_space<semaphore_mem>>
    %dma_wait3A_1737 = arith.constant 256 : i32
    %dma_wait3A_1738 = arith.constant 0 : i32
    %dma_wait3A_1739 = tpu.memref_slice %arg7[%dma_wait3A_1733, %dma_wait3A_1737, %dma_wait3A_1738] : memref<8x1024x64xf32, #tpu.memory_space<hbm>> -> memref<1x256x64xf32, #tpu.memory_space<hbm>>
    %dma_wait3A_1740 = tpu.memref_squeeze %dma_wait3A_1739 : memref<1x256x64xf32, #tpu.memory_space<hbm>> -> memref<256x64xf32, #tpu.memory_space<hbm>>
    %dma_wait3A_1741 = arith.constant 256 : i32
    %dma_wait3A_1742 = arith.constant 0 : i32
    %dma_wait3A_1743 = tpu.memref_slice %arg8[%dma_wait3A_1732, %dma_wait3A_1741, %dma_wait3A_1742] : memref<8x1024x64xf32, #tpu.memory_space<vmem>> -> memref<1x256x64xf32, #tpu.memory_space<vmem>>
    %dma_wait3A_1744 = tpu.memref_squeeze %dma_wait3A_1743 : memref<1x256x64xf32, #tpu.memory_space<vmem>> -> memref<256x64xf32, #tpu.memory_space<vmem>>
    tpu.wait_dma2 semaphore(%dma_wait3A_1736 : memref<!tpu.dma_semaphore, #tpu.memory_space<semaphore_mem>>) src(%dma_wait3A_1744 : memref<256x64xf32, #tpu.memory_space<vmem>>) dst(%dma_wait3A_1740 : memref<256x64xf32, #tpu.memory_space<hbm>>)
    %dma_wait3A_1745 = arith.constant 5 : i32
    %dma_wait3A_1746 = arith.constant 5 : i32
    %dma_wait3A_1747 = arith.constant 22 : i32
    %dma_wait3A_1748 = tpu.memref_slice %arg10[%dma_wait3A_1747] : memref<32x!tpu.dma_semaphore, #tpu.memory_space<semaphore_mem>> -> memref<1x!tpu.dma_semaphore, #tpu.memory_space<semaphore_mem>>
    %dma_wait3A_1749 = tpu.memref_squeeze %dma_wait3A_1748 : memref<1x!tpu.dma_semaphore, #tpu.memory_space<semaphore_mem>> -> memref<!tpu.dma_semaphore, #tpu.memory_space<semaphore_mem>>
    %dma_wait3A_1750 = arith.constant 512 : i32
    %dma_wait3A_1751 = arith.constant 0 : i32
    %dma_wait3A_1752 = tpu.memref_slice %arg7[%dma_wait3A_1746, %dma_wait3A_1750, %dma_wait3A_1751] : memref<8x1024x64xf32, #tpu.memory_space<hbm>> -> memref<1x256x64xf32, #tpu.memory_space<hbm>>
    %dma_wait3A_1753 = tpu.memref_squeeze %dma_wait3A_1752 : memref<1x256x64xf32, #tpu.memory_space<hbm>> -> memref<256x64xf32, #tpu.memory_space<hbm>>
    %dma_wait3A_1754 = arith.constant 512 : i32
    %dma_wait3A_1755 = arith.constant 0 : i32
    %dma_wait3A_1756 = tpu.memref_slice %arg8[%dma_wait3A_1745, %dma_wait3A_1754, %dma_wait3A_1755] : memref<8x1024x64xf32, #tpu.memory_space<vmem>> -> memref<1x256x64xf32, #tpu.memory_space<vmem>>
    %dma_wait3A_1757 = tpu.memref_squeeze %dma_wait3A_1756 : memref<1x256x64xf32, #tpu.memory_space<vmem>> -> memref<256x64xf32, #tpu.memory_space<vmem>>
    tpu.wait_dma2 semaphore(%dma_wait3A_1749 : memref<!tpu.dma_semaphore, #tpu.memory_space<semaphore_mem>>) src(%dma_wait3A_1757 : memref<256x64xf32, #tpu.memory_space<vmem>>) dst(%dma_wait3A_1753 : memref<256x64xf32, #tpu.memory_space<hbm>>)
    %dma_wait3A_1758 = arith.constant 5 : i32
    %dma_wait3A_1759 = arith.constant 5 : i32
    %dma_wait3A_1760 = arith.constant 23 : i32
    %dma_wait3A_1761 = tpu.memref_slice %arg10[%dma_wait3A_1760] : memref<32x!tpu.dma_semaphore, #tpu.memory_space<semaphore_mem>> -> memref<1x!tpu.dma_semaphore, #tpu.memory_space<semaphore_mem>>
    %dma_wait3A_1762 = tpu.memref_squeeze %dma_wait3A_1761 : memref<1x!tpu.dma_semaphore, #tpu.memory_space<semaphore_mem>> -> memref<!tpu.dma_semaphore, #tpu.memory_space<semaphore_mem>>
    %dma_wait3A_1763 = arith.constant 768 : i32
    %dma_wait3A_1764 = arith.constant 0 : i32
    %dma_wait3A_1765 = tpu.memref_slice %arg7[%dma_wait3A_1759, %dma_wait3A_1763, %dma_wait3A_1764] : memref<8x1024x64xf32, #tpu.memory_space<hbm>> -> memref<1x256x64xf32, #tpu.memory_space<hbm>>
    %dma_wait3A_1766 = tpu.memref_squeeze %dma_wait3A_1765 : memref<1x256x64xf32, #tpu.memory_space<hbm>> -> memref<256x64xf32, #tpu.memory_space<hbm>>
    %dma_wait3A_1767 = arith.constant 768 : i32
    %dma_wait3A_1768 = arith.constant 0 : i32
    %dma_wait3A_1769 = tpu.memref_slice %arg8[%dma_wait3A_1758, %dma_wait3A_1767, %dma_wait3A_1768] : memref<8x1024x64xf32, #tpu.memory_space<vmem>> -> memref<1x256x64xf32, #tpu.memory_space<vmem>>
    %dma_wait3A_1770 = tpu.memref_squeeze %dma_wait3A_1769 : memref<1x256x64xf32, #tpu.memory_space<vmem>> -> memref<256x64xf32, #tpu.memory_space<vmem>>
    tpu.wait_dma2 semaphore(%dma_wait3A_1762 : memref<!tpu.dma_semaphore, #tpu.memory_space<semaphore_mem>>) src(%dma_wait3A_1770 : memref<256x64xf32, #tpu.memory_space<vmem>>) dst(%dma_wait3A_1766 : memref<256x64xf32, #tpu.memory_space<hbm>>)
    %dma_wait3A_1771 = arith.constant 6 : i32
    %dma_wait3A_1772 = arith.constant 6 : i32
    %dma_wait3A_1773 = arith.constant 24 : i32
    %dma_wait3A_1774 = tpu.memref_slice %arg10[%dma_wait3A_1773] : memref<32x!tpu.dma_semaphore, #tpu.memory_space<semaphore_mem>> -> memref<1x!tpu.dma_semaphore, #tpu.memory_space<semaphore_mem>>
    %dma_wait3A_1775 = tpu.memref_squeeze %dma_wait3A_1774 : memref<1x!tpu.dma_semaphore, #tpu.memory_space<semaphore_mem>> -> memref<!tpu.dma_semaphore, #tpu.memory_space<semaphore_mem>>
    %dma_wait3A_1776 = arith.constant 0 : i32
    %dma_wait3A_1777 = arith.constant 0 : i32
    %dma_wait3A_1778 = tpu.memref_slice %arg7[%dma_wait3A_1772, %dma_wait3A_1776, %dma_wait3A_1777] : memref<8x1024x64xf32, #tpu.memory_space<hbm>> -> memref<1x256x64xf32, #tpu.memory_space<hbm>>
    %dma_wait3A_1779 = tpu.memref_squeeze %dma_wait3A_1778 : memref<1x256x64xf32, #tpu.memory_space<hbm>> -> memref<256x64xf32, #tpu.memory_space<hbm>>
    %dma_wait3A_1780 = arith.constant 0 : i32
    %dma_wait3A_1781 = arith.constant 0 : i32
    %dma_wait3A_1782 = tpu.memref_slice %arg8[%dma_wait3A_1771, %dma_wait3A_1780, %dma_wait3A_1781] : memref<8x1024x64xf32, #tpu.memory_space<vmem>> -> memref<1x256x64xf32, #tpu.memory_space<vmem>>
    %dma_wait3A_1783 = tpu.memref_squeeze %dma_wait3A_1782 : memref<1x256x64xf32, #tpu.memory_space<vmem>> -> memref<256x64xf32, #tpu.memory_space<vmem>>
    tpu.wait_dma2 semaphore(%dma_wait3A_1775 : memref<!tpu.dma_semaphore, #tpu.memory_space<semaphore_mem>>) src(%dma_wait3A_1783 : memref<256x64xf32, #tpu.memory_space<vmem>>) dst(%dma_wait3A_1779 : memref<256x64xf32, #tpu.memory_space<hbm>>)
    %dma_wait3A_1784 = arith.constant 6 : i32
    %dma_wait3A_1785 = arith.constant 6 : i32
    %dma_wait3A_1786 = arith.constant 25 : i32
    %dma_wait3A_1787 = tpu.memref_slice %arg10[%dma_wait3A_1786] : memref<32x!tpu.dma_semaphore, #tpu.memory_space<semaphore_mem>> -> memref<1x!tpu.dma_semaphore, #tpu.memory_space<semaphore_mem>>
    %dma_wait3A_1788 = tpu.memref_squeeze %dma_wait3A_1787 : memref<1x!tpu.dma_semaphore, #tpu.memory_space<semaphore_mem>> -> memref<!tpu.dma_semaphore, #tpu.memory_space<semaphore_mem>>
    %dma_wait3A_1789 = arith.constant 256 : i32
    %dma_wait3A_1790 = arith.constant 0 : i32
    %dma_wait3A_1791 = tpu.memref_slice %arg7[%dma_wait3A_1785, %dma_wait3A_1789, %dma_wait3A_1790] : memref<8x1024x64xf32, #tpu.memory_space<hbm>> -> memref<1x256x64xf32, #tpu.memory_space<hbm>>
    %dma_wait3A_1792 = tpu.memref_squeeze %dma_wait3A_1791 : memref<1x256x64xf32, #tpu.memory_space<hbm>> -> memref<256x64xf32, #tpu.memory_space<hbm>>
    %dma_wait3A_1793 = arith.constant 256 : i32
    %dma_wait3A_1794 = arith.constant 0 : i32
    %dma_wait3A_1795 = tpu.memref_slice %arg8[%dma_wait3A_1784, %dma_wait3A_1793, %dma_wait3A_1794] : memref<8x1024x64xf32, #tpu.memory_space<vmem>> -> memref<1x256x64xf32, #tpu.memory_space<vmem>>
    %dma_wait3A_1796 = tpu.memref_squeeze %dma_wait3A_1795 : memref<1x256x64xf32, #tpu.memory_space<vmem>> -> memref<256x64xf32, #tpu.memory_space<vmem>>
    tpu.wait_dma2 semaphore(%dma_wait3A_1788 : memref<!tpu.dma_semaphore, #tpu.memory_space<semaphore_mem>>) src(%dma_wait3A_1796 : memref<256x64xf32, #tpu.memory_space<vmem>>) dst(%dma_wait3A_1792 : memref<256x64xf32, #tpu.memory_space<hbm>>)
    %dma_wait3A_1797 = arith.constant 6 : i32
    %dma_wait3A_1798 = arith.constant 6 : i32
    %dma_wait3A_1799 = arith.constant 26 : i32
    %dma_wait3A_1800 = tpu.memref_slice %arg10[%dma_wait3A_1799] : memref<32x!tpu.dma_semaphore, #tpu.memory_space<semaphore_mem>> -> memref<1x!tpu.dma_semaphore, #tpu.memory_space<semaphore_mem>>
    %dma_wait3A_1801 = tpu.memref_squeeze %dma_wait3A_1800 : memref<1x!tpu.dma_semaphore, #tpu.memory_space<semaphore_mem>> -> memref<!tpu.dma_semaphore, #tpu.memory_space<semaphore_mem>>
    %dma_wait3A_1802 = arith.constant 512 : i32
    %dma_wait3A_1803 = arith.constant 0 : i32
    %dma_wait3A_1804 = tpu.memref_slice %arg7[%dma_wait3A_1798, %dma_wait3A_1802, %dma_wait3A_1803] : memref<8x1024x64xf32, #tpu.memory_space<hbm>> -> memref<1x256x64xf32, #tpu.memory_space<hbm>>
    %dma_wait3A_1805 = tpu.memref_squeeze %dma_wait3A_1804 : memref<1x256x64xf32, #tpu.memory_space<hbm>> -> memref<256x64xf32, #tpu.memory_space<hbm>>
    %dma_wait3A_1806 = arith.constant 512 : i32
    %dma_wait3A_1807 = arith.constant 0 : i32
    %dma_wait3A_1808 = tpu.memref_slice %arg8[%dma_wait3A_1797, %dma_wait3A_1806, %dma_wait3A_1807] : memref<8x1024x64xf32, #tpu.memory_space<vmem>> -> memref<1x256x64xf32, #tpu.memory_space<vmem>>
    %dma_wait3A_1809 = tpu.memref_squeeze %dma_wait3A_1808 : memref<1x256x64xf32, #tpu.memory_space<vmem>> -> memref<256x64xf32, #tpu.memory_space<vmem>>
    tpu.wait_dma2 semaphore(%dma_wait3A_1801 : memref<!tpu.dma_semaphore, #tpu.memory_space<semaphore_mem>>) src(%dma_wait3A_1809 : memref<256x64xf32, #tpu.memory_space<vmem>>) dst(%dma_wait3A_1805 : memref<256x64xf32, #tpu.memory_space<hbm>>)
    %dma_wait3A_1810 = arith.constant 6 : i32
    %dma_wait3A_1811 = arith.constant 6 : i32
    %dma_wait3A_1812 = arith.constant 27 : i32
    %dma_wait3A_1813 = tpu.memref_slice %arg10[%dma_wait3A_1812] : memref<32x!tpu.dma_semaphore, #tpu.memory_space<semaphore_mem>> -> memref<1x!tpu.dma_semaphore, #tpu.memory_space<semaphore_mem>>
    %dma_wait3A_1814 = tpu.memref_squeeze %dma_wait3A_1813 : memref<1x!tpu.dma_semaphore, #tpu.memory_space<semaphore_mem>> -> memref<!tpu.dma_semaphore, #tpu.memory_space<semaphore_mem>>
    %dma_wait3A_1815 = arith.constant 768 : i32
    %dma_wait3A_1816 = arith.constant 0 : i32
    %dma_wait3A_1817 = tpu.memref_slice %arg7[%dma_wait3A_1811, %dma_wait3A_1815, %dma_wait3A_1816] : memref<8x1024x64xf32, #tpu.memory_space<hbm>> -> memref<1x256x64xf32, #tpu.memory_space<hbm>>
    %dma_wait3A_1818 = tpu.memref_squeeze %dma_wait3A_1817 : memref<1x256x64xf32, #tpu.memory_space<hbm>> -> memref<256x64xf32, #tpu.memory_space<hbm>>
    %dma_wait3A_1819 = arith.constant 768 : i32
    %dma_wait3A_1820 = arith.constant 0 : i32
    %dma_wait3A_1821 = tpu.memref_slice %arg8[%dma_wait3A_1810, %dma_wait3A_1819, %dma_wait3A_1820] : memref<8x1024x64xf32, #tpu.memory_space<vmem>> -> memref<1x256x64xf32, #tpu.memory_space<vmem>>
    %dma_wait3A_1822 = tpu.memref_squeeze %dma_wait3A_1821 : memref<1x256x64xf32, #tpu.memory_space<vmem>> -> memref<256x64xf32, #tpu.memory_space<vmem>>
    tpu.wait_dma2 semaphore(%dma_wait3A_1814 : memref<!tpu.dma_semaphore, #tpu.memory_space<semaphore_mem>>) src(%dma_wait3A_1822 : memref<256x64xf32, #tpu.memory_space<vmem>>) dst(%dma_wait3A_1818 : memref<256x64xf32, #tpu.memory_space<hbm>>)
    %dma_wait3A_1823 = arith.constant 7 : i32
    %dma_wait3A_1824 = arith.constant 7 : i32
    %dma_wait3A_1825 = arith.constant 28 : i32
    %dma_wait3A_1826 = tpu.memref_slice %arg10[%dma_wait3A_1825] : memref<32x!tpu.dma_semaphore, #tpu.memory_space<semaphore_mem>> -> memref<1x!tpu.dma_semaphore, #tpu.memory_space<semaphore_mem>>
    %dma_wait3A_1827 = tpu.memref_squeeze %dma_wait3A_1826 : memref<1x!tpu.dma_semaphore, #tpu.memory_space<semaphore_mem>> -> memref<!tpu.dma_semaphore, #tpu.memory_space<semaphore_mem>>
    %dma_wait3A_1828 = arith.constant 0 : i32
    %dma_wait3A_1829 = arith.constant 0 : i32
    %dma_wait3A_1830 = tpu.memref_slice %arg7[%dma_wait3A_1824, %dma_wait3A_1828, %dma_wait3A_1829] : memref<8x1024x64xf32, #tpu.memory_space<hbm>> -> memref<1x256x64xf32, #tpu.memory_space<hbm>>
    %dma_wait3A_1831 = tpu.memref_squeeze %dma_wait3A_1830 : memref<1x256x64xf32, #tpu.memory_space<hbm>> -> memref<256x64xf32, #tpu.memory_space<hbm>>
    %dma_wait3A_1832 = arith.constant 0 : i32
    %dma_wait3A_1833 = arith.constant 0 : i32
    %dma_wait3A_1834 = tpu.memref_slice %arg8[%dma_wait3A_1823, %dma_wait3A_1832, %dma_wait3A_1833] : memref<8x1024x64xf32, #tpu.memory_space<vmem>> -> memref<1x256x64xf32, #tpu.memory_space<vmem>>
    %dma_wait3A_1835 = tpu.memref_squeeze %dma_wait3A_1834 : memref<1x256x64xf32, #tpu.memory_space<vmem>> -> memref<256x64xf32, #tpu.memory_space<vmem>>
    tpu.wait_dma2 semaphore(%dma_wait3A_1827 : memref<!tpu.dma_semaphore, #tpu.memory_space<semaphore_mem>>) src(%dma_wait3A_1835 : memref<256x64xf32, #tpu.memory_space<vmem>>) dst(%dma_wait3A_1831 : memref<256x64xf32, #tpu.memory_space<hbm>>)
    %dma_wait3A_1836 = arith.constant 7 : i32
    %dma_wait3A_1837 = arith.constant 7 : i32
    %dma_wait3A_1838 = arith.constant 29 : i32
    %dma_wait3A_1839 = tpu.memref_slice %arg10[%dma_wait3A_1838] : memref<32x!tpu.dma_semaphore, #tpu.memory_space<semaphore_mem>> -> memref<1x!tpu.dma_semaphore, #tpu.memory_space<semaphore_mem>>
    %dma_wait3A_1840 = tpu.memref_squeeze %dma_wait3A_1839 : memref<1x!tpu.dma_semaphore, #tpu.memory_space<semaphore_mem>> -> memref<!tpu.dma_semaphore, #tpu.memory_space<semaphore_mem>>
    %dma_wait3A_1841 = arith.constant 256 : i32
    %dma_wait3A_1842 = arith.constant 0 : i32
    %dma_wait3A_1843 = tpu.memref_slice %arg7[%dma_wait3A_1837, %dma_wait3A_1841, %dma_wait3A_1842] : memref<8x1024x64xf32, #tpu.memory_space<hbm>> -> memref<1x256x64xf32, #tpu.memory_space<hbm>>
    %dma_wait3A_1844 = tpu.memref_squeeze %dma_wait3A_1843 : memref<1x256x64xf32, #tpu.memory_space<hbm>> -> memref<256x64xf32, #tpu.memory_space<hbm>>
    %dma_wait3A_1845 = arith.constant 256 : i32
    %dma_wait3A_1846 = arith.constant 0 : i32
    %dma_wait3A_1847 = tpu.memref_slice %arg8[%dma_wait3A_1836, %dma_wait3A_1845, %dma_wait3A_1846] : memref<8x1024x64xf32, #tpu.memory_space<vmem>> -> memref<1x256x64xf32, #tpu.memory_space<vmem>>
    %dma_wait3A_1848 = tpu.memref_squeeze %dma_wait3A_1847 : memref<1x256x64xf32, #tpu.memory_space<vmem>> -> memref<256x64xf32, #tpu.memory_space<vmem>>
    tpu.wait_dma2 semaphore(%dma_wait3A_1840 : memref<!tpu.dma_semaphore, #tpu.memory_space<semaphore_mem>>) src(%dma_wait3A_1848 : memref<256x64xf32, #tpu.memory_space<vmem>>) dst(%dma_wait3A_1844 : memref<256x64xf32, #tpu.memory_space<hbm>>)
    %dma_wait3A_1849 = arith.constant 7 : i32
    %dma_wait3A_1850 = arith.constant 7 : i32
    %dma_wait3A_1851 = arith.constant 30 : i32
    %dma_wait3A_1852 = tpu.memref_slice %arg10[%dma_wait3A_1851] : memref<32x!tpu.dma_semaphore, #tpu.memory_space<semaphore_mem>> -> memref<1x!tpu.dma_semaphore, #tpu.memory_space<semaphore_mem>>
    %dma_wait3A_1853 = tpu.memref_squeeze %dma_wait3A_1852 : memref<1x!tpu.dma_semaphore, #tpu.memory_space<semaphore_mem>> -> memref<!tpu.dma_semaphore, #tpu.memory_space<semaphore_mem>>
    %dma_wait3A_1854 = arith.constant 512 : i32
    %dma_wait3A_1855 = arith.constant 0 : i32
    %dma_wait3A_1856 = tpu.memref_slice %arg7[%dma_wait3A_1850, %dma_wait3A_1854, %dma_wait3A_1855] : memref<8x1024x64xf32, #tpu.memory_space<hbm>> -> memref<1x256x64xf32, #tpu.memory_space<hbm>>
    %dma_wait3A_1857 = tpu.memref_squeeze %dma_wait3A_1856 : memref<1x256x64xf32, #tpu.memory_space<hbm>> -> memref<256x64xf32, #tpu.memory_space<hbm>>
    %dma_wait3A_1858 = arith.constant 512 : i32
    %dma_wait3A_1859 = arith.constant 0 : i32
    %dma_wait3A_1860 = tpu.memref_slice %arg8[%dma_wait3A_1849, %dma_wait3A_1858, %dma_wait3A_1859] : memref<8x1024x64xf32, #tpu.memory_space<vmem>> -> memref<1x256x64xf32, #tpu.memory_space<vmem>>
    %dma_wait3A_1861 = tpu.memref_squeeze %dma_wait3A_1860 : memref<1x256x64xf32, #tpu.memory_space<vmem>> -> memref<256x64xf32, #tpu.memory_space<vmem>>
    tpu.wait_dma2 semaphore(%dma_wait3A_1853 : memref<!tpu.dma_semaphore, #tpu.memory_space<semaphore_mem>>) src(%dma_wait3A_1861 : memref<256x64xf32, #tpu.memory_space<vmem>>) dst(%dma_wait3A_1857 : memref<256x64xf32, #tpu.memory_space<hbm>>)
    %dma_wait3A_1862 = arith.constant 7 : i32
    %dma_wait3A_1863 = arith.constant 7 : i32
    %dma_wait3A_1864 = arith.constant 31 : i32
    %dma_wait3A_1865 = tpu.memref_slice %arg10[%dma_wait3A_1864] : memref<32x!tpu.dma_semaphore, #tpu.memory_space<semaphore_mem>> -> memref<1x!tpu.dma_semaphore, #tpu.memory_space<semaphore_mem>>
    %dma_wait3A_1866 = tpu.memref_squeeze %dma_wait3A_1865 : memref<1x!tpu.dma_semaphore, #tpu.memory_space<semaphore_mem>> -> memref<!tpu.dma_semaphore, #tpu.memory_space<semaphore_mem>>
    %dma_wait3A_1867 = arith.constant 768 : i32
    %dma_wait3A_1868 = arith.constant 0 : i32
    %dma_wait3A_1869 = tpu.memref_slice %arg7[%dma_wait3A_1863, %dma_wait3A_1867, %dma_wait3A_1868] : memref<8x1024x64xf32, #tpu.memory_space<hbm>> -> memref<1x256x64xf32, #tpu.memory_space<hbm>>
    %dma_wait3A_1870 = tpu.memref_squeeze %dma_wait3A_1869 : memref<1x256x64xf32, #tpu.memory_space<hbm>> -> memref<256x64xf32, #tpu.memory_space<hbm>>
    %dma_wait3A_1871 = arith.constant 768 : i32
    %dma_wait3A_1872 = arith.constant 0 : i32
    %dma_wait3A_1873 = tpu.memref_slice %arg8[%dma_wait3A_1862, %dma_wait3A_1871, %dma_wait3A_1872] : memref<8x1024x64xf32, #tpu.memory_space<vmem>> -> memref<1x256x64xf32, #tpu.memory_space<vmem>>
    %dma_wait3A_1874 = tpu.memref_squeeze %dma_wait3A_1873 : memref<1x256x64xf32, #tpu.memory_space<vmem>> -> memref<256x64xf32, #tpu.memory_space<vmem>>
    tpu.wait_dma2 semaphore(%dma_wait3A_1866 : memref<!tpu.dma_semaphore, #tpu.memory_space<semaphore_mem>>) src(%dma_wait3A_1874 : memref<256x64xf32, #tpu.memory_space<vmem>>) dst(%dma_wait3A_1870 : memref<256x64xf32, #tpu.memory_space<hbm>>)
    return
  }
}

</mosaic_0001>

<sc_bundles>
// kernel: kernel.4.cloned.1.call-start
scs
__scs_entry_jumppad:
0x0: {  	(pc) =	sbr.rel $0x88, $3  }
0x1: {  	(tag) =	ssettag $0x0;
	lr =	simm.s32 $0x1  }
0x2: {  	[smem:$0x3F9B] =	sst lr;
	_ =	strace $0xD0000000  }
0x3: {  	_ = 	snop  }
0x4: {  	_ = 	snop  }
0x5: {  	_ = 	snop  }
0x6: {  	_ = 	snop  }
0x7: {  	_ = 	snop  }
__scs_overlays_trampoline_lowered:
0x8: {  	[smem:$0x3FAA] =	sst s0  }
0x9: {  	[smem:$0x3FAB] =	sst s1  }
0xa: {  	[smem:$0x3FAC] =	sst s2  }
0xb: {  	[smem:$0x3FAD] =	sst s3  }
0xc: {  	[smem:$0x3FAE] =	sst s4  }
0xd: {  	[smem:$0x3FAF] =	sst s5  }
0xe: {  	[smem:$0x3FB0] =	sst s6  }
0xf: {  	[smem:$0x3FB1] =	sst s7  }
0x10: {  	[smem:$0x3FB2] =	sst s8  }
0x11: {  	[smem:$0x3FB3] =	sst s9;
	s0 =	simm.s32 @!p0 $0x0  }
0x12: {  	s1 =	sld [smem:$0x3F99];
	s0 =	simm.s32 @p0 $0x1  }
0x13: {  	[smem:$0x3FB4] =	sst s0;
	s0 =	simm.s32 @!p1 $0x0  }
0x14: {  	s2 =	sld [smem:$0x3F98];
	s0 =	simm.s32 @p1 $0x1  }
0x15: {  	[smem:$0x3FB5] =	sst s0;
	s0 =	simm.s32 @!p2 $0x0  }
0x16: {  	s3 =	sld [smem:$0x3FDB];
	s0 =	simm.s32 @p2 $0x1  }
0x17: {  	s4 =	simm.s32 $0x1BF5;
	[smem:$0x3FB7] =	sst s0  }
0x18: {  	s0 =	sld [smem:$0x3F9A];
	_ =	swait.ge [sflag:s4], $0x0  }
0x19: {  	s7 =	sld [smem:$0x3F9B]  }
0x1a: {  	s8 =	sadd.s32 $0xFFFFE003, lr  }
0x1b: {  	s9 =	sadd.s32 $0xFFFFFEF7, lr;
	s5 =	simm.s32 $0xFFFFFFFF;
	p2 =	slt.u32 s8, $0xFFFFF086  }
0x1c: {  	p1 =	slt.u32 s9, $0xF7A;
	s5 =	simm.s32 @!p2 $0x0  }
0x1d: {  	s5 =	simm.s32 @p1 $0x1;
	p0 =	seq.s32 s7, s2  }
0x1e: {  	s7 =	smul.u32 @!p0 $0xF7A, s2;
	p2 =	seq.s32 @!p0 s5, $0x0  }
0x1f: {  	s9 =	smul.u32 $0xF7A, s1;
	s8 =	simm.s32 @!p0 $0x1BF5;
	p2 =	por !p2, p0  }
0x20: {  	[sflag:s8] =	ssyncset.s32 @!p0 $0xFFFFF086;
	s6 =	sadd.s32 @!p0 s3, s7;
	s7 =	simm.s32 @!p0 $0x108  }
0x21: {  	s3 =	sadd.s32 s3, s9;
	s6 =	sadd.s32 @!p0 $0x88, s6;
	s7 =	simm.s32 @p2 $0x1082  }
0x22: {  	[simem:s7], [sflag:s8] =	dma.local @!p0 [hbm:s6], $0xF7A  }
0x23: {  	s9 =	sor.u32 $0xD0000000, s2;
	s6 =	simm.s32 $0x108;
	_ =	swait.ge @!p0 [sflag:s8], $0x0  }
0x24: {  	s3 =	sadd.s32 $0x88, s3;
	s6 =	simm.s32 @!p1 $0x1082;
	[sflag:s4] =	ssyncset.s32 $0xFFFFF086  }
0x25: {  	[simem:s6], [sflag:s4] =	dma.local [hbm:s3], $0xF7A  }
0x26: {  	[smem:$0x3F9B] =	sst s1;
	(tag) =	ssettag s2;
	_ =	strace s9  }
0x27: {  	s1 =	sld [smem:$0x3FAB]  }
0x28: {  	s2 =	sld [smem:$0x3FAC]  }
0x29: {  	s4 =	sld [smem:$0x3FAE]  }
0x2a: {  	p0 =	seq.s32 s5, $0x0;
	s5 =	sld [smem:$0x3FAF]  }
0x2b: {  	s6 =	sld [smem:$0x3FB0]  }
0x2c: {  	s7 =	sld [smem:$0x3FB1]  }
0x2d: {  	s3 =	simm.s32 $0x108;
	s8 =	sld [smem:$0x3FB2]  }
0x2e: {  	s3 =	simm.s32 @!p0 $0x1082;
	s9 =	sld [smem:$0x3FB3]  }
0x2f: {  	lr =	sadd.s32 s0, s3;
	s0 =	sld [smem:$0x3FAA]  }
0x30: {  	s3 =	sld [smem:$0x3FAD]  }
0x31: {  	[smem:$0x3FB6] =	sst s10  }
0x32: {  	s10 =	sld [smem:$0x3FB4];
	_ =	sdelay $0x3  }
0x33: {  	p0 =	seq.s32 s10, $0x1;
	s10 =	sld [smem:$0x3FB6];
	_ =	sdelay $0x3  }
0x34: {  	[smem:$0x3FB6] =	sst s10  }
0x35: {  	s10 =	sld [smem:$0x3FB5];
	_ =	sdelay $0x3  }
0x36: {  	p1 =	seq.s32 s10, $0x1;
	s10 =	sld [smem:$0x3FB6];
	_ =	sdelay $0x3  }
0x37: {  	[smem:$0x3FB6] =	sst s10  }
0x38: {  	s10 =	sld [smem:$0x3FB7]  }
0x39: {  	_ = 	snop;
	(pc) =	sbr.ind lr, $3  }
0x3a: {  	_ = 	snop  }
0x3b: {  	_ = 	snop  }
0x3c: {  	p2 =	seq.s32 s10, $0x1;
	s10 =	sld [smem:$0x3FB6]  }
0x3d: {  	_ =	shalt  }
0x3e: {  	_ =	shalt  }
0x3f: {  	_ =	shalt  }
0x40: {  	_ =	shalt  }
0x41: {  	_ =	shalt  }
0x42: {  	_ =	shalt  }
0x43: {  	_ =	shalt  }
0x44: {  	_ =	shalt  }
0x45: {  	_ =	shalt  }
0x46: {  	_ =	shalt  }
0x47: {  	_ =	shalt  }
0x48: {  	_ =	shalt  }
0x49: {  	_ =	shalt  }
0x4a: {  	_ =	shalt  }
0x4b: {  	_ =	shalt  }
0x4c: {  	_ =	shalt  }
0x4d: {  	_ =	shalt  }
0x4e: {  	_ =	shalt  }
0x4f: {  	_ =	shalt  }
0x50: {  	_ =	shalt  }
0x51: {  	_ =	shalt  }
0x52: {  	_ =	shalt  }
0x53: {  	_ =	shalt  }
0x54: {  	_ =	shalt  }
0x55: {  	_ =	shalt  }
0x56: {  	_ =	shalt  }
0x57: {  	_ =	shalt  }
0x58: {  	_ =	shalt  }
0x59: {  	_ =	shalt  }
0x5a: {  	_ =	shalt  }
0x5b: {  	_ =	shalt  }
0x5c: {  	_ =	shalt  }
0x5d: {  	_ =	shalt  }
0x5e: {  	_ =	shalt  }
0x5f: {  	_ =	shalt  }
0x60: {  	_ =	shalt  }
0x61: {  	_ =	shalt  }
0x62: {  	_ =	shalt  }
0x63: {  	_ =	shalt  }
0x64: {  	_ =	shalt  }
0x65: {  	_ =	shalt  }
0x66: {  	_ =	shalt  }
0x67: {  	_ =	shalt  }
0x68: {  	_ =	shalt  }
0x69: {  	_ =	shalt  }
0x6a: {  	_ =	shalt  }
0x6b: {  	_ =	shalt  }
0x6c: {  	_ =	shalt  }
0x6d: {  	_ =	shalt  }
0x6e: {  	_ =	shalt  }
0x6f: {  	_ =	shalt  }
0x70: {  	_ =	shalt  }
0x71: {  	_ =	shalt  }
0x72: {  	_ =	shalt  }
0x73: {  	_ =	shalt  }
0x74: {  	_ =	shalt  }
0x75: {  	_ =	shalt  }
0x76: {  	_ =	shalt  }
0x77: {  	_ =	shalt  }
0x78: {  	_ =	shalt  }
0x79: {  	_ =	shalt  }
0x7a: {  	_ =	shalt  }
0x7b: {  	_ =	shalt  }
0x7c: {  	_ =	shalt  }
0x7d: {  	_ =	shalt  }
0x7e: {  	_ =	shalt  }
0x7f: {  	_ =	shalt  }
0x80: {  	_ =	shalt  }
0x81: {  	_ =	shalt  }
0x82: {  	_ =	shalt  }
0x83: {  	_ =	shalt  }
0x84: {  	_ =	shalt  }
0x85: {  	_ =	shalt  }
0x86: {  	_ =	shalt  }
0x87: {  	_ =	shalt  }
.Lfunc_end0:
.L_simem_size_0:
called_computation_lowered:
.L_overlay_start_0:
0x88: {  	s2 =	sld [smem:$0x3FD9]  }
0x89: {  	s3 =	sld [smem:$0x3FFE];
	_ =	sdelay $0x1  }
0x8a: {  	s1 =	srdreg.scid  }
0x8b: {  	s0 =	sand.u32 $0x1, s1  }
0x8c: {  	s17 =	sshll.u32 s0, $0xA;
	s2 =	sadd.s32 s3, s2  }
0x8d: {  	s2 =	sadd.s32 s2, s17  }
0x8e: {  	[smem:$0x3FC2] =	sst s2  }
0x8f: {  	_ = 	snop  }
0x90: {  	s2 =	sld [smem:$0x3FD0];
	(tm) =	ssettm $0x1  }
0x91: {  	s18 =	sld [smem:$0x3FFB];
	_ =	sdelay $0x3  }
0x92: {  	_ =	strace s18  }
0x93: {  	s3 =	sld [smem:$0x3FFC];
	_ =	sdelay $0x3  }
0x94: {  	_ =	strace s3  }
0x95: {  	s3 =	sld [smem:$0x3FFD];
	_ =	sdelay $0x3  }
0x96: {  	_ =	strace s3  }
0x97: {  	_ =	strace $0x8FFFFFFF  }
0x98: {  	s19 =	sld [smem:$0x3FDB];
	_ =	sdelay $0x1  }
0x99: {  	s4 =	simm.s32 $_scs_section_size  }
0x9a: {  	s5 =	simm.s32 $_size__tile_overlayer_lowered;
	s6 =	simm.s32 $_tile_overlayer_lowered  }
0x9b: {  	s22 =	simm.s32 $0x1BFF;
	s21 =	sshll.u32 s6, $0x1;
	s3 =	sadd.s32 s4, s19  }
0x9c: {  	s7 =	simm.s32 $0x0;
	s20 =	sshll.u32 s5, $0x1;
	s5 =	sadd.s32 s21, s3  }
0x9d: {  	[timem:s7], [sflag:s22] =	dma.local [hbm:s5], s20  }
0x9e: {  	_ =	swait.ge [sflag:s22], s20  }
0x9f: {  	s4 =	ssub.s32 $0x0, s20;
	[sflag:s22] =	ssyncset.done $0x0  }
0xa0: {  	[sflag:s22] =	ssyncadd.s32 s4;
	_ =	sdelay $0x1  }
0xa1: {  	s23 =	simm.s32 $0x1B8B  }
0xa2: {  	_ =	swait.ge [sflag:s23], $0x1  }
0xa3: {  	[sflag:s23] =	ssyncset.done $0x0  }
0xa4: {  	s25 =	simm.s32 $0x1B8E;
	s24 =	sld [smem:$0x3FFE];
	[sflag:s23] =	ssyncadd.s32 $0xFFFFFFFF  }
0xa5: {  	s26 =	simm.s32 $execute0_lowered;
	[smem:$0x3FD2] =	sst s25  }
0xa6: {  	s5 =	sshll.u32 s26, $0x1;
	_ =	strace $0x80000046;
	[dreg:$0x1] =	wrdreg $0xFFFFFFFF  }
0xa7: {  	s28 =	simm.s32 $_size_execute0_lowered;
	s3 =	sadd.s32 s3, s5;
	[dreg:$0x0] =	wrdreg $0x0  }
0xa8: {  	s5 =	sshll.u32 s28, $0x1;
	[dreg:$0x2] =	wrdreg s3  }
0xa9: {  	[dreg:$0x3] =	wrdreg s5  }
0xaa: {  	[dreg:$0x4] =	wrdreg $0xC0  }
0xab: {  	_ =	task [dreg:s7], $0x5FFFF  }
0xac: {  	[dreg:$0x1] =	wrdreg $0xFFFFFFFF  }
0xad: {  	[dreg:$0x0] =	wrdreg $0x60  }
0xae: {  	[dreg:$0x2] =	wrdreg s24  }
0xaf: {  	[dreg:$0x3] =	wrdreg s2  }
0xb0: {  	[dreg:$0x4] =	wrdreg $0x9  }
0xb1: {  	_ =	task.clear_ibuf [dreg:s7], $0x5FFFF;
	_ =	strace $0x90000046  }
0xb2: {  	s29 =	simm.s32 $0x9;
	_ =	strace $0x80000048  }
0xb3: {  	_ =	swait.ge [sflag:s29], $0x1  }
0xb4: {  	[sflag:s29] =	ssyncadd.s32 $0xFFFFFFFF  }
0xb5: {  	_ =	strace $0x90000048  }
0xb6: {  	_ =	sfence  }
0xb7: {  	s30 =	sld [smem:$0x0];
	_ =	sdelay $0x2  }
0xb8: {  	s31 =	sshll.u32 s1, $0xD;
	s1 =	sshrl.u32 s1, $0x2  }
0xb9: {  	s3 =	sand.u32 $0x4000, s31;
	s1 =	sadd.s32 s1, s30  }
0xba: {  	s0 =	sor.u32 s3, s0;
	s1 =	sshll.u32 s1, $0x11  }
0xbb: {  	s0 =	sor.u32 s1, s0  }
0xbc: {  	s0 =	sadd.s32 $0x8F2B, s0  }
0xbd: {  	[sflag:s0] =	ssyncadd.remote.s32 $0x1  }
0xbe: {  	_ =	sfence.sel $0xFFFF  }
0xbf: {  	[dreg:$0x0] =	wrdreg $0xFFFFFFFF;
	(pc) =	sbr.abs _section_cstart, $3  }
0xc0: {  	[dreg:$0x1] =	wrdreg $0xFFFFFFFF  }
0xc1: {  	_ =	task.clear_ibuf [dreg:s7], $0x2FFFF;
	_ =	strace $0x9FFFFFFF  }
0xc2: {  	(tm) =	ssettm $0x7FFFFFFF  }
0xc3: {  	_ =	shalt  }
tec
execute0_lowered:
.L_overlay_start_1:
0x0: {  	(tag) =	ssettag $0x1  }
0x1: {  	s3 =	rddreg [dreg:$0x0]  }
0x2: {  	s4 =	rddreg [dreg:$0x1]  }
0x3: {  	s0 =	rddreg [dreg:$0x2]  }
0x4: {  	s2 =	simm.s32 $0x0;
	s1 =	stileid.u32;
	s5 =	srdreg.scid  }
0x5: {  	[smem:$0x7FF] =	sst s2;
	s5 =	sand.u32 $0x1, s5;
	s6 =	sshll.u32 s1, $0x1  }
0x6: {  	s7 =	sshll.u32 s1, $0xD;
	_ =	strace $0x80000047;
	s6 =	sor.u32 s5, s6  }
0x7: {  	s7 =	sand.u32 $0x1C000, s7;
	s5 =	ssub.s32 $0x2, s5;
	s8 =	sshll.u32 s6, $0xC  }
0x8: {  	s3 =	sadd.s32 s7, s3;
	s31 =	sshrl.u32 s5, $0x1;
	s6 =	sshll.u32 s6, $0x4  }
0x9: {  	s7 =	simm.s32 $0x8000;
	s8 =	sand.u32 $0x3000, s8;
	s5 =	ssub.s32 s5, s31  }
0xa: {  	s4 =	sadd.s32 s4, s6;
	s6 =	simm.s32 $0x1;
	s3 =	sadd.s32 s8, s3  }
0xb: {  	s5 =	smax.u32 s5, $0x1;
	s8 =	simm.s32 $0x0;
	s3 =	sadd.s32 $0x1200, s3  }
.LBB2_1:
0xc: {  	[tilespmem:s2], [sflag:$0x1] =	stream.linear.gather [hbm4b:s3+s2], $0x8000, $0x38;
	[tilespmem:$0x8080] =	vst v63  }
0xd: {  	_ =	swait.ge [sflag:s6], $0x8000  }
0xe: {  	[sflag:s6] =	ssyncset.done $0x0  }
0xf: {  	s10 =	simm.s32 $0x200;
	[sflag:s6] =	ssyncadd.s32 $0xFFFF8000  }
0x10: {  	v0 =	vld [tilespmem:s10+$0x180]  }
0x11: {  	v1 =	vld [tilespmem:s10+$0x190]  }
0x12: {  	v2 =	vld [tilespmem:s10+$0x100]  }
0x13: {  	v3 =	vld [tilespmem:s10+$0x110]  }
0x14: {  	v9 =	vld [tilespmem:s10+$0x80]  }
0x15: {  	v12 =	vld [tilespmem:s10+$0x90]  }
0x16: {  	v7 =	vld [tilespmem:s10+$0x0]  }
0x17: {  	v8 =	vld [tilespmem:s10+$0x10]  }
0x18: {  	v5 =	vld [tilespmem:s10+$0xFFFFFF80]  }
0x19: {  	v6 =	vld [tilespmem:s10+$0xFFFFFF90]  }
0x1a: {  	v4 =	vld [tilespmem:s10+$0xFFFFFF00]  }
0x1b: {  	v10 =	vld [tilespmem:s10+$0xFFFFFF10]  }
0x1c: {  	v11 =	vld [tilespmem:s10+$0xFFFFFE80]  }
0x1d: {  	v13 =	vld [tilespmem:s10+$0xFFFFFE90]  }
0x1e: {  	v14 =	vld [tilespmem:s10+$0xFFFFFE00]  }
0x1f: {  	v15 =	vld [tilespmem:s10+$0xFFFFFE10]  }
0x20: {  	v16 =	vld [tilespmem:s10+$0xFFFFFE20]  }
0x21: {  	v17 =	vld [tilespmem:s10+$0xFFFFFE30]  }
0x22: {  	v18 =	vld [tilespmem:s10+$0xFFFFFEA0]  }
0x23: {  	v19 =	vld [tilespmem:s10+$0xFFFFFEB0]  }
0x24: {  	v20 =	vimm.f32 $0.0e+00;
	v21 =	vld [tilespmem:s10+$0xFFFFFF20]  }
0x25: {  	v22 =	vld [tilespmem:s10+$0xFFFFFF30];
	v14 =	vadd.f32 v14, v20;
	v15 =	vadd.f32 v15, v20  }
0x26: {  	v59 =	vld [tilespmem:s10+$0xFFFFFFA0];
	v16 =	vadd.f32 v16, v20;
	v17 =	vadd.f32 v17, v20  }
0x27: {  	v11 =	vadd.f32 v11, v14;
	v13 =	vadd.f32 v13, v15;
	v14 =	vld [tilespmem:s10+$0xFFFFFFB0]  }
0x28: {  	v61 =	vld [tilespmem:s10+$0x20];
	v15 =	vadd.f32 v18, v16;
	v60 =	vadd.f32 v19, v17  }
0x29: {  	v11 =	vadd.f32 v4, v11;
	v10 =	vadd.f32 v10, v13;
	v13 =	vld [tilespmem:s10+$0x30]  }
0x2a: {  	v15 =	vadd.f32 v21, v15;
	v16 =	vadd.f32 v22, v60;
	v4 =	vld [tilespmem:s10+$0xA0]  }
0x2b: {  	v11 =	vadd.f32 v5, v11;
	v10 =	vadd.f32 v6, v10;
	v6 =	vld [tilespmem:s10+$0xB0]  }
0x2c: {  	v15 =	vadd.f32 v59, v15;
	v5 =	vld [tilespmem:s10+$0x120];
	v14 =	vadd.f32 v14, v16  }
0x2d: {  	v62 =	vadd.f32 v7, v11;
	v63 =	vadd.f32 v8, v10;
	v8 =	vld [tilespmem:s10+$0x130]  }
0x2e: {  	v11 =	vadd.f32 v61, v15;
	v7 =	vld [tilespmem:s10+$0x1A0];
	v10 =	vadd.f32 v13, v14  }
0x2f: {  	s9 =	simm.s32 $0x0;
	v13 =	vadd.f32 v9, v62;
	v12 =	vadd.f32 v12, v63;
	v9 =	vld [tilespmem:s10+$0x1B0];
	s10 =	simm.s32 $0x600  }
.LBB2_2:
0x30: {  	v14 =	vld [tilespmem:s10+$0x180];
	v4 =	vadd.f32 v4, v11;
	v6 =	vadd.f32 v6, v10  }
0x31: {  	v10 =	vld [tilespmem:s10+$0x190];
	v11 =	vadd.f32 v2, v13;
	v12 =	vadd.f32 v3, v12  }
0x32: {  	v2 =	vld [tilespmem:s10+$0x100];
	v4 =	vadd.f32 v5, v4;
	v5 =	vadd.f32 v8, v6  }
0x33: {  	v3 =	vld [tilespmem:s10+$0x110];
	v6 =	vadd.f32 v0, v11;
	v8 =	vadd.f32 v1, v12  }
0x34: {  	v12 =	vld [tilespmem:s10+$0x80];
	v4 =	vadd.f32 v7, v4;
	v5 =	vadd.f32 v9, v5  }
0x35: {  	v9 =	vld [tilespmem:s10+$0x90];
	v0 =	vmov v14  }
0x36: {  	v7 =	vld [tilespmem:s10+$0x0];
	v1 =	vmov v10  }
0x37: {  	v10 =	vld [tilespmem:s10+$0x10]  }
0x38: {  	v11 =	vld [tilespmem:s10+$0xFFFFFF80]  }
0x39: {  	v13 =	vld [tilespmem:s10+$0xFFFFFF90]  }
0x3a: {  	v14 =	vld [tilespmem:s10+$0xFFFFFF00]  }
0x3b: {  	v15 =	vld [tilespmem:s10+$0xFFFFFF10]  }
0x3c: {  	v16 =	vld [tilespmem:s10+$0xFFFFFE80]  }
0x3d: {  	v17 =	vld [tilespmem:s10+$0xFFFFFE90]  }
0x3e: {  	v18 =	vld [tilespmem:s10+$0xFFFFFE00]  }
0x3f: {  	v19 =	vld [tilespmem:s10+$0xFFFFFE10]  }
0x40: {  	v20 =	vld [tilespmem:s10+$0xFFFFFE20]  }
0x41: {  	s9 =	sadd.s32 $0x8, s9;
	v21 =	vld [tilespmem:s10+$0xFFFFFE30]  }
0x42: {  	p0 =	slt.u32 s9, $0xF8;
	v22 =	vld [tilespmem:s10+$0xFFFFFEA0]  }
0x43: {  	v23 =	vld [tilespmem:s10+$0xFFFFFEB0]  }
0x44: {  	v24 =	vld [tilespmem:s10+$0xFFFFFF20]  }
0x45: {  	v6 =	vadd.f32 v18, v6;
	v8 =	vadd.f32 v19, v8;
	v18 =	vld [tilespmem:s10+$0xFFFFFF30]  }
0x46: {  	v4 =	vadd.f32 v20, v4;
	v5 =	vadd.f32 v21, v5;
	v19 =	vld [tilespmem:s10+$0xFFFFFFA0]  }
0x47: {  	v6 =	vadd.f32 v16, v6;
	v8 =	vadd.f32 v17, v8;
	v16 =	vld [tilespmem:s10+$0xFFFFFFB0]  }
0x48: {  	v4 =	vadd.f32 v22, v4;
	v5 =	vadd.f32 v23, v5;
	v17 =	vld [tilespmem:s10+$0x20]  }
0x49: {  	v6 =	vadd.f32 v14, v6;
	v8 =	vadd.f32 v15, v8;
	v14 =	vld [tilespmem:s10+$0x30]  }
0x4a: {  	v15 =	vadd.f32 v24, v4;
	v5 =	vadd.f32 v18, v5;
	v4 =	vld [tilespmem:s10+$0xA0]  }
.Ltmp0:
0x4b: {  	v11 =	vadd.f32 v11, v6;
	v8 =	vadd.f32 v13, v8;
	v6 =	vld [tilespmem:s10+$0xB0];
	(pc) =	sbr.rel @p0 .LBB2_2-.Ltmp0, $4  }
0x4c: {  	v13 =	vadd.f32 v19, v15;
	v15 =	vadd.f32 v16, v5;
	v5 =	vld [tilespmem:s10+$0x120]  }
0x4d: {  	v16 =	vadd.f32 v7, v11;
	v18 =	vadd.f32 v10, v8;
	v8 =	vld [tilespmem:s10+$0x130]  }
0x4e: {  	v11 =	vadd.f32 v17, v13;
	v10 =	vadd.f32 v14, v15;
	v7 =	vld [tilespmem:s10+$0x1A0]  }
0x4f: {  	v13 =	vadd.f32 v12, v16;
	v12 =	vadd.f32 v9, v18;
	v9 =	vld [tilespmem:s10+$0x1B0];
	s10 =	sadd.s32 $0x400, s10  }
0x50: {  	_ = 	snop  }
0x51: {  	v4 =	vadd.f32 v4, v11;
	v2 =	vadd.f32 v2, v13  }
0x52: {  	v6 =	vadd.f32 v6, v10;
	v3 =	vadd.f32 v3, v12  }
0x53: {  	v4 =	vadd.f32 v5, v4;
	v0 =	vadd.f32 v0, v2  }
0x54: {  	v61 =	vadd.f32 v8, v6;
	v1 =	vadd.f32 v1, v3  }
0x55: {  	v62 =	vadd.f32 v7, v4;
	[tilespmem:$0x8000] =	vst v0  }
0x56: {  	s8 =	sadd.s32 $0x1, s8;
	v63 =	vadd.f32 v9, v61;
	[tilespmem:$0x8010] =	vst v1  }
0x57: {  	p0 =	sne.s32 s8, s5;
	[tilespmem:$0x8020] =	vst v62  }
.Ltmp1:
0x58: {  	[tilespmem:$0x8030] =	vst v63;
	(pc) =	sbr.rel @p0 .LBB2_1-.Ltmp1, $4  }
0x59: {  	[hbm4b:s4+s2] =	stream.linear.scatter [tilespmem:s7], [sflag:$0x1], $0x80, $0x38;
	[tilespmem:$0x8080] =	vst v63  }
0x5a: {  	_ =	swait.ge [sflag:s6], $0x80  }
0x5b: {  	[sflag:s6] =	ssyncset.done $0x0  }
0x5c: {  	[sflag:s6] =	ssyncadd.s32 $0xFFFFFF80  }
0x5d: {  	_ =	sfence.sel $0x180000  }
0x5e: {  	[bflag:$0x0] =	sbarrier.arrive $0xFFFF  }
0x5f: {  	p0 =	sne.s32 s1, $0x0;
	_ =	strace $0x90000047  }
0x60: {  	s0 =	sadd.s32 @!p0 $0x100000, s0;
	[bflag:$0x2] =	sbarrier.arrive $0xFFFF  }
0x61: {  	[sflag:s0] =	ssyncadd.tile.s32 @!p0 $0x1;
	_ =	shalt  }
.Lfunc_end2:
_tile_overlayer_lowered:
.L_overlay_start_2:
0x62: {  	(tag) =	ssettag $0x2  }
0x63: {  	s0 =	rddreg [dreg:$0x0];
	s2 =	stileid.u32  }
0x64: {  	s1 =	rddreg [dreg:$0x1];
	p0 =	sne.s32 s2, $0x0  }
0x65: {  	s3 =	rddreg [dreg:$0x2];
	[bflag:$0x3] =	sbarrier.arrive $0xFFFF;
	s2 =	simm.s32 @!p0 $0x1C01  }
0x66: {  	[timem:s3], [sflag:s2] =	dma.local @!p0 [hbm:s0], s1  }
0x67: {  	s0 =	simm.s32 @!p0 $0x1  }
0x68: {  	_ =	swait.ge @!p0 [sflag:s0], s1  }
0x69: {  	s1 =	ssub.s32 @!p0 $0x0, s1;
	[sflag:s0] =	ssyncset.done @!p0 $0x0  }
0x6a: {  	[sflag:s0] =	ssyncadd.s32 @!p0 s1  }
0x6b: {  	[bflag:$0x3] =	sbarrier.arrive $0xFFFF  }
0x6c: {  	_ =	shalt  }

</sc_bundles>
